<compile_context>
chip_gen: v7x
topology: tpu7x:2x2x1
jax: 0.10.2.dev20260603
libtpu: 0.0.44.dev20260713+nightly
codegen_flags: <defaults>
</compile_context>

<pallas_src>
import functools

import jax
import jax.numpy as jnp
from jax import lax
from jax.experimental import pallas as pl
from jax.experimental.pallas import tpu as pltpu
from jax.experimental.pallas import tpu_sc as plsc

N = 10000
E = 320000
NFEAT = 128
NHID = 128
NCLASS = 10
NMEM = 8
NGRAPH = 64

NP = 10240
NCHUNK = E // 128
KBASE = NCHUNK // 32
KREM = NCHUNK % 32
BLK = 400
NBLK = N // BLK

_NEG = -3.0e38


@functools.lru_cache(maxsize=None)
def _make_segsum(W, TW, dtype=jnp.float32):
    npass = TW // W
    rows_per_tile = NP // 16
    stage_rows = N // 16
    lanes = 16 * 4 // jnp.dtype(dtype).itemsize

    mesh = plsc.VectorSubcoreMesh(core_axis_name="c", subcore_axis_name="s")

    @functools.partial(
        pl.kernel,
        out_type=jax.ShapeDtypeStruct((npass, 2, NP, W), dtype),
        mesh=mesh,
        scratch_types=[
            pltpu.VMEM((KBASE + 1, 128), jnp.int32),
            pltpu.VMEM((KBASE + 1, 128), jnp.int32),
            pltpu.VMEM((2, 128, W), dtype),
            pltpu.VMEM_SHARED((NP, W), dtype),
            pltpu.VMEM_SHARED((NP, W), dtype),
            pltpu.SemaphoreType.DMA,
            pltpu.SemaphoreType.DMA,
        ],
        compiler_params=pltpu.CompilerParams(use_tc_tiling_on_sc=False),
    )
    def segsum(table_hbm, edge_hbm, out_hbm, src_v, dst_v, rows_v, tab_sh,
               acc_sh, sem0, sem1):
        cid = lax.axis_index("c")
        sid = lax.axis_index("s")
        tid = cid * 16 + sid
        base = tid * KBASE + jnp.minimum(tid, KREM)
        K = KBASE + jnp.where(tid < KREM, 1, 0)

        pltpu.sync_copy(edge_hbm.at[pl.ds(base, KBASE)],
                        src_v.at[pl.ds(0, KBASE)])
        pltpu.sync_copy(edge_hbm.at[pl.ds(NCHUNK + base, KBASE)],
                        dst_v.at[pl.ds(0, KBASE)])

        @pl.when(tid < KREM)
        def _extra():
            pltpu.sync_copy(edge_hbm.at[pl.ds(base + KBASE, 1)],
                            src_v.at[pl.ds(KBASE, 1)])
            pltpu.sync_copy(edge_hbm.at[pl.ds(NCHUNK + base + KBASE, 1)],
                            dst_v.at[pl.ds(KBASE, 1)])

        sems = (sem0, sem1)

        def _start(j, b):
            pltpu.async_copy(tab_sh.at[src_v.at[j]], rows_v.at[b], sems[b])

        def _wait(j, b):
            pltpu.make_async_copy(tab_sh.at[src_v.at[j]], rows_v.at[b],
                                  sems[b]).wait()

        def _scat(j, b):
            pltpu.sync_copy(rows_v.at[b], acc_sh.at[dst_v.at[j]], add=True)

        for p in range(npass):
            def _zrow(r, _):
                for j in range(W // lanes):
                    rows_v[0, r, pl.ds(j * lanes, lanes)] = jnp.zeros(
                        (lanes,), dtype)
                return 0
            lax.fori_loop(0, 128, _zrow, 0)
            for kk in range(rows_per_tile // 128):
                pltpu.sync_copy(
                    rows_v.at[0],
                    acc_sh.at[pl.ds(sid * rows_per_tile + kk * 128, 128)])
            pltpu.sync_copy(
                table_hbm.at[pl.ds(sid * stage_rows, stage_rows),
                             pl.ds(p * W, W)],
                tab_sh.at[pl.ds(sid * stage_rows, stage_rows)])
            plsc.subcore_barrier()

            _start(0, 0)

            def _body(i, _):
                jj = 2 * i
                _start(jj + 1, 1)
                _wait(jj, 0)
                _scat(jj, 0)

                @pl.when(jj + 2 < K)
                def _n0():
                    _start(jj + 2, 0)
                _wait(jj + 1, 1)
                _scat(jj + 1, 1)

                @pl.when(jj + 3 < K)
                def _n1():
                    _start(jj + 3, 1)
                return 0
            lax.fori_loop(0, KBASE // 2, _body, 0)

            @pl.when(K > KBASE)
            def _tail():
                _wait(KBASE, 0)
                _scat(KBASE, 0)

            plsc.subcore_barrier()
            pltpu.sync_copy(
                acc_sh.at[pl.ds(sid * rows_per_tile, rows_per_tile)],
                out_hbm.at[p, cid, pl.ds(sid * rows_per_tile, rows_per_tile)])

    return segsum


def _pre_body(x_ref, w_ref, b_ref, o_ref, ob_ref):
    r = jnp.dot(x_ref[...], w_ref[...],
                preferred_element_type=jnp.float32) + b_ref[...]
    o_ref[...] = r
    ob_ref[...] = r.astype(jnp.bfloat16)


def _tc_pre(x, W_pre, b_pre):
    return pl.pallas_call(
        _pre_body,
        grid=(NBLK,),
        in_specs=[
            pl.BlockSpec((BLK, NFEAT), lambda i: (i, 0)),
            pl.BlockSpec((NFEAT, NHID), lambda i: (0, 0)),
            pl.BlockSpec((1, NHID), lambda i: (0, 0)),
        ],
        out_specs=[pl.BlockSpec((BLK, NHID), lambda i: (i, 0)),
                   pl.BlockSpec((BLK, NHID), lambda i: (i, 0))],
        out_shape=[jax.ShapeDtypeStruct((N, NHID), jnp.float32),
                   jax.ShapeDtypeStruct((N, NHID), jnp.bfloat16)],
    )(x, W_pre, b_pre)


def _softmax8(t):
    m = jnp.max(t, axis=-1, keepdims=True)
    e = jnp.exp(t - m)
    return e / jnp.sum(e, axis=-1, keepdims=True)


def _layer0_body(h_ref, p0_ref, p1_ref,
                 w1_ref, b1_ref, w2_ref, b2_ref, mem_ref, o_ref):
    agg = (p0_ref[0, 0].astype(jnp.float32)
           + p1_ref[0, 0].astype(jnp.float32))
    z = jnp.concatenate([h_ref[...], agg], axis=1)
    z = jnp.maximum(jnp.dot(z, w1_ref[...],
                            preferred_element_type=jnp.float32) + b1_ref[...],
                    0.0)
    z = jnp.dot(z, w2_ref[...], preferred_element_type=jnp.float32) + b2_ref[...]
    z = jnp.maximum(z, 0.0)
    t = lax.dot_general(z, mem_ref[...], (((1,), (1,)), ((), ())),
                        preferred_element_type=jnp.float32)
    s = _softmax8(t)
    o_ref[...] = jnp.concatenate([s, jnp.zeros_like(s)], axis=1)


def _tc_layer0(h, p, W1, b1, W2, b2, mem):
    return pl.pallas_call(
        _layer0_body,
        grid=(NBLK,),
        in_specs=[
            pl.BlockSpec((BLK, NHID), lambda i: (i, 0)),
            pl.BlockSpec((1, 1, BLK, NHID), lambda i: (0, 0, i, 0)),
            pl.BlockSpec((1, 1, BLK, NHID), lambda i: (0, 1, i, 0)),
            pl.BlockSpec((2 * NHID, NHID), lambda i: (0, 0)),
            pl.BlockSpec((1, NHID), lambda i: (0, 0)),
            pl.BlockSpec((NHID, NHID), lambda i: (0, 0)),
            pl.BlockSpec((1, NHID), lambda i: (0, 0)),
            pl.BlockSpec((NMEM, NHID), lambda i: (0, 0)),
        ],
        out_specs=pl.BlockSpec((BLK, 16), lambda i: (i, 0)),
        out_shape=jax.ShapeDtypeStruct((N, 16), jnp.float32),
    )(h, p, p, W1, b1, W2, b2, mem)


def _final_body(s0_ref, q0_ref, q1_ref, bat_ref, mem0_ref, w1_ref, b1_ref,
                w2_ref, b2_ref, mem1_ref, wl_ref, bl_ref, o_ref,
                max_ref, sum_ref, cnt_ref):
    i = pl.program_id(0)

    @pl.when(i == 0)
    def _init():
        max_ref[...] = jnp.full_like(max_ref, _NEG)
        sum_ref[...] = jnp.zeros_like(sum_ref)
        cnt_ref[...] = jnp.zeros_like(cnt_ref)

    s0 = s0_ref[...][:, :NMEM]
    a8 = (q0_ref[0, 0] + q1_ref[0, 0])[:, :NMEM]
    mem0 = mem0_ref[...]
    h1 = jnp.dot(s0, mem0, preferred_element_type=jnp.float32)
    agg1 = jnp.dot(a8, mem0, preferred_element_type=jnp.float32)
    z = jnp.concatenate([h1, agg1], axis=1)
    z = jnp.maximum(jnp.dot(z, w1_ref[...],
                            preferred_element_type=jnp.float32) + b1_ref[...],
                    0.0)
    z = jnp.dot(z, w2_ref[...], preferred_element_type=jnp.float32) + b2_ref[...]
    z = jnp.maximum(z, 0.0)
    t = lax.dot_general(z, mem1_ref[...], (((1,), (1,)), ((), ())),
                        preferred_element_type=jnp.float32)
    s1 = _softmax8(t)
    h2 = jnp.dot(s1, mem1_ref[...], preferred_element_type=jnp.float32)
    hcat = jnp.concatenate([h1, h2], axis=1)

    bat = bat_ref[...]
    Pf = (lax.broadcasted_iota(jnp.int32, (BLK, NGRAPH), 1) == bat
          ).astype(jnp.float32)
    sum_ref[...] += lax.dot_general(Pf, hcat, (((0,), (0,)), ((), ())),
                                    preferred_element_type=jnp.float32)
    cnt_ref[...] += lax.dot_general(
        Pf, jnp.ones((BLK, 128), jnp.float32), (((0,), (0,)), ((), ())),
        preferred_element_type=jnp.float32)

    gmin = jnp.min(bat)
    gmax = jnp.max(bat)

    def _upd(g, _):
        m = jnp.max(jnp.where(bat == g, hcat, _NEG), axis=0, keepdims=True)
        max_ref[pl.ds(g, 1), :] = jnp.maximum(max_ref[pl.ds(g, 1), :], m)
        return 0
    lax.fori_loop(gmin, gmax + 1, _upd, 0)

    @pl.when(i == NBLK - 1)
    def _fin():
        out1 = max_ref[...]
        out1 = jnp.where(out1 > _NEG * 0.5, out1, 0.0)
        cnt = cnt_ref[...][:, 0:1]
        out2 = sum_ref[...] / jnp.maximum(cnt, 1.0)
        gfeat = jnp.concatenate([out1, out2], axis=1)
        logits = jnp.dot(gfeat, wl_ref[...],
                         preferred_element_type=jnp.float32) + bl_ref[...]
        m = jnp.max(logits, axis=-1, keepdims=True)
        lse = m + jnp.log(jnp.sum(jnp.exp(logits - m), axis=-1, keepdims=True))
        o_ref[...] = logits - lse


def _tc_final(s0p, q, batp, mem0, W1, b1, W2, b2, mem1, Wl, bl):
    return pl.pallas_call(
        _final_body,
        grid=(NBLK,),
        in_specs=[
            pl.BlockSpec((BLK, 16), lambda i: (i, 0)),
            pl.BlockSpec((1, 1, BLK, 16), lambda i: (0, 0, i, 0)),
            pl.BlockSpec((1, 1, BLK, 16), lambda i: (0, 1, i, 0)),
            pl.BlockSpec((BLK, 1), lambda i: (i, 0)),
            pl.BlockSpec((NMEM, NHID), lambda i: (0, 0)),
            pl.BlockSpec((2 * NHID, NHID), lambda i: (0, 0)),
            pl.BlockSpec((1, NHID), lambda i: (0, 0)),
            pl.BlockSpec((NHID, NHID), lambda i: (0, 0)),
            pl.BlockSpec((1, NHID), lambda i: (0, 0)),
            pl.BlockSpec((NMEM, NHID), lambda i: (0, 0)),
            pl.BlockSpec((2 * NHID * 2, NCLASS), lambda i: (0, 0)),
            pl.BlockSpec((1, NCLASS), lambda i: (0, 0)),
        ],
        out_specs=pl.BlockSpec((NGRAPH, NCLASS), lambda i: (0, 0)),
        out_shape=jax.ShapeDtypeStruct((NGRAPH, NCLASS), jnp.float32),
        scratch_shapes=[
            pltpu.VMEM((NGRAPH, 256), jnp.float32),
            pltpu.VMEM((NGRAPH, 256), jnp.float32),
            pltpu.VMEM((NGRAPH, 128), jnp.float32),
        ],
    )(s0p, q, q, batp, mem0, W1, b1, W2, b2, mem1, Wl, bl)


def kernel(x, edge_index, batch, W_pre, b_pre, W1_0, b1_0, W2_0, b2_0, mem_0,
           W1_1, b1_1, W2_1, b2_1, mem_1, W_lin, b_lin):
    edge2d = edge_index.reshape(2 * NCHUNK, 128)
    batp = batch.reshape(N, 1).astype(jnp.int32)

    h, h_bf = _tc_pre(x, W_pre, b_pre.reshape(1, NHID))
    p = _make_segsum(128, 128, jnp.bfloat16)(h_bf, edge2d)
    s0p = _tc_layer0(h, p, W1_0, b1_0.reshape(1, NHID),
                     W2_0, b2_0.reshape(1, NHID), mem_0)
    q = _make_segsum(16, 16)(s0p, edge2d)
    return _tc_final(s0p, q, batp, mem_0,
                     W1_1, b1_1.reshape(1, NHID), W2_1, b2_1.reshape(1, NHID),
                     mem_1, W_lin, b_lin.reshape(1, NCLASS))

# --- scband reference (transcript-rebuilt; emitter-appended) ---
"""Pipeline reference for scband-struct-graph-gnn-5471788335203 (READ-ONLY COPY).

The authoritative reference and input builder live on the scoring server;
editing this copy changes nothing except your own understanding.
"""

import jax, jax.numpy as jnp
import numpy as np

N = 10000
E = 320000
NFEAT = 128
NHID = 128
NCLASS = 10
NMEM = 8
NGRAPH = 64

def _lin_init(k, fin, fout):
    s = 1.0 / np.sqrt(fin)
    kw, kb = jax.random.split(k)
    W = jax.random.uniform(kw, (fin, fout), minval=-s, maxval=s, dtype=jnp.float32)
    b = jax.random.uniform(kb, (fout,), minval=-s, maxval=s, dtype=jnp.float32)
    return W, b

def setup_inputs(seed: int = 0):
    key = jax.random.key(seed)
    ks = jax.random.split(key, 12)
    x = jax.random.normal(ks[0], (N, NFEAT), dtype=jnp.float32)
    edge_index = jax.random.randint(ks[1], (2, E), 0, N, dtype=jnp.int32)
    batch = jnp.sort(jnp.concatenate([jnp.arange(NGRAPH, dtype=jnp.int32), jax.random.randint(ks[2], (N - NGRAPH,), 0, NGRAPH, dtype=jnp.int32)]))
    W_pre, b_pre = _lin_init(ks[3], NFEAT, NHID)
    W1_0, b1_0 = _lin_init(ks[4], 2 * NHID, NHID)
    W2_0, b2_0 = _lin_init(ks[5], NHID, NHID)
    mem_0 = jax.random.normal(ks[6], (NMEM, NHID), dtype=jnp.float32)
    W1_1, b1_1 = _lin_init(ks[7], 2 * NHID, NHID)
    W2_1, b2_1 = _lin_init(ks[8], NHID, NHID)
    mem_1 = jax.random.normal(ks[9], (NMEM, NHID), dtype=jnp.float32)
    W_lin, b_lin = _lin_init(ks[10], NHID * 2 * 2, NCLASS)
    return dict(x=x, edge_index=edge_index, batch=batch, W_pre=W_pre, b_pre=b_pre,
                W1_0=W1_0, b1_0=b1_0, W2_0=W2_0, b2_0=b2_0, mem_0=mem_0,
                W1_1=W1_1, b1_1=b1_1, W2_1=W2_1, b2_1=b2_1, mem_1=mem_1,
                W_lin=W_lin, b_lin=b_lin)

def reference(x, edge_index, batch, W_pre, b_pre, W1_0, b1_0, W2_0, b2_0, mem_0,
              W1_1, b1_1, W2_1, b2_1, mem_1, W_lin, b_lin):
    src = edge_index[0]
    dst = edge_index[1]
    h = x @ W_pre + b_pre
    xs = []
    for (W1, b1, W2, b2, mem) in ((W1_0, b1_0, W2_0, b2_0, mem_0), (W1_1, b1_1, W2_1, b2_1, mem_1)):
        agg = jax.ops.segment_sum(h[src], dst, num_segments=N)
        z = jnp.concatenate([h, agg], axis=-1)
        z = jax.nn.relu(z @ W1 + b1) @ W2 + b2
        z = jax.nn.relu(z)
        s = jax.nn.softmax(z @ mem.T, axis=-1)
        h = s @ mem
        xs.append(h)
    hcat = jnp.concatenate(xs, axis=-1)
    out1 = jax.ops.segment_max(hcat, batch, num_segments=NGRAPH)
    out1 = jnp.where(jnp.isfinite(out1), out1, 0.0)
    cnt = jax.ops.segment_sum(jnp.ones((N, 1), jnp.float32), batch, num_segments=NGRAPH)
    out2 = jax.ops.segment_sum(hcat, batch, num_segments=NGRAPH) / jnp.maximum(cnt, 1.0)
    g = jnp.concatenate([out1, out2], axis=-1)
    logits = g @ W_lin + b_lin
    return jax.nn.log_softmax(logits, axis=1)

if __name__ == "__main__":
    import jax
    _d = setup_inputs()
    print(jax.jit(kernel)(*tuple(_d.values())))

</pallas_src>

<mosaic_0001>
#map = affine_map<(d0, d1) -> (0, 0)>
#map1 = affine_map<(d0, d1) -> (0, 0, 0, 0)>
module attributes {stable_mosaic.version = 14 : i64} {
  func.func @segsum(%arg0: i32, %arg1: i32, %arg2: memref<10000x16xf32, #tpu.memory_space<hbm>>, %arg3: memref<5000x128xi32, #tpu.memory_space<hbm>>, %arg4: memref<1x2x10240x16xf32, #tpu.memory_space<hbm>>, %arg5: memref<79x128xi32, #tpu.memory_space<vmem>>, %arg6: memref<79x128xi32, #tpu.memory_space<vmem>>, %arg7: memref<2x128x16xf32, #tpu.memory_space<vmem>>, %arg8: memref<10240x16xf32, #tpu.memory_space<vmem_shared>>, %arg9: memref<10240x16xf32, #tpu.memory_space<vmem_shared>>, %arg10: memref<!tpu.dma_semaphore, #tpu.memory_space<semaphore_mem>>, %arg11: memref<!tpu.dma_semaphore, #tpu.memory_space<semaphore_mem>>) attributes {dimension_semantics = [#tpu.dimension_semantics<core_parallel>, #tpu.dimension_semantics<subcore_parallel>], iteration_bounds = array<i64: 2, 16>, scalar_prefetch = 0 : i64, scratch_operands = 7 : i64, tpu.core_type = #tpu.core_type<sc_vector_subcore>, window_params = [{transform_indices = #map}, {transform_indices = #map}, {transform_indices = #map1}]} {
    %mul3A = arith.constant 16 : i32
    %mul3A_0 = arith.muli %arg0, %mul3A : i32
    %add3A = arith.addi %mul3A_0, %arg1 : i32
    %mul3A_1 = arith.constant 78 : i32
    %mul3A_2 = arith.muli %add3A, %mul3A_1 : i32
    %min3A = arith.constant 4 : i32
    %min3A_3 = arith.minsi %add3A, %min3A : i32
    %add3A_4 = arith.addi %mul3A_2, %min3A_3 : i32
    %lt3A = arith.constant 4 : i32
    %lt3A_5 = arith.cmpi slt, %add3A, %lt3A : i32
    %jit3A = arith.constant 1 : i32
    %jit3A_6 = arith.constant 0 : i32
    %select_n3A = arith.select %lt3A_5, %jit3A, %jit3A_6 : i32
    %add3A_7 = arith.constant 78 : i32
    %add3A_8 = arith.addi %add3A_7, %select_n3A : i32
    "tpu.region"() ({
      %run_scoped3A_76 = tpu.sem_alloc : memref<!tpu.dma_semaphore, #tpu.memory_space<semaphore_mem>>
      %dma_start3A_77 = arith.constant 0 : i32
      %dma_start3A_78 = arith.constant 0 : i32
      %dma_start3A_79 = tpu.memref_slice %arg5[%dma_start3A_77, %dma_start3A_78] : memref<79x128xi32, #tpu.memory_space<vmem>> -> memref<78x128xi32, #tpu.memory_space<vmem>>
      %dma_start3A_80 = arith.constant 0 : i32
      %dma_start3A_81 = tpu.memref_slice %arg3[%add3A_4, %dma_start3A_80] : memref<5000x128xi32, #tpu.memory_space<hbm>> -> memref<78x128xi32, #tpu.memory_space<hbm>>
      %dma_start3A_82 = arith.constant 0 : i32
      %dma_start3A_83 = arith.constant 0 : i32
      %dma_start3A_84 = tpu.memref_slice %arg5[%dma_start3A_82, %dma_start3A_83] : memref<79x128xi32, #tpu.memory_space<vmem>> -> memref<78x128xi32, #tpu.memory_space<vmem>>
      %dma_start3A_85 = arith.constant 0 : i32
      %dma_start3A_86 = tpu.memref_slice %arg3[%add3A_4, %dma_start3A_85] : memref<5000x128xi32, #tpu.memory_space<hbm>> -> memref<78x128xi32, #tpu.memory_space<hbm>>
      tpu.enqueue_dma source(%dma_start3A_86 : memref<78x128xi32, #tpu.memory_space<hbm>>) target(%dma_start3A_84 : memref<78x128xi32, #tpu.memory_space<vmem>>) target_semaphore(%run_scoped3A_76 : memref<!tpu.dma_semaphore, #tpu.memory_space<semaphore_mem>>)
      %dma_wait3A = arith.constant 0 : i32
      %dma_wait3A_87 = arith.constant 0 : i32
      %dma_wait3A_88 = tpu.memref_slice %arg5[%dma_wait3A, %dma_wait3A_87] : memref<79x128xi32, #tpu.memory_space<vmem>> -> memref<78x128xi32, #tpu.memory_space<vmem>>
      %dma_wait3A_89 = arith.constant 0 : i32
      %dma_wait3A_90 = tpu.memref_slice %arg3[%add3A_4, %dma_wait3A_89] : memref<5000x128xi32, #tpu.memory_space<hbm>> -> memref<78x128xi32, #tpu.memory_space<hbm>>
      %dma_wait3A_91 = arith.constant 0 : i32
      %dma_wait3A_92 = arith.constant 0 : i32
      %dma_wait3A_93 = tpu.memref_slice %arg5[%dma_wait3A_91, %dma_wait3A_92] : memref<79x128xi32, #tpu.memory_space<vmem>> -> memref<78x128xi32, #tpu.memory_space<vmem>>
      %dma_wait3A_94 = arith.constant 0 : i32
      %dma_wait3A_95 = tpu.memref_slice %arg3[%add3A_4, %dma_wait3A_94] : memref<5000x128xi32, #tpu.memory_space<hbm>> -> memref<78x128xi32, #tpu.memory_space<hbm>>
      tpu.wait_dma2 semaphore(%run_scoped3A_76 : memref<!tpu.dma_semaphore, #tpu.memory_space<semaphore_mem>>) src(%dma_wait3A_95 : memref<78x128xi32, #tpu.memory_space<hbm>>) dst(%dma_wait3A_93 : memref<78x128xi32, #tpu.memory_space<vmem>>)
      tpu.yield
    }) : () -> ()
    %add3A_9 = arith.constant 2500 : i32
    %add3A_10 = arith.addi %add3A_9, %add3A_4 : i32
    "tpu.region"() ({
      %run_scoped3A_76 = tpu.sem_alloc : memref<!tpu.dma_semaphore, #tpu.memory_space<semaphore_mem>>
      %dma_start3A_77 = arith.constant 0 : i32
      %dma_start3A_78 = arith.constant 0 : i32
      %dma_start3A_79 = tpu.memref_slice %arg6[%dma_start3A_77, %dma_start3A_78] : memref<79x128xi32, #tpu.memory_space<vmem>> -> memref<78x128xi32, #tpu.memory_space<vmem>>
      %dma_start3A_80 = arith.constant 0 : i32
      %dma_start3A_81 = tpu.memref_slice %arg3[%add3A_10, %dma_start3A_80] : memref<5000x128xi32, #tpu.memory_space<hbm>> -> memref<78x128xi32, #tpu.memory_space<hbm>>
      %dma_start3A_82 = arith.constant 0 : i32
      %dma_start3A_83 = arith.constant 0 : i32
      %dma_start3A_84 = tpu.memref_slice %arg6[%dma_start3A_82, %dma_start3A_83] : memref<79x128xi32, #tpu.memory_space<vmem>> -> memref<78x128xi32, #tpu.memory_space<vmem>>
      %dma_start3A_85 = arith.constant 0 : i32
      %dma_start3A_86 = tpu.memref_slice %arg3[%add3A_10, %dma_start3A_85] : memref<5000x128xi32, #tpu.memory_space<hbm>> -> memref<78x128xi32, #tpu.memory_space<hbm>>
      tpu.enqueue_dma source(%dma_start3A_86 : memref<78x128xi32, #tpu.memory_space<hbm>>) target(%dma_start3A_84 : memref<78x128xi32, #tpu.memory_space<vmem>>) target_semaphore(%run_scoped3A_76 : memref<!tpu.dma_semaphore, #tpu.memory_space<semaphore_mem>>)
      %dma_wait3A = arith.constant 0 : i32
      %dma_wait3A_87 = arith.constant 0 : i32
      %dma_wait3A_88 = tpu.memref_slice %arg6[%dma_wait3A, %dma_wait3A_87] : memref<79x128xi32, #tpu.memory_space<vmem>> -> memref<78x128xi32, #tpu.memory_space<vmem>>
      %dma_wait3A_89 = arith.constant 0 : i32
      %dma_wait3A_90 = tpu.memref_slice %arg3[%add3A_10, %dma_wait3A_89] : memref<5000x128xi32, #tpu.memory_space<hbm>> -> memref<78x128xi32, #tpu.memory_space<hbm>>
      %dma_wait3A_91 = arith.constant 0 : i32
      %dma_wait3A_92 = arith.constant 0 : i32
      %dma_wait3A_93 = tpu.memref_slice %arg6[%dma_wait3A_91, %dma_wait3A_92] : memref<79x128xi32, #tpu.memory_space<vmem>> -> memref<78x128xi32, #tpu.memory_space<vmem>>
      %dma_wait3A_94 = arith.constant 0 : i32
      %dma_wait3A_95 = tpu.memref_slice %arg3[%add3A_10, %dma_wait3A_94] : memref<5000x128xi32, #tpu.memory_space<hbm>> -> memref<78x128xi32, #tpu.memory_space<hbm>>
      tpu.wait_dma2 semaphore(%run_scoped3A_76 : memref<!tpu.dma_semaphore, #tpu.memory_space<semaphore_mem>>) src(%dma_wait3A_95 : memref<78x128xi32, #tpu.memory_space<hbm>>) dst(%dma_wait3A_93 : memref<78x128xi32, #tpu.memory_space<vmem>>)
      tpu.yield
    }) : () -> ()
    %lt3A_11 = arith.constant 4 : i32
    %lt3A_12 = arith.cmpi slt, %add3A, %lt3A_11 : i32
    %convert_element_type3A = arith.extui %lt3A_12 : i1 to i32
    %cond3A = arith.constant 0 : i32
    %cond3A_13 = arith.cmpi ne, %convert_element_type3A, %cond3A : i32
    scf.if %cond3A_13 {
      %add3A_76 = arith.constant 78 : i32
      %add3A_77 = arith.addi %add3A_4, %add3A_76 : i32
      "tpu.region"() ({
        %run_scoped3A_82 = tpu.sem_alloc : memref<!tpu.dma_semaphore, #tpu.memory_space<semaphore_mem>>
        %dma_start3A_83 = arith.constant 78 : i32
        %dma_start3A_84 = arith.constant 0 : i32
        %dma_start3A_85 = tpu.memref_slice %arg5[%dma_start3A_83, %dma_start3A_84] : memref<79x128xi32, #tpu.memory_space<vmem>> -> memref<1x128xi32, #tpu.memory_space<vmem>>
        %dma_start3A_86 = arith.constant 0 : i32
        %dma_start3A_87 = tpu.memref_slice %arg3[%add3A_77, %dma_start3A_86] : memref<5000x128xi32, #tpu.memory_space<hbm>> -> memref<1x128xi32, #tpu.memory_space<hbm>>
        %dma_start3A_88 = arith.constant 78 : i32
        %dma_start3A_89 = arith.constant 0 : i32
        %dma_start3A_90 = tpu.memref_slice %arg5[%dma_start3A_88, %dma_start3A_89] : memref<79x128xi32, #tpu.memory_space<vmem>> -> memref<1x128xi32, #tpu.memory_space<vmem>>
        %dma_start3A_91 = arith.constant 0 : i32
        %dma_start3A_92 = tpu.memref_slice %arg3[%add3A_77, %dma_start3A_91] : memref<5000x128xi32, #tpu.memory_space<hbm>> -> memref<1x128xi32, #tpu.memory_space<hbm>>
        tpu.enqueue_dma source(%dma_start3A_92 : memref<1x128xi32, #tpu.memory_space<hbm>>) target(%dma_start3A_90 : memref<1x128xi32, #tpu.memory_space<vmem>>) target_semaphore(%run_scoped3A_82 : memref<!tpu.dma_semaphore, #tpu.memory_space<semaphore_mem>>)
        %dma_wait3A = arith.constant 78 : i32
        %dma_wait3A_93 = arith.constant 0 : i32
        %dma_wait3A_94 = tpu.memref_slice %arg5[%dma_wait3A, %dma_wait3A_93] : memref<79x128xi32, #tpu.memory_space<vmem>> -> memref<1x128xi32, #tpu.memory_space<vmem>>
        %dma_wait3A_95 = arith.constant 0 : i32
        %dma_wait3A_96 = tpu.memref_slice %arg3[%add3A_77, %dma_wait3A_95] : memref<5000x128xi32, #tpu.memory_space<hbm>> -> memref<1x128xi32, #tpu.memory_space<hbm>>
        %dma_wait3A_97 = arith.constant 78 : i32
        %dma_wait3A_98 = arith.constant 0 : i32
        %dma_wait3A_99 = tpu.memref_slice %arg5[%dma_wait3A_97, %dma_wait3A_98] : memref<79x128xi32, #tpu.memory_space<vmem>> -> memref<1x128xi32, #tpu.memory_space<vmem>>
        %dma_wait3A_100 = arith.constant 0 : i32
        %dma_wait3A_101 = tpu.memref_slice %arg3[%add3A_77, %dma_wait3A_100] : memref<5000x128xi32, #tpu.memory_space<hbm>> -> memref<1x128xi32, #tpu.memory_space<hbm>>
        tpu.wait_dma2 semaphore(%run_scoped3A_82 : memref<!tpu.dma_semaphore, #tpu.memory_space<semaphore_mem>>) src(%dma_wait3A_101 : memref<1x128xi32, #tpu.memory_space<hbm>>) dst(%dma_wait3A_99 : memref<1x128xi32, #tpu.memory_space<vmem>>)
        tpu.yield
      }) : () -> ()
      %add3A_78 = arith.constant 2500 : i32
      %add3A_79 = arith.addi %add3A_78, %add3A_4 : i32
      %add3A_80 = arith.constant 78 : i32
      %add3A_81 = arith.addi %add3A_79, %add3A_80 : i32
      "tpu.region"() ({
        %run_scoped3A_82 = tpu.sem_alloc : memref<!tpu.dma_semaphore, #tpu.memory_space<semaphore_mem>>
        %dma_start3A_83 = arith.constant 78 : i32
        %dma_start3A_84 = arith.constant 0 : i32
        %dma_start3A_85 = tpu.memref_slice %arg6[%dma_start3A_83, %dma_start3A_84] : memref<79x128xi32, #tpu.memory_space<vmem>> -> memref<1x128xi32, #tpu.memory_space<vmem>>
        %dma_start3A_86 = arith.constant 0 : i32
        %dma_start3A_87 = tpu.memref_slice %arg3[%add3A_81, %dma_start3A_86] : memref<5000x128xi32, #tpu.memory_space<hbm>> -> memref<1x128xi32, #tpu.memory_space<hbm>>
        %dma_start3A_88 = arith.constant 78 : i32
        %dma_start3A_89 = arith.constant 0 : i32
        %dma_start3A_90 = tpu.memref_slice %arg6[%dma_start3A_88, %dma_start3A_89] : memref<79x128xi32, #tpu.memory_space<vmem>> -> memref<1x128xi32, #tpu.memory_space<vmem>>
        %dma_start3A_91 = arith.constant 0 : i32
        %dma_start3A_92 = tpu.memref_slice %arg3[%add3A_81, %dma_start3A_91] : memref<5000x128xi32, #tpu.memory_space<hbm>> -> memref<1x128xi32, #tpu.memory_space<hbm>>
        tpu.enqueue_dma source(%dma_start3A_92 : memref<1x128xi32, #tpu.memory_space<hbm>>) target(%dma_start3A_90 : memref<1x128xi32, #tpu.memory_space<vmem>>) target_semaphore(%run_scoped3A_82 : memref<!tpu.dma_semaphore, #tpu.memory_space<semaphore_mem>>)
        %dma_wait3A = arith.constant 78 : i32
        %dma_wait3A_93 = arith.constant 0 : i32
        %dma_wait3A_94 = tpu.memref_slice %arg6[%dma_wait3A, %dma_wait3A_93] : memref<79x128xi32, #tpu.memory_space<vmem>> -> memref<1x128xi32, #tpu.memory_space<vmem>>
        %dma_wait3A_95 = arith.constant 0 : i32
        %dma_wait3A_96 = tpu.memref_slice %arg3[%add3A_81, %dma_wait3A_95] : memref<5000x128xi32, #tpu.memory_space<hbm>> -> memref<1x128xi32, #tpu.memory_space<hbm>>
        %dma_wait3A_97 = arith.constant 78 : i32
        %dma_wait3A_98 = arith.constant 0 : i32
        %dma_wait3A_99 = tpu.memref_slice %arg6[%dma_wait3A_97, %dma_wait3A_98] : memref<79x128xi32, #tpu.memory_space<vmem>> -> memref<1x128xi32, #tpu.memory_space<vmem>>
        %dma_wait3A_100 = arith.constant 0 : i32
        %dma_wait3A_101 = tpu.memref_slice %arg3[%add3A_81, %dma_wait3A_100] : memref<5000x128xi32, #tpu.memory_space<hbm>> -> memref<1x128xi32, #tpu.memory_space<hbm>>
        tpu.wait_dma2 semaphore(%run_scoped3A_82 : memref<!tpu.dma_semaphore, #tpu.memory_space<semaphore_mem>>) src(%dma_wait3A_101 : memref<1x128xi32, #tpu.memory_space<hbm>>) dst(%dma_wait3A_99 : memref<1x128xi32, #tpu.memory_space<vmem>>)
        tpu.yield
      }) : () -> ()
    } else {
    }
    %scan3A = arith.constant 0 : i32
    %scan3A_14 = arith.constant 0 : i32
    %scan3A_15 = arith.constant 128 : i32
    %scan3A_16 = arith.addi %scan3A_14, %scan3A_15 : i32
    %scan3A_17 = arith.constant 1 : i32
    %scan3A_18 = scf.for %scan3A_76 = %scan3A_14 to %scan3A_16 step %scan3A_17 iter_args(%scan3A_77 = %scan3A) -> (i32)  : i32 {
      %broadcast_in_dim3A = arith.constant 0.000000e+00 : f32
      %broadcast_in_dim3A_78 = vector.broadcast %broadcast_in_dim3A : f32 to vector<16xf32>
      %swap3A = arith.constant 0 : i32
      %swap3A_79 = arith.index_cast %swap3A : i32 to index
      %swap3A_80 = arith.index_cast %scan3A_76 : i32 to index
      %swap3A_81 = arith.constant 0 : index
      %swap3A_82 = tpu.vector_load %arg7[%swap3A_79, %swap3A_80, %swap3A_81] {strides = array<i32>} : memref<2x128x16xf32, #tpu.memory_space<vmem>>, vector<1x1x16xf32>,
      %swap3A_83 = vector.shape_cast %swap3A_82 : vector<1x1x16xf32> to vector<16xf32>
      %swap3A_84 = vector.shape_cast %broadcast_in_dim3A_78 : vector<16xf32> to vector<1x1x16xf32>
      tpu.vector_store %arg7[%swap3A_79, %swap3A_80, %swap3A_81], %swap3A_84 {strides = array<i32>} : memref<2x128x16xf32, #tpu.memory_space<vmem>>, vector<1x1x16xf32>,
      %scan3A_85 = arith.constant 0 : i32
      scf.yield %scan3A_85 : i32
    }
    %scan3A_19 = arith.constant 128 : i32
    %mul3A_20 = arith.constant 640 : i32
    %mul3A_21 = arith.muli %arg1, %mul3A_20 : i32
    %add3A_22 = arith.constant 0 : i32
    %add3A_23 = arith.addi %mul3A_21, %add3A_22 : i32
    %run_scoped3A = arith.constant 0 : i32
    "tpu.region"() ({
      %run_scoped3A_76 = tpu.sem_alloc : memref<!tpu.dma_semaphore, #tpu.memory_space<semaphore_mem>>
      %dma_start3A_77 = arith.constant 0 : i32
      %dma_start3A_78 = arith.constant 0 : i32
      %dma_start3A_79 = tpu.memref_slice %arg7[%run_scoped3A, %dma_start3A_77, %dma_start3A_78] : memref<2x128x16xf32, #tpu.memory_space<vmem>> -> memref<1x128x16xf32, #tpu.memory_space<vmem>>
      %dma_start3A_80 = tpu.memref_squeeze %dma_start3A_79 : memref<1x128x16xf32, #tpu.memory_space<vmem>> -> memref<128x16xf32, #tpu.memory_space<vmem>>
      %dma_start3A_81 = arith.constant 0 : i32
      %dma_start3A_82 = tpu.memref_slice %arg9[%add3A_23, %dma_start3A_81] : memref<10240x16xf32, #tpu.memory_space<vmem_shared>> -> memref<128x16xf32, #tpu.memory_space<vmem_shared>>
      %dma_start3A_83 = arith.constant 0 : i32
      %dma_start3A_84 = tpu.memref_slice %arg9[%add3A_23, %dma_start3A_83] : memref<10240x16xf32, #tpu.memory_space<vmem_shared>> -> memref<128x16xf32, #tpu.memory_space<vmem_shared>>
      %dma_start3A_85 = arith.constant 0 : i32
      %dma_start3A_86 = arith.constant 0 : i32
      %dma_start3A_87 = tpu.memref_slice %arg7[%run_scoped3A, %dma_start3A_85, %dma_start3A_86] : memref<2x128x16xf32, #tpu.memory_space<vmem>> -> memref<1x128x16xf32, #tpu.memory_space<vmem>>
      %dma_start3A_88 = tpu.memref_squeeze %dma_start3A_87 : memref<1x128x16xf32, #tpu.memory_space<vmem>> -> memref<128x16xf32, #tpu.memory_space<vmem>>
      tpu.enqueue_dma source(%dma_start3A_88 : memref<128x16xf32, #tpu.memory_space<vmem>>) target(%dma_start3A_84 : memref<128x16xf32, #tpu.memory_space<vmem_shared>>) target_semaphore(%run_scoped3A_76 : memref<!tpu.dma_semaphore, #tpu.memory_space<semaphore_mem>>)
      %dma_wait3A = arith.constant 0 : i32
      %dma_wait3A_89 = arith.constant 0 : i32
      %dma_wait3A_90 = tpu.memref_slice %arg7[%run_scoped3A, %dma_wait3A, %dma_wait3A_89] : memref<2x128x16xf32, #tpu.memory_space<vmem>> -> memref<1x128x16xf32, #tpu.memory_space<vmem>>
      %dma_wait3A_91 = tpu.memref_squeeze %dma_wait3A_90 : memref<1x128x16xf32, #tpu.memory_space<vmem>> -> memref<128x16xf32, #tpu.memory_space<vmem>>
      %dma_wait3A_92 = arith.constant 0 : i32
      %dma_wait3A_93 = tpu.memref_slice %arg9[%add3A_23, %dma_wait3A_92] : memref<10240x16xf32, #tpu.memory_space<vmem_shared>> -> memref<128x16xf32, #tpu.memory_space<vmem_shared>>
      %dma_wait3A_94 = arith.constant 0 : i32
      %dma_wait3A_95 = tpu.memref_slice %arg9[%add3A_23, %dma_wait3A_94] : memref<10240x16xf32, #tpu.memory_space<vmem_shared>> -> memref<128x16xf32, #tpu.memory_space<vmem_shared>>
      %dma_wait3A_96 = arith.constant 0 : i32
      %dma_wait3A_97 = arith.constant 0 : i32
      %dma_wait3A_98 = tpu.memref_slice %arg7[%run_scoped3A, %dma_wait3A_96, %dma_wait3A_97] : memref<2x128x16xf32, #tpu.memory_space<vmem>> -> memref<1x128x16xf32, #tpu.memory_space<vmem>>
      %dma_wait3A_99 = tpu.memref_squeeze %dma_wait3A_98 : memref<1x128x16xf32, #tpu.memory_space<vmem>> -> memref<128x16xf32, #tpu.memory_space<vmem>>
      tpu.wait_dma2 semaphore(%run_scoped3A_76 : memref<!tpu.dma_semaphore, #tpu.memory_space<semaphore_mem>>) src(%dma_wait3A_99 : memref<128x16xf32, #tpu.memory_space<vmem>>) dst(%dma_wait3A_95 : memref<128x16xf32, #tpu.memory_space<vmem_shared>>)
      tpu.yield
    }) : () -> ()
    %mul3A_24 = arith.constant 640 : i32
    %mul3A_25 = arith.muli %arg1, %mul3A_24 : i32
    %add3A_26 = arith.constant 128 : i32
    %add3A_27 = arith.addi %mul3A_25, %add3A_26 : i32
    %run_scoped3A_28 = arith.constant 0 : i32
    "tpu.region"() ({
      %run_scoped3A_76 = tpu.sem_alloc : memref<!tpu.dma_semaphore, #tpu.memory_space<semaphore_mem>>
      %dma_start3A_77 = arith.constant 0 : i32
      %dma_start3A_78 = arith.constant 0 : i32
      %dma_start3A_79 = tpu.memref_slice %arg7[%run_scoped3A_28, %dma_start3A_77, %dma_start3A_78] : memref<2x128x16xf32, #tpu.memory_space<vmem>> -> memref<1x128x16xf32, #tpu.memory_space<vmem>>
      %dma_start3A_80 = tpu.memref_squeeze %dma_start3A_79 : memref<1x128x16xf32, #tpu.memory_space<vmem>> -> memref<128x16xf32, #tpu.memory_space<vmem>>
      %dma_start3A_81 = arith.constant 0 : i32
      %dma_start3A_82 = tpu.memref_slice %arg9[%add3A_27, %dma_start3A_81] : memref<10240x16xf32, #tpu.memory_space<vmem_shared>> -> memref<128x16xf32, #tpu.memory_space<vmem_shared>>
      %dma_start3A_83 = arith.constant 0 : i32
      %dma_start3A_84 = tpu.memref_slice %arg9[%add3A_27, %dma_start3A_83] : memref<10240x16xf32, #tpu.memory_space<vmem_shared>> -> memref<128x16xf32, #tpu.memory_space<vmem_shared>>
      %dma_start3A_85 = arith.constant 0 : i32
      %dma_start3A_86 = arith.constant 0 : i32
      %dma_start3A_87 = tpu.memref_slice %arg7[%run_scoped3A_28, %dma_start3A_85, %dma_start3A_86] : memref<2x128x16xf32, #tpu.memory_space<vmem>> -> memref<1x128x16xf32, #tpu.memory_space<vmem>>
      %dma_start3A_88 = tpu.memref_squeeze %dma_start3A_87 : memref<1x128x16xf32, #tpu.memory_space<vmem>> -> memref<128x16xf32, #tpu.memory_space<vmem>>
      tpu.enqueue_dma source(%dma_start3A_88 : memref<128x16xf32, #tpu.memory_space<vmem>>) target(%dma_start3A_84 : memref<128x16xf32, #tpu.memory_space<vmem_shared>>) target_semaphore(%run_scoped3A_76 : memref<!tpu.dma_semaphore, #tpu.memory_space<semaphore_mem>>)
      %dma_wait3A = arith.constant 0 : i32
      %dma_wait3A_89 = arith.constant 0 : i32
      %dma_wait3A_90 = tpu.memref_slice %arg7[%run_scoped3A_28, %dma_wait3A, %dma_wait3A_89] : memref<2x128x16xf32, #tpu.memory_space<vmem>> -> memref<1x128x16xf32, #tpu.memory_space<vmem>>
      %dma_wait3A_91 = tpu.memref_squeeze %dma_wait3A_90 : memref<1x128x16xf32, #tpu.memory_space<vmem>> -> memref<128x16xf32, #tpu.memory_space<vmem>>
      %dma_wait3A_92 = arith.constant 0 : i32
      %dma_wait3A_93 = tpu.memref_slice %arg9[%add3A_27, %dma_wait3A_92] : memref<10240x16xf32, #tpu.memory_space<vmem_shared>> -> memref<128x16xf32, #tpu.memory_space<vmem_shared>>
      %dma_wait3A_94 = arith.constant 0 : i32
      %dma_wait3A_95 = tpu.memref_slice %arg9[%add3A_27, %dma_wait3A_94] : memref<10240x16xf32, #tpu.memory_space<vmem_shared>> -> memref<128x16xf32, #tpu.memory_space<vmem_shared>>
      %dma_wait3A_96 = arith.constant 0 : i32
      %dma_wait3A_97 = arith.constant 0 : i32
      %dma_wait3A_98 = tpu.memref_slice %arg7[%run_scoped3A_28, %dma_wait3A_96, %dma_wait3A_97] : memref<2x128x16xf32, #tpu.memory_space<vmem>> -> memref<1x128x16xf32, #tpu.memory_space<vmem>>
      %dma_wait3A_99 = tpu.memref_squeeze %dma_wait3A_98 : memref<1x128x16xf32, #tpu.memory_space<vmem>> -> memref<128x16xf32, #tpu.memory_space<vmem>>
      tpu.wait_dma2 semaphore(%run_scoped3A_76 : memref<!tpu.dma_semaphore, #tpu.memory_space<semaphore_mem>>) src(%dma_wait3A_99 : memref<128x16xf32, #tpu.memory_space<vmem>>) dst(%dma_wait3A_95 : memref<128x16xf32, #tpu.memory_space<vmem_shared>>)
      tpu.yield
    }) : () -> ()
    %mul3A_29 = arith.constant 640 : i32
    %mul3A_30 = arith.muli %arg1, %mul3A_29 : i32
    %add3A_31 = arith.constant 256 : i32
    %add3A_32 = arith.addi %mul3A_30, %add3A_31 : i32
    %run_scoped3A_33 = arith.constant 0 : i32
    "tpu.region"() ({
      %run_scoped3A_76 = tpu.sem_alloc : memref<!tpu.dma_semaphore, #tpu.memory_space<semaphore_mem>>
      %dma_start3A_77 = arith.constant 0 : i32
      %dma_start3A_78 = arith.constant 0 : i32
      %dma_start3A_79 = tpu.memref_slice %arg7[%run_scoped3A_33, %dma_start3A_77, %dma_start3A_78] : memref<2x128x16xf32, #tpu.memory_space<vmem>> -> memref<1x128x16xf32, #tpu.memory_space<vmem>>
      %dma_start3A_80 = tpu.memref_squeeze %dma_start3A_79 : memref<1x128x16xf32, #tpu.memory_space<vmem>> -> memref<128x16xf32, #tpu.memory_space<vmem>>
      %dma_start3A_81 = arith.constant 0 : i32
      %dma_start3A_82 = tpu.memref_slice %arg9[%add3A_32, %dma_start3A_81] : memref<10240x16xf32, #tpu.memory_space<vmem_shared>> -> memref<128x16xf32, #tpu.memory_space<vmem_shared>>
      %dma_start3A_83 = arith.constant 0 : i32
      %dma_start3A_84 = tpu.memref_slice %arg9[%add3A_32, %dma_start3A_83] : memref<10240x16xf32, #tpu.memory_space<vmem_shared>> -> memref<128x16xf32, #tpu.memory_space<vmem_shared>>
      %dma_start3A_85 = arith.constant 0 : i32
      %dma_start3A_86 = arith.constant 0 : i32
      %dma_start3A_87 = tpu.memref_slice %arg7[%run_scoped3A_33, %dma_start3A_85, %dma_start3A_86] : memref<2x128x16xf32, #tpu.memory_space<vmem>> -> memref<1x128x16xf32, #tpu.memory_space<vmem>>
      %dma_start3A_88 = tpu.memref_squeeze %dma_start3A_87 : memref<1x128x16xf32, #tpu.memory_space<vmem>> -> memref<128x16xf32, #tpu.memory_space<vmem>>
      tpu.enqueue_dma source(%dma_start3A_88 : memref<128x16xf32, #tpu.memory_space<vmem>>) target(%dma_start3A_84 : memref<128x16xf32, #tpu.memory_space<vmem_shared>>) target_semaphore(%run_scoped3A_76 : memref<!tpu.dma_semaphore, #tpu.memory_space<semaphore_mem>>)
      %dma_wait3A = arith.constant 0 : i32
      %dma_wait3A_89 = arith.constant 0 : i32
      %dma_wait3A_90 = tpu.memref_slice %arg7[%run_scoped3A_33, %dma_wait3A, %dma_wait3A_89] : memref<2x128x16xf32, #tpu.memory_space<vmem>> -> memref<1x128x16xf32, #tpu.memory_space<vmem>>
      %dma_wait3A_91 = tpu.memref_squeeze %dma_wait3A_90 : memref<1x128x16xf32, #tpu.memory_space<vmem>> -> memref<128x16xf32, #tpu.memory_space<vmem>>
      %dma_wait3A_92 = arith.constant 0 : i32
      %dma_wait3A_93 = tpu.memref_slice %arg9[%add3A_32, %dma_wait3A_92] : memref<10240x16xf32, #tpu.memory_space<vmem_shared>> -> memref<128x16xf32, #tpu.memory_space<vmem_shared>>
      %dma_wait3A_94 = arith.constant 0 : i32
      %dma_wait3A_95 = tpu.memref_slice %arg9[%add3A_32, %dma_wait3A_94] : memref<10240x16xf32, #tpu.memory_space<vmem_shared>> -> memref<128x16xf32, #tpu.memory_space<vmem_shared>>
      %dma_wait3A_96 = arith.constant 0 : i32
      %dma_wait3A_97 = arith.constant 0 : i32
      %dma_wait3A_98 = tpu.memref_slice %arg7[%run_scoped3A_33, %dma_wait3A_96, %dma_wait3A_97] : memref<2x128x16xf32, #tpu.memory_space<vmem>> -> memref<1x128x16xf32, #tpu.memory_space<vmem>>
      %dma_wait3A_99 = tpu.memref_squeeze %dma_wait3A_98 : memref<1x128x16xf32, #tpu.memory_space<vmem>> -> memref<128x16xf32, #tpu.memory_space<vmem>>
      tpu.wait_dma2 semaphore(%run_scoped3A_76 : memref<!tpu.dma_semaphore, #tpu.memory_space<semaphore_mem>>) src(%dma_wait3A_99 : memref<128x16xf32, #tpu.memory_space<vmem>>) dst(%dma_wait3A_95 : memref<128x16xf32, #tpu.memory_space<vmem_shared>>)
      tpu.yield
    }) : () -> ()
    %mul3A_34 = arith.constant 640 : i32
    %mul3A_35 = arith.muli %arg1, %mul3A_34 : i32
    %add3A_36 = arith.constant 384 : i32
    %add3A_37 = arith.addi %mul3A_35, %add3A_36 : i32
    %run_scoped3A_38 = arith.constant 0 : i32
    "tpu.region"() ({
      %run_scoped3A_76 = tpu.sem_alloc : memref<!tpu.dma_semaphore, #tpu.memory_space<semaphore_mem>>
      %dma_start3A_77 = arith.constant 0 : i32
      %dma_start3A_78 = arith.constant 0 : i32
      %dma_start3A_79 = tpu.memref_slice %arg7[%run_scoped3A_38, %dma_start3A_77, %dma_start3A_78] : memref<2x128x16xf32, #tpu.memory_space<vmem>> -> memref<1x128x16xf32, #tpu.memory_space<vmem>>
      %dma_start3A_80 = tpu.memref_squeeze %dma_start3A_79 : memref<1x128x16xf32, #tpu.memory_space<vmem>> -> memref<128x16xf32, #tpu.memory_space<vmem>>
      %dma_start3A_81 = arith.constant 0 : i32
      %dma_start3A_82 = tpu.memref_slice %arg9[%add3A_37, %dma_start3A_81] : memref<10240x16xf32, #tpu.memory_space<vmem_shared>> -> memref<128x16xf32, #tpu.memory_space<vmem_shared>>
      %dma_start3A_83 = arith.constant 0 : i32
      %dma_start3A_84 = tpu.memref_slice %arg9[%add3A_37, %dma_start3A_83] : memref<10240x16xf32, #tpu.memory_space<vmem_shared>> -> memref<128x16xf32, #tpu.memory_space<vmem_shared>>
      %dma_start3A_85 = arith.constant 0 : i32
      %dma_start3A_86 = arith.constant 0 : i32
      %dma_start3A_87 = tpu.memref_slice %arg7[%run_scoped3A_38, %dma_start3A_85, %dma_start3A_86] : memref<2x128x16xf32, #tpu.memory_space<vmem>> -> memref<1x128x16xf32, #tpu.memory_space<vmem>>
      %dma_start3A_88 = tpu.memref_squeeze %dma_start3A_87 : memref<1x128x16xf32, #tpu.memory_space<vmem>> -> memref<128x16xf32, #tpu.memory_space<vmem>>
      tpu.enqueue_dma source(%dma_start3A_88 : memref<128x16xf32, #tpu.memory_space<vmem>>) target(%dma_start3A_84 : memref<128x16xf32, #tpu.memory_space<vmem_shared>>) target_semaphore(%run_scoped3A_76 : memref<!tpu.dma_semaphore, #tpu.memory_space<semaphore_mem>>)
      %dma_wait3A = arith.constant 0 : i32
      %dma_wait3A_89 = arith.constant 0 : i32
      %dma_wait3A_90 = tpu.memref_slice %arg7[%run_scoped3A_38, %dma_wait3A, %dma_wait3A_89] : memref<2x128x16xf32, #tpu.memory_space<vmem>> -> memref<1x128x16xf32, #tpu.memory_space<vmem>>
      %dma_wait3A_91 = tpu.memref_squeeze %dma_wait3A_90 : memref<1x128x16xf32, #tpu.memory_space<vmem>> -> memref<128x16xf32, #tpu.memory_space<vmem>>
      %dma_wait3A_92 = arith.constant 0 : i32
      %dma_wait3A_93 = tpu.memref_slice %arg9[%add3A_37, %dma_wait3A_92] : memref<10240x16xf32, #tpu.memory_space<vmem_shared>> -> memref<128x16xf32, #tpu.memory_space<vmem_shared>>
      %dma_wait3A_94 = arith.constant 0 : i32
      %dma_wait3A_95 = tpu.memref_slice %arg9[%add3A_37, %dma_wait3A_94] : memref<10240x16xf32, #tpu.memory_space<vmem_shared>> -> memref<128x16xf32, #tpu.memory_space<vmem_shared>>
      %dma_wait3A_96 = arith.constant 0 : i32
      %dma_wait3A_97 = arith.constant 0 : i32
      %dma_wait3A_98 = tpu.memref_slice %arg7[%run_scoped3A_38, %dma_wait3A_96, %dma_wait3A_97] : memref<2x128x16xf32, #tpu.memory_space<vmem>> -> memref<1x128x16xf32, #tpu.memory_space<vmem>>
      %dma_wait3A_99 = tpu.memref_squeeze %dma_wait3A_98 : memref<1x128x16xf32, #tpu.memory_space<vmem>> -> memref<128x16xf32, #tpu.memory_space<vmem>>
      tpu.wait_dma2 semaphore(%run_scoped3A_76 : memref<!tpu.dma_semaphore, #tpu.memory_space<semaphore_mem>>) src(%dma_wait3A_99 : memref<128x16xf32, #tpu.memory_space<vmem>>) dst(%dma_wait3A_95 : memref<128x16xf32, #tpu.memory_space<vmem_shared>>)
      tpu.yield
    }) : () -> ()
    %mul3A_39 = arith.constant 640 : i32
    %mul3A_40 = arith.muli %arg1, %mul3A_39 : i32
    %add3A_41 = arith.constant 512 : i32
    %add3A_42 = arith.addi %mul3A_40, %add3A_41 : i32
    %run_scoped3A_43 = arith.constant 0 : i32
    "tpu.region"() ({
      %run_scoped3A_76 = tpu.sem_alloc : memref<!tpu.dma_semaphore, #tpu.memory_space<semaphore_mem>>
      %dma_start3A_77 = arith.constant 0 : i32
      %dma_start3A_78 = arith.constant 0 : i32
      %dma_start3A_79 = tpu.memref_slice %arg7[%run_scoped3A_43, %dma_start3A_77, %dma_start3A_78] : memref<2x128x16xf32, #tpu.memory_space<vmem>> -> memref<1x128x16xf32, #tpu.memory_space<vmem>>
      %dma_start3A_80 = tpu.memref_squeeze %dma_start3A_79 : memref<1x128x16xf32, #tpu.memory_space<vmem>> -> memref<128x16xf32, #tpu.memory_space<vmem>>
      %dma_start3A_81 = arith.constant 0 : i32
      %dma_start3A_82 = tpu.memref_slice %arg9[%add3A_42, %dma_start3A_81] : memref<10240x16xf32, #tpu.memory_space<vmem_shared>> -> memref<128x16xf32, #tpu.memory_space<vmem_shared>>
      %dma_start3A_83 = arith.constant 0 : i32
      %dma_start3A_84 = tpu.memref_slice %arg9[%add3A_42, %dma_start3A_83] : memref<10240x16xf32, #tpu.memory_space<vmem_shared>> -> memref<128x16xf32, #tpu.memory_space<vmem_shared>>
      %dma_start3A_85 = arith.constant 0 : i32
      %dma_start3A_86 = arith.constant 0 : i32
      %dma_start3A_87 = tpu.memref_slice %arg7[%run_scoped3A_43, %dma_start3A_85, %dma_start3A_86] : memref<2x128x16xf32, #tpu.memory_space<vmem>> -> memref<1x128x16xf32, #tpu.memory_space<vmem>>
      %dma_start3A_88 = tpu.memref_squeeze %dma_start3A_87 : memref<1x128x16xf32, #tpu.memory_space<vmem>> -> memref<128x16xf32, #tpu.memory_space<vmem>>
      tpu.enqueue_dma source(%dma_start3A_88 : memref<128x16xf32, #tpu.memory_space<vmem>>) target(%dma_start3A_84 : memref<128x16xf32, #tpu.memory_space<vmem_shared>>) target_semaphore(%run_scoped3A_76 : memref<!tpu.dma_semaphore, #tpu.memory_space<semaphore_mem>>)
      %dma_wait3A = arith.constant 0 : i32
      %dma_wait3A_89 = arith.constant 0 : i32
      %dma_wait3A_90 = tpu.memref_slice %arg7[%run_scoped3A_43, %dma_wait3A, %dma_wait3A_89] : memref<2x128x16xf32, #tpu.memory_space<vmem>> -> memref<1x128x16xf32, #tpu.memory_space<vmem>>
      %dma_wait3A_91 = tpu.memref_squeeze %dma_wait3A_90 : memref<1x128x16xf32, #tpu.memory_space<vmem>> -> memref<128x16xf32, #tpu.memory_space<vmem>>
      %dma_wait3A_92 = arith.constant 0 : i32
      %dma_wait3A_93 = tpu.memref_slice %arg9[%add3A_42, %dma_wait3A_92] : memref<10240x16xf32, #tpu.memory_space<vmem_shared>> -> memref<128x16xf32, #tpu.memory_space<vmem_shared>>
      %dma_wait3A_94 = arith.constant 0 : i32
      %dma_wait3A_95 = tpu.memref_slice %arg9[%add3A_42, %dma_wait3A_94] : memref<10240x16xf32, #tpu.memory_space<vmem_shared>> -> memref<128x16xf32, #tpu.memory_space<vmem_shared>>
      %dma_wait3A_96 = arith.constant 0 : i32
      %dma_wait3A_97 = arith.constant 0 : i32
      %dma_wait3A_98 = tpu.memref_slice %arg7[%run_scoped3A_43, %dma_wait3A_96, %dma_wait3A_97] : memref<2x128x16xf32, #tpu.memory_space<vmem>> -> memref<1x128x16xf32, #tpu.memory_space<vmem>>
      %dma_wait3A_99 = tpu.memref_squeeze %dma_wait3A_98 : memref<1x128x16xf32, #tpu.memory_space<vmem>> -> memref<128x16xf32, #tpu.memory_space<vmem>>
      tpu.wait_dma2 semaphore(%run_scoped3A_76 : memref<!tpu.dma_semaphore, #tpu.memory_space<semaphore_mem>>) src(%dma_wait3A_99 : memref<128x16xf32, #tpu.memory_space<vmem>>) dst(%dma_wait3A_95 : memref<128x16xf32, #tpu.memory_space<vmem_shared>>)
      tpu.yield
    }) : () -> ()
    %mul3A_44 = arith.constant 625 : i32
    %mul3A_45 = arith.muli %arg1, %mul3A_44 : i32
    %mul3A_46 = arith.constant 625 : i32
    %mul3A_47 = arith.muli %arg1, %mul3A_46 : i32
    "tpu.region"() ({
      %run_scoped3A_76 = tpu.sem_alloc : memref<!tpu.dma_semaphore, #tpu.memory_space<semaphore_mem>>
      %dma_start3A_77 = arith.constant 0 : i32
      %dma_start3A_78 = tpu.memref_slice %arg8[%mul3A_47, %dma_start3A_77] : memref<10240x16xf32, #tpu.memory_space<vmem_shared>> -> memref<625x16xf32, #tpu.memory_space<vmem_shared>>
      %dma_start3A_79 = arith.constant 0 : i32
      %dma_start3A_80 = tpu.memref_slice %arg2[%mul3A_45, %dma_start3A_79] : memref<10000x16xf32, #tpu.memory_space<hbm>> -> memref<625x16xf32, #tpu.memory_space<hbm>>
      tpu.enqueue_dma source(%dma_start3A_80 : memref<625x16xf32, #tpu.memory_space<hbm>>) target(%dma_start3A_78 : memref<625x16xf32, #tpu.memory_space<vmem_shared>>) target_semaphore(%run_scoped3A_76 : memref<!tpu.dma_semaphore, #tpu.memory_space<semaphore_mem>>)
      %dma_wait3A = arith.constant 0 : i32
      %dma_wait3A_81 = tpu.memref_slice %arg8[%mul3A_47, %dma_wait3A] : memref<10240x16xf32, #tpu.memory_space<vmem_shared>> -> memref<625x16xf32, #tpu.memory_space<vmem_shared>>
      %dma_wait3A_82 = arith.constant 0 : i32
      %dma_wait3A_83 = tpu.memref_slice %arg2[%mul3A_45, %dma_wait3A_82] : memref<10000x16xf32, #tpu.memory_space<hbm>> -> memref<625x16xf32, #tpu.memory_space<hbm>>
      tpu.wait_dma2 semaphore(%run_scoped3A_76 : memref<!tpu.dma_semaphore, #tpu.memory_space<semaphore_mem>>) src(%dma_wait3A_83 : memref<625x16xf32, #tpu.memory_space<hbm>>) dst(%dma_wait3A_81 : memref<625x16xf32, #tpu.memory_space<vmem_shared>>)
      tpu.yield
    }) : () -> ()
    %barrier3A = arith.constant 0 : index
    tpu.barrier barrier_id(%barrier3A)
    %dma_start3A = arith.constant 0 : i32
    %dma_start3A_48 = arith.constant 0 : i32
    %dma_start3A_49 = arith.constant 0 : i32
    %dma_start3A_50 = arith.constant 0 : i32
    %dma_start3A_51 = tpu.memref_slice %arg7[%dma_start3A_48, %dma_start3A_49, %dma_start3A_50] : memref<2x128x16xf32, #tpu.memory_space<vmem>> -> memref<1x128x16xf32, #tpu.memory_space<vmem>>
    %dma_start3A_52 = tpu.memref_squeeze %dma_start3A_51 : memref<1x128x16xf32, #tpu.memory_space<vmem>> -> memref<128x16xf32, #tpu.memory_space<vmem>>
    %dma_start3A_53 = arith.constant 0 : i32
    %dma_start3A_54 = tpu.memref_slice %arg5[%dma_start3A, %dma_start3A_53] : memref<79x128xi32, #tpu.memory_space<vmem>> -> memref<1x128xi32, #tpu.memory_space<vmem>>
    %dma_start3A_55 = tpu.memref_squeeze %dma_start3A_54 : memref<1x128xi32, #tpu.memory_space<vmem>> -> memref<128xi32, #tpu.memory_space<vmem>>
    %dma_start3A_56 = arith.constant 0 : i32
    %dma_start3A_57 = arith.constant 0 : i32
    %dma_start3A_58 = tpu.memref_slice %arg8[%dma_start3A_56, %dma_start3A_57] : memref<10240x16xf32, #tpu.memory_space<vmem_shared>> -> memref<10240x16xf32, #tpu.memory_space<vmem_shared>>
    tpu.enqueue_indirect_dma source(%dma_start3A_58 : memref<10240x16xf32, #tpu.memory_space<vmem_shared>>) target(%dma_start3A_52 : memref<128x16xf32, #tpu.memory_space<vmem>>) offsets(%dma_start3A_55 : memref<128xi32, #tpu.memory_space<vmem>>) semaphore(%arg10 : memref<!tpu.dma_semaphore, #tpu.memory_space<semaphore_mem>>)
    %scan3A_59 = arith.constant 0 : i32
    %scan3A_60 = arith.constant 0 : i32
    %scan3A_61 = arith.constant 39 : i32
    %scan3A_62 = arith.addi %scan3A_60, %scan3A_61 : i32
    %scan3A_63 = arith.constant 1 : i32
    %scan3A_64 = scf.for %scan3A_76 = %scan3A_60 to %scan3A_62 step %scan3A_63 iter_args(%scan3A_77 = %scan3A_59) -> (i32)  : i32 {
      %mul3A_78 = arith.constant 2 : i32
      %mul3A_79 = arith.muli %mul3A_78, %scan3A_76 : i32
      %add3A_80 = arith.constant 1 : i32
      %add3A_81 = arith.addi %mul3A_79, %add3A_80 : i32
      %dma_start3A_82 = arith.constant 1 : i32
      %dma_start3A_83 = arith.constant 0 : i32
      %dma_start3A_84 = arith.constant 0 : i32
      %dma_start3A_85 = tpu.memref_slice %arg7[%dma_start3A_82, %dma_start3A_83, %dma_start3A_84] : memref<2x128x16xf32, #tpu.memory_space<vmem>> -> memref<1x128x16xf32, #tpu.memory_space<vmem>>
      %dma_start3A_86 = tpu.memref_squeeze %dma_start3A_85 : memref<1x128x16xf32, #tpu.memory_space<vmem>> -> memref<128x16xf32, #tpu.memory_space<vmem>>
      %dma_start3A_87 = arith.constant 0 : i32
      %dma_start3A_88 = tpu.memref_slice %arg5[%add3A_81, %dma_start3A_87] : memref<79x128xi32, #tpu.memory_space<vmem>> -> memref<1x128xi32, #tpu.memory_space<vmem>>
      %dma_start3A_89 = tpu.memref_squeeze %dma_start3A_88 : memref<1x128xi32, #tpu.memory_space<vmem>> -> memref<128xi32, #tpu.memory_space<vmem>>
      %dma_start3A_90 = arith.constant 0 : i32
      %dma_start3A_91 = arith.constant 0 : i32
      %dma_start3A_92 = tpu.memref_slice %arg8[%dma_start3A_90, %dma_start3A_91] : memref<10240x16xf32, #tpu.memory_space<vmem_shared>> -> memref<10240x16xf32, #tpu.memory_space<vmem_shared>>
      tpu.enqueue_indirect_dma source(%dma_start3A_92 : memref<10240x16xf32, #tpu.memory_space<vmem_shared>>) target(%dma_start3A_86 : memref<128x16xf32, #tpu.memory_space<vmem>>) offsets(%dma_start3A_89 : memref<128xi32, #tpu.memory_space<vmem>>) semaphore(%arg11 : memref<!tpu.dma_semaphore, #tpu.memory_space<semaphore_mem>>)
      %dma_wait3A = arith.constant 0 : i32
      %dma_wait3A_93 = arith.constant 0 : i32
      %dma_wait3A_94 = arith.constant 0 : i32
      %dma_wait3A_95 = tpu.memref_slice %arg7[%dma_wait3A, %dma_wait3A_93, %dma_wait3A_94] : memref<2x128x16xf32, #tpu.memory_space<vmem>> -> memref<1x128x16xf32, #tpu.memory_space<vmem>>
      %dma_wait3A_96 = tpu.memref_squeeze %dma_wait3A_95 : memref<1x128x16xf32, #tpu.memory_space<vmem>> -> memref<128x16xf32, #tpu.memory_space<vmem>>
      %dma_wait3A_97 = arith.constant 0 : i32
      %dma_wait3A_98 = tpu.memref_slice %arg5[%mul3A_79, %dma_wait3A_97] : memref<79x128xi32, #tpu.memory_space<vmem>> -> memref<1x128xi32, #tpu.memory_space<vmem>>
      %dma_wait3A_99 = tpu.memref_squeeze %dma_wait3A_98 : memref<1x128xi32, #tpu.memory_space<vmem>> -> memref<128xi32, #tpu.memory_space<vmem>>
      %dma_wait3A_100 = arith.constant 0 : i32
      %dma_wait3A_101 = arith.constant 0 : i32
      %dma_wait3A_102 = tpu.memref_slice %arg8[%dma_wait3A_100, %dma_wait3A_101] : memref<10240x16xf32, #tpu.memory_space<vmem_shared>> -> memref<10240x16xf32, #tpu.memory_space<vmem_shared>>
      tpu.wait_indirect_dma semaphore(%arg10 : memref<!tpu.dma_semaphore, #tpu.memory_space<semaphore_mem>>) src(%dma_wait3A_102 : memref<10240x16xf32, #tpu.memory_space<vmem_shared>>) dst(%dma_wait3A_96 : memref<128x16xf32, #tpu.memory_space<vmem>>)
      %run_scoped3A_103 = arith.constant 0 : i32
      "tpu.region"() ({
        %run_scoped3A_133 = tpu.sem_alloc : memref<!tpu.dma_semaphore, #tpu.memory_space<semaphore_mem>>
        %dma_start3A_134 = arith.constant 0 : i32
        %dma_start3A_135 = arith.constant 0 : i32
        %dma_start3A_136 = tpu.memref_slice %arg7[%run_scoped3A_103, %dma_start3A_134, %dma_start3A_135] : memref<2x128x16xf32, #tpu.memory_space<vmem>> -> memref<1x128x16xf32, #tpu.memory_space<vmem>>
        %dma_start3A_137 = tpu.memref_squeeze %dma_start3A_136 : memref<1x128x16xf32, #tpu.memory_space<vmem>> -> memref<128x16xf32, #tpu.memory_space<vmem>>
        %dma_start3A_138 = arith.constant 0 : i32
        %dma_start3A_139 = tpu.memref_slice %arg6[%mul3A_79, %dma_start3A_138] : memref<79x128xi32, #tpu.memory_space<vmem>> -> memref<1x128xi32, #tpu.memory_space<vmem>>
        %dma_start3A_140 = tpu.memref_squeeze %dma_start3A_139 : memref<1x128xi32, #tpu.memory_space<vmem>> -> memref<128xi32, #tpu.memory_space<vmem>>
        %dma_start3A_141 = arith.constant 0 : i32
        %dma_start3A_142 = arith.constant 0 : i32
        %dma_start3A_143 = tpu.memref_slice %arg9[%dma_start3A_141, %dma_start3A_142] : memref<10240x16xf32, #tpu.memory_space<vmem_shared>> -> memref<10240x16xf32, #tpu.memory_space<vmem_shared>>
        tpu.enqueue_indirect_dma source(%dma_start3A_137 : memref<128x16xf32, #tpu.memory_space<vmem>>) target(%dma_start3A_143 : memref<10240x16xf32, #tpu.memory_space<vmem_shared>>) offsets(%dma_start3A_140 : memref<128xi32, #tpu.memory_space<vmem>>) semaphore(%run_scoped3A_133 : memref<!tpu.dma_semaphore, #tpu.memory_space<semaphore_mem>>) {add = true}
        %dma_wait3A_144 = arith.constant 0 : i32
        %dma_wait3A_145 = arith.constant 0 : i32
        %dma_wait3A_146 = tpu.memref_slice %arg7[%run_scoped3A_103, %dma_wait3A_144, %dma_wait3A_145] : memref<2x128x16xf32, #tpu.memory_space<vmem>> -> memref<1x128x16xf32, #tpu.memory_space<vmem>>
        %dma_wait3A_147 = tpu.memref_squeeze %dma_wait3A_146 : memref<1x128x16xf32, #tpu.memory_space<vmem>> -> memref<128x16xf32, #tpu.memory_space<vmem>>
        %dma_wait3A_148 = arith.constant 0 : i32
        %dma_wait3A_149 = tpu.memref_slice %arg6[%mul3A_79, %dma_wait3A_148] : memref<79x128xi32, #tpu.memory_space<vmem>> -> memref<1x128xi32, #tpu.memory_space<vmem>>
        %dma_wait3A_150 = tpu.memref_squeeze %dma_wait3A_149 : memref<1x128xi32, #tpu.memory_space<vmem>> -> memref<128xi32, #tpu.memory_space<vmem>>
        %dma_wait3A_151 = arith.constant 0 : i32
        %dma_wait3A_152 = arith.constant 0 : i32
        %dma_wait3A_153 = tpu.memref_slice %arg9[%dma_wait3A_151, %dma_wait3A_152] : memref<10240x16xf32, #tpu.memory_space<vmem_shared>> -> memref<10240x16xf32, #tpu.memory_space<vmem_shared>>
        tpu.wait_indirect_dma semaphore(%run_scoped3A_133 : memref<!tpu.dma_semaphore, #tpu.memory_space<semaphore_mem>>) src(%dma_wait3A_147 : memref<128x16xf32, #tpu.memory_space<vmem>>) dst(%dma_wait3A_153 : memref<10240x16xf32, #tpu.memory_space<vmem_shared>>)
        tpu.yield
      }) : () -> ()
      %add3A_104 = arith.constant 2 : i32
      %add3A_105 = arith.addi %mul3A_79, %add3A_104 : i32
      %lt3A_106 = arith.cmpi slt, %add3A_105, %add3A_8 : i32
      %convert_element_type3A_107 = arith.extui %lt3A_106 : i1 to i32
      %cond3A_108 = arith.constant 0 : i32
      %cond3A_109 = arith.cmpi ne, %convert_element_type3A_107, %cond3A_108 : i32
      scf.if %cond3A_109 {
        %add3A_133 = arith.constant 2 : i32
        %add3A_134 = arith.addi %mul3A_79, %add3A_133 : i32
        %dma_start3A_135 = arith.constant 0 : i32
        %dma_start3A_136 = arith.constant 0 : i32
        %dma_start3A_137 = arith.constant 0 : i32
        %dma_start3A_138 = tpu.memref_slice %arg7[%dma_start3A_135, %dma_start3A_136, %dma_start3A_137] : memref<2x128x16xf32, #tpu.memory_space<vmem>> -> memref<1x128x16xf32, #tpu.memory_space<vmem>>
        %dma_start3A_139 = tpu.memref_squeeze %dma_start3A_138 : memref<1x128x16xf32, #tpu.memory_space<vmem>> -> memref<128x16xf32, #tpu.memory_space<vmem>>
        %dma_start3A_140 = arith.constant 0 : i32
        %dma_start3A_141 = tpu.memref_slice %arg5[%add3A_134, %dma_start3A_140] : memref<79x128xi32, #tpu.memory_space<vmem>> -> memref<1x128xi32, #tpu.memory_space<vmem>>
        %dma_start3A_142 = tpu.memref_squeeze %dma_start3A_141 : memref<1x128xi32, #tpu.memory_space<vmem>> -> memref<128xi32, #tpu.memory_space<vmem>>
        %dma_start3A_143 = arith.constant 0 : i32
        %dma_start3A_144 = arith.constant 0 : i32
        %dma_start3A_145 = tpu.memref_slice %arg8[%dma_start3A_143, %dma_start3A_144] : memref<10240x16xf32, #tpu.memory_space<vmem_shared>> -> memref<10240x16xf32, #tpu.memory_space<vmem_shared>>
        tpu.enqueue_indirect_dma source(%dma_start3A_145 : memref<10240x16xf32, #tpu.memory_space<vmem_shared>>) target(%dma_start3A_139 : memref<128x16xf32, #tpu.memory_space<vmem>>) offsets(%dma_start3A_142 : memref<128xi32, #tpu.memory_space<vmem>>) semaphore(%arg10 : memref<!tpu.dma_semaphore, #tpu.memory_space<semaphore_mem>>)
      } else {
      }
      %add3A_110 = arith.constant 1 : i32
      %add3A_111 = arith.addi %mul3A_79, %add3A_110 : i32
      %dma_wait3A_112 = arith.constant 1 : i32
      %dma_wait3A_113 = arith.constant 0 : i32
      %dma_wait3A_114 = arith.constant 0 : i32
      %dma_wait3A_115 = tpu.memref_slice %arg7[%dma_wait3A_112, %dma_wait3A_113, %dma_wait3A_114] : memref<2x128x16xf32, #tpu.memory_space<vmem>> -> memref<1x128x16xf32, #tpu.memory_space<vmem>>
      %dma_wait3A_116 = tpu.memref_squeeze %dma_wait3A_115 : memref<1x128x16xf32, #tpu.memory_space<vmem>> -> memref<128x16xf32, #tpu.memory_space<vmem>>
      %dma_wait3A_117 = arith.constant 0 : i32
      %dma_wait3A_118 = tpu.memref_slice %arg5[%add3A_111, %dma_wait3A_117] : memref<79x128xi32, #tpu.memory_space<vmem>> -> memref<1x128xi32, #tpu.memory_space<vmem>>
      %dma_wait3A_119 = tpu.memref_squeeze %dma_wait3A_118 : memref<1x128xi32, #tpu.memory_space<vmem>> -> memref<128xi32, #tpu.memory_space<vmem>>
      %dma_wait3A_120 = arith.constant 0 : i32
      %dma_wait3A_121 = arith.constant 0 : i32
      %dma_wait3A_122 = tpu.memref_slice %arg8[%dma_wait3A_120, %dma_wait3A_121] : memref<10240x16xf32, #tpu.memory_space<vmem_shared>> -> memref<10240x16xf32, #tpu.memory_space<vmem_shared>>
      tpu.wait_indirect_dma semaphore(%arg11 : memref<!tpu.dma_semaphore, #tpu.memory_space<semaphore_mem>>) src(%dma_wait3A_122 : memref<10240x16xf32, #tpu.memory_space<vmem_shared>>) dst(%dma_wait3A_116 : memref<128x16xf32, #tpu.memory_space<vmem>>)
      %add3A_123 = arith.constant 1 : i32
      %add3A_124 = arith.addi %mul3A_79, %add3A_123 : i32
      %run_scoped3A_125 = arith.constant 1 : i32
      "tpu.region"() ({
        %run_scoped3A_133 = tpu.sem_alloc : memref<!tpu.dma_semaphore, #tpu.memory_space<semaphore_mem>>
        %dma_start3A_134 = arith.constant 0 : i32
        %dma_start3A_135 = arith.constant 0 : i32
        %dma_start3A_136 = tpu.memref_slice %arg7[%run_scoped3A_125, %dma_start3A_134, %dma_start3A_135] : memref<2x128x16xf32, #tpu.memory_space<vmem>> -> memref<1x128x16xf32, #tpu.memory_space<vmem>>
        %dma_start3A_137 = tpu.memref_squeeze %dma_start3A_136 : memref<1x128x16xf32, #tpu.memory_space<vmem>> -> memref<128x16xf32, #tpu.memory_space<vmem>>
        %dma_start3A_138 = arith.constant 0 : i32
        %dma_start3A_139 = tpu.memref_slice %arg6[%add3A_124, %dma_start3A_138] : memref<79x128xi32, #tpu.memory_space<vmem>> -> memref<1x128xi32, #tpu.memory_space<vmem>>
        %dma_start3A_140 = tpu.memref_squeeze %dma_start3A_139 : memref<1x128xi32, #tpu.memory_space<vmem>> -> memref<128xi32, #tpu.memory_space<vmem>>
        %dma_start3A_141 = arith.constant 0 : i32
        %dma_start3A_142 = arith.constant 0 : i32
        %dma_start3A_143 = tpu.memref_slice %arg9[%dma_start3A_141, %dma_start3A_142] : memref<10240x16xf32, #tpu.memory_space<vmem_shared>> -> memref<10240x16xf32, #tpu.memory_space<vmem_shared>>
        tpu.enqueue_indirect_dma source(%dma_start3A_137 : memref<128x16xf32, #tpu.memory_space<vmem>>) target(%dma_start3A_143 : memref<10240x16xf32, #tpu.memory_space<vmem_shared>>) offsets(%dma_start3A_140 : memref<128xi32, #tpu.memory_space<vmem>>) semaphore(%run_scoped3A_133 : memref<!tpu.dma_semaphore, #tpu.memory_space<semaphore_mem>>) {add = true}
        %dma_wait3A_144 = arith.constant 0 : i32
        %dma_wait3A_145 = arith.constant 0 : i32
        %dma_wait3A_146 = tpu.memref_slice %arg7[%run_scoped3A_125, %dma_wait3A_144, %dma_wait3A_145] : memref<2x128x16xf32, #tpu.memory_space<vmem>> -> memref<1x128x16xf32, #tpu.memory_space<vmem>>
        %dma_wait3A_147 = tpu.memref_squeeze %dma_wait3A_146 : memref<1x128x16xf32, #tpu.memory_space<vmem>> -> memref<128x16xf32, #tpu.memory_space<vmem>>
        %dma_wait3A_148 = arith.constant 0 : i32
        %dma_wait3A_149 = tpu.memref_slice %arg6[%add3A_124, %dma_wait3A_148] : memref<79x128xi32, #tpu.memory_space<vmem>> -> memref<1x128xi32, #tpu.memory_space<vmem>>
        %dma_wait3A_150 = tpu.memref_squeeze %dma_wait3A_149 : memref<1x128xi32, #tpu.memory_space<vmem>> -> memref<128xi32, #tpu.memory_space<vmem>>
        %dma_wait3A_151 = arith.constant 0 : i32
        %dma_wait3A_152 = arith.constant 0 : i32
        %dma_wait3A_153 = tpu.memref_slice %arg9[%dma_wait3A_151, %dma_wait3A_152] : memref<10240x16xf32, #tpu.memory_space<vmem_shared>> -> memref<10240x16xf32, #tpu.memory_space<vmem_shared>>
        tpu.wait_indirect_dma semaphore(%run_scoped3A_133 : memref<!tpu.dma_semaphore, #tpu.memory_space<semaphore_mem>>) src(%dma_wait3A_147 : memref<128x16xf32, #tpu.memory_space<vmem>>) dst(%dma_wait3A_153 : memref<10240x16xf32, #tpu.memory_space<vmem_shared>>)
        tpu.yield
      }) : () -> ()
      %add3A_126 = arith.constant 3 : i32
      %add3A_127 = arith.addi %mul3A_79, %add3A_126 : i32
      %lt3A_128 = arith.cmpi slt, %add3A_127, %add3A_8 : i32
      %convert_element_type3A_129 = arith.extui %lt3A_128 : i1 to i32
      %cond3A_130 = arith.constant 0 : i32
      %cond3A_131 = arith.cmpi ne, %convert_element_type3A_129, %cond3A_130 : i32
      scf.if %cond3A_131 {
        %add3A_133 = arith.constant 3 : i32
        %add3A_134 = arith.addi %mul3A_79, %add3A_133 : i32
        %dma_start3A_135 = arith.constant 1 : i32
        %dma_start3A_136 = arith.constant 0 : i32
        %dma_start3A_137 = arith.constant 0 : i32
        %dma_start3A_138 = tpu.memref_slice %arg7[%dma_start3A_135, %dma_start3A_136, %dma_start3A_137] : memref<2x128x16xf32, #tpu.memory_space<vmem>> -> memref<1x128x16xf32, #tpu.memory_space<vmem>>
        %dma_start3A_139 = tpu.memref_squeeze %dma_start3A_138 : memref<1x128x16xf32, #tpu.memory_space<vmem>> -> memref<128x16xf32, #tpu.memory_space<vmem>>
        %dma_start3A_140 = arith.constant 0 : i32
        %dma_start3A_141 = tpu.memref_slice %arg5[%add3A_134, %dma_start3A_140] : memref<79x128xi32, #tpu.memory_space<vmem>> -> memref<1x128xi32, #tpu.memory_space<vmem>>
        %dma_start3A_142 = tpu.memref_squeeze %dma_start3A_141 : memref<1x128xi32, #tpu.memory_space<vmem>> -> memref<128xi32, #tpu.memory_space<vmem>>
        %dma_start3A_143 = arith.constant 0 : i32
        %dma_start3A_144 = arith.constant 0 : i32
        %dma_start3A_145 = tpu.memref_slice %arg8[%dma_start3A_143, %dma_start3A_144] : memref<10240x16xf32, #tpu.memory_space<vmem_shared>> -> memref<10240x16xf32, #tpu.memory_space<vmem_shared>>
        tpu.enqueue_indirect_dma source(%dma_start3A_145 : memref<10240x16xf32, #tpu.memory_space<vmem_shared>>) target(%dma_start3A_139 : memref<128x16xf32, #tpu.memory_space<vmem>>) offsets(%dma_start3A_142 : memref<128xi32, #tpu.memory_space<vmem>>) semaphore(%arg11 : memref<!tpu.dma_semaphore, #tpu.memory_space<semaphore_mem>>)
      } else {
      }
      %scan3A_132 = arith.constant 0 : i32
      scf.yield %scan3A_132 : i32
    }
    %scan3A_65 = arith.constant 39 : i32
    %gt3A = arith.constant 78 : i32
    %gt3A_66 = arith.cmpi sgt, %add3A_8, %gt3A : i32
    %convert_element_type3A_67 = arith.extui %gt3A_66 : i1 to i32
    %cond3A_68 = arith.constant 0 : i32
    %cond3A_69 = arith.cmpi ne, %convert_element_type3A_67, %cond3A_68 : i32
    scf.if %cond3A_69 {
      %dma_wait3A = arith.constant 78 : i32
      %dma_wait3A_76 = arith.constant 0 : i32
      %dma_wait3A_77 = arith.constant 0 : i32
      %dma_wait3A_78 = arith.constant 0 : i32
      %dma_wait3A_79 = tpu.memref_slice %arg7[%dma_wait3A_76, %dma_wait3A_77, %dma_wait3A_78] : memref<2x128x16xf32, #tpu.memory_space<vmem>> -> memref<1x128x16xf32, #tpu.memory_space<vmem>>
      %dma_wait3A_80 = tpu.memref_squeeze %dma_wait3A_79 : memref<1x128x16xf32, #tpu.memory_space<vmem>> -> memref<128x16xf32, #tpu.memory_space<vmem>>
      %dma_wait3A_81 = arith.constant 0 : i32
      %dma_wait3A_82 = tpu.memref_slice %arg5[%dma_wait3A, %dma_wait3A_81] : memref<79x128xi32, #tpu.memory_space<vmem>> -> memref<1x128xi32, #tpu.memory_space<vmem>>
      %dma_wait3A_83 = tpu.memref_squeeze %dma_wait3A_82 : memref<1x128xi32, #tpu.memory_space<vmem>> -> memref<128xi32, #tpu.memory_space<vmem>>
      %dma_wait3A_84 = arith.constant 0 : i32
      %dma_wait3A_85 = arith.constant 0 : i32
      %dma_wait3A_86 = tpu.memref_slice %arg8[%dma_wait3A_84, %dma_wait3A_85] : memref<10240x16xf32, #tpu.memory_space<vmem_shared>> -> memref<10240x16xf32, #tpu.memory_space<vmem_shared>>
      tpu.wait_indirect_dma semaphore(%arg10 : memref<!tpu.dma_semaphore, #tpu.memory_space<semaphore_mem>>) src(%dma_wait3A_86 : memref<10240x16xf32, #tpu.memory_space<vmem_shared>>) dst(%dma_wait3A_80 : memref<128x16xf32, #tpu.memory_space<vmem>>)
      %run_scoped3A_87 = arith.constant 0 : i32
      %run_scoped3A_88 = arith.constant 78 : i32
      "tpu.region"() ({
        %run_scoped3A_89 = tpu.sem_alloc : memref<!tpu.dma_semaphore, #tpu.memory_space<semaphore_mem>>
        %dma_start3A_90 = arith.constant 0 : i32
        %dma_start3A_91 = arith.constant 0 : i32
        %dma_start3A_92 = tpu.memref_slice %arg7[%run_scoped3A_87, %dma_start3A_90, %dma_start3A_91] : memref<2x128x16xf32, #tpu.memory_space<vmem>> -> memref<1x128x16xf32, #tpu.memory_space<vmem>>
        %dma_start3A_93 = tpu.memref_squeeze %dma_start3A_92 : memref<1x128x16xf32, #tpu.memory_space<vmem>> -> memref<128x16xf32, #tpu.memory_space<vmem>>
        %dma_start3A_94 = arith.constant 0 : i32
        %dma_start3A_95 = tpu.memref_slice %arg6[%run_scoped3A_88, %dma_start3A_94] : memref<79x128xi32, #tpu.memory_space<vmem>> -> memref<1x128xi32, #tpu.memory_space<vmem>>
        %dma_start3A_96 = tpu.memref_squeeze %dma_start3A_95 : memref<1x128xi32, #tpu.memory_space<vmem>> -> memref<128xi32, #tpu.memory_space<vmem>>
        %dma_start3A_97 = arith.constant 0 : i32
        %dma_start3A_98 = arith.constant 0 : i32
        %dma_start3A_99 = tpu.memref_slice %arg9[%dma_start3A_97, %dma_start3A_98] : memref<10240x16xf32, #tpu.memory_space<vmem_shared>> -> memref<10240x16xf32, #tpu.memory_space<vmem_shared>>
        tpu.enqueue_indirect_dma source(%dma_start3A_93 : memref<128x16xf32, #tpu.memory_space<vmem>>) target(%dma_start3A_99 : memref<10240x16xf32, #tpu.memory_space<vmem_shared>>) offsets(%dma_start3A_96 : memref<128xi32, #tpu.memory_space<vmem>>) semaphore(%run_scoped3A_89 : memref<!tpu.dma_semaphore, #tpu.memory_space<semaphore_mem>>) {add = true}
        %dma_wait3A_100 = arith.constant 0 : i32
        %dma_wait3A_101 = arith.constant 0 : i32
        %dma_wait3A_102 = tpu.memref_slice %arg7[%run_scoped3A_87, %dma_wait3A_100, %dma_wait3A_101] : memref<2x128x16xf32, #tpu.memory_space<vmem>> -> memref<1x128x16xf32, #tpu.memory_space<vmem>>
        %dma_wait3A_103 = tpu.memref_squeeze %dma_wait3A_102 : memref<1x128x16xf32, #tpu.memory_space<vmem>> -> memref<128x16xf32, #tpu.memory_space<vmem>>
        %dma_wait3A_104 = arith.constant 0 : i32
        %dma_wait3A_105 = tpu.memref_slice %arg6[%run_scoped3A_88, %dma_wait3A_104] : memref<79x128xi32, #tpu.memory_space<vmem>> -> memref<1x128xi32, #tpu.memory_space<vmem>>
        %dma_wait3A_106 = tpu.memref_squeeze %dma_wait3A_105 : memref<1x128xi32, #tpu.memory_space<vmem>> -> memref<128xi32, #tpu.memory_space<vmem>>
        %dma_wait3A_107 = arith.constant 0 : i32
        %dma_wait3A_108 = arith.constant 0 : i32
        %dma_wait3A_109 = tpu.memref_slice %arg9[%dma_wait3A_107, %dma_wait3A_108] : memref<10240x16xf32, #tpu.memory_space<vmem_shared>> -> memref<10240x16xf32, #tpu.memory_space<vmem_shared>>
        tpu.wait_indirect_dma semaphore(%run_scoped3A_89 : memref<!tpu.dma_semaphore, #tpu.memory_space<semaphore_mem>>) src(%dma_wait3A_103 : memref<128x16xf32, #tpu.memory_space<vmem>>) dst(%dma_wait3A_109 : memref<10240x16xf32, #tpu.memory_space<vmem_shared>>)
        tpu.yield
      }) : () -> ()
    } else {
    }
    %barrier3A_70 = arith.constant 0 : index
    tpu.barrier barrier_id(%barrier3A_70)
    %mul3A_71 = arith.constant 640 : i32
    %mul3A_72 = arith.muli %arg1, %mul3A_71 : i32
    %mul3A_73 = arith.constant 640 : i32
    %mul3A_74 = arith.muli %arg1, %mul3A_73 : i32
    %run_scoped3A_75 = arith.constant 0 : i32
    "tpu.region"() ({
      %run_scoped3A_76 = tpu.sem_alloc : memref<!tpu.dma_semaphore, #tpu.memory_space<semaphore_mem>>
      %dma_start3A_77 = arith.constant 0 : i32
      %dma_start3A_78 = tpu.memref_slice %arg4[%run_scoped3A_75, %arg0, %mul3A_74, %dma_start3A_77] : memref<1x2x10240x16xf32, #tpu.memory_space<hbm>> -> memref<1x1x640x16xf32, #tpu.memory_space<hbm>>
      %dma_start3A_79 = tpu.memref_squeeze %dma_start3A_78 : memref<1x1x640x16xf32, #tpu.memory_space<hbm>> -> memref<640x16xf32, #tpu.memory_space<hbm>>
      %dma_start3A_80 = arith.constant 0 : i32
      %dma_start3A_81 = tpu.memref_slice %arg9[%mul3A_72, %dma_start3A_80] : memref<10240x16xf32, #tpu.memory_space<vmem_shared>> -> memref<640x16xf32, #tpu.memory_space<vmem_shared>>
      tpu.enqueue_dma source(%dma_start3A_81 : memref<640x16xf32, #tpu.memory_space<vmem_shared>>) target(%dma_start3A_79 : memref<640x16xf32, #tpu.memory_space<hbm>>) target_semaphore(%run_scoped3A_76 : memref<!tpu.dma_semaphore, #tpu.memory_space<semaphore_mem>>)
      %dma_wait3A = arith.constant 0 : i32
      %dma_wait3A_82 = tpu.memref_slice %arg4[%run_scoped3A_75, %arg0, %mul3A_74, %dma_wait3A] : memref<1x2x10240x16xf32, #tpu.memory_space<hbm>> -> memref<1x1x640x16xf32, #tpu.memory_space<hbm>>
      %dma_wait3A_83 = tpu.memref_squeeze %dma_wait3A_82 : memref<1x1x640x16xf32, #tpu.memory_space<hbm>> -> memref<640x16xf32, #tpu.memory_space<hbm>>
      %dma_wait3A_84 = arith.constant 0 : i32
      %dma_wait3A_85 = tpu.memref_slice %arg9[%mul3A_72, %dma_wait3A_84] : memref<10240x16xf32, #tpu.memory_space<vmem_shared>> -> memref<640x16xf32, #tpu.memory_space<vmem_shared>>
      tpu.wait_dma2 semaphore(%run_scoped3A_76 : memref<!tpu.dma_semaphore, #tpu.memory_space<semaphore_mem>>) src(%dma_wait3A_85 : memref<640x16xf32, #tpu.memory_space<vmem_shared>>) dst(%dma_wait3A_83 : memref<640x16xf32, #tpu.memory_space<hbm>>)
      tpu.yield
    }) : () -> ()
    return
  }
}

#map = affine_map<(d0, d1) -> (0, 0)>
#map1 = affine_map<(d0, d1) -> (0, 0, 0, 0)>
module attributes {stable_mosaic.version = 14 : i64} {
  func.func @segsum(%arg0: i32, %arg1: i32, %arg2: memref<10000x128xbf16, #tpu.memory_space<hbm>>, %arg3: memref<5000x128xi32, #tpu.memory_space<hbm>>, %arg4: memref<1x2x10240x128xbf16, #tpu.memory_space<hbm>>, %arg5: memref<79x128xi32, #tpu.memory_space<vmem>>, %arg6: memref<79x128xi32, #tpu.memory_space<vmem>>, %arg7: memref<2x128x128xbf16, #tpu.memory_space<vmem>>, %arg8: memref<10240x128xbf16, #tpu.memory_space<vmem_shared>>, %arg9: memref<10240x128xbf16, #tpu.memory_space<vmem_shared>>, %arg10: memref<!tpu.dma_semaphore, #tpu.memory_space<semaphore_mem>>, %arg11: memref<!tpu.dma_semaphore, #tpu.memory_space<semaphore_mem>>) attributes {dimension_semantics = [#tpu.dimension_semantics<core_parallel>, #tpu.dimension_semantics<subcore_parallel>], iteration_bounds = array<i64: 2, 16>, scalar_prefetch = 0 : i64, scratch_operands = 7 : i64, tpu.core_type = #tpu.core_type<sc_vector_subcore>, window_params = [{transform_indices = #map}, {transform_indices = #map}, {transform_indices = #map1}]} {
    %mul3A = arith.constant 16 : i32
    %mul3A_0 = arith.muli %arg0, %mul3A : i32
    %add3A = arith.addi %mul3A_0, %arg1 : i32
    %mul3A_1 = arith.constant 78 : i32
    %mul3A_2 = arith.muli %add3A, %mul3A_1 : i32
    %min3A = arith.constant 4 : i32
    %min3A_3 = arith.minsi %add3A, %min3A : i32
    %add3A_4 = arith.addi %mul3A_2, %min3A_3 : i32
    %lt3A = arith.constant 4 : i32
    %lt3A_5 = arith.cmpi slt, %add3A, %lt3A : i32
    %jit3A = arith.constant 1 : i32
    %jit3A_6 = arith.constant 0 : i32
    %select_n3A = arith.select %lt3A_5, %jit3A, %jit3A_6 : i32
    %add3A_7 = arith.constant 78 : i32
    %add3A_8 = arith.addi %add3A_7, %select_n3A : i32
    "tpu.region"() ({
      %run_scoped3A_76 = tpu.sem_alloc : memref<!tpu.dma_semaphore, #tpu.memory_space<semaphore_mem>>
      %dma_start3A_77 = arith.constant 0 : i32
      %dma_start3A_78 = arith.constant 0 : i32
      %dma_start3A_79 = tpu.memref_slice %arg5[%dma_start3A_77, %dma_start3A_78] : memref<79x128xi32, #tpu.memory_space<vmem>> -> memref<78x128xi32, #tpu.memory_space<vmem>>
      %dma_start3A_80 = arith.constant 0 : i32
      %dma_start3A_81 = tpu.memref_slice %arg3[%add3A_4, %dma_start3A_80] : memref<5000x128xi32, #tpu.memory_space<hbm>> -> memref<78x128xi32, #tpu.memory_space<hbm>>
      %dma_start3A_82 = arith.constant 0 : i32
      %dma_start3A_83 = arith.constant 0 : i32
      %dma_start3A_84 = tpu.memref_slice %arg5[%dma_start3A_82, %dma_start3A_83] : memref<79x128xi32, #tpu.memory_space<vmem>> -> memref<78x128xi32, #tpu.memory_space<vmem>>
      %dma_start3A_85 = arith.constant 0 : i32
      %dma_start3A_86 = tpu.memref_slice %arg3[%add3A_4, %dma_start3A_85] : memref<5000x128xi32, #tpu.memory_space<hbm>> -> memref<78x128xi32, #tpu.memory_space<hbm>>
      tpu.enqueue_dma source(%dma_start3A_86 : memref<78x128xi32, #tpu.memory_space<hbm>>) target(%dma_start3A_84 : memref<78x128xi32, #tpu.memory_space<vmem>>) target_semaphore(%run_scoped3A_76 : memref<!tpu.dma_semaphore, #tpu.memory_space<semaphore_mem>>)
      %dma_wait3A = arith.constant 0 : i32
      %dma_wait3A_87 = arith.constant 0 : i32
      %dma_wait3A_88 = tpu.memref_slice %arg5[%dma_wait3A, %dma_wait3A_87] : memref<79x128xi32, #tpu.memory_space<vmem>> -> memref<78x128xi32, #tpu.memory_space<vmem>>
      %dma_wait3A_89 = arith.constant 0 : i32
      %dma_wait3A_90 = tpu.memref_slice %arg3[%add3A_4, %dma_wait3A_89] : memref<5000x128xi32, #tpu.memory_space<hbm>> -> memref<78x128xi32, #tpu.memory_space<hbm>>
      %dma_wait3A_91 = arith.constant 0 : i32
      %dma_wait3A_92 = arith.constant 0 : i32
      %dma_wait3A_93 = tpu.memref_slice %arg5[%dma_wait3A_91, %dma_wait3A_92] : memref<79x128xi32, #tpu.memory_space<vmem>> -> memref<78x128xi32, #tpu.memory_space<vmem>>
      %dma_wait3A_94 = arith.constant 0 : i32
      %dma_wait3A_95 = tpu.memref_slice %arg3[%add3A_4, %dma_wait3A_94] : memref<5000x128xi32, #tpu.memory_space<hbm>> -> memref<78x128xi32, #tpu.memory_space<hbm>>
      tpu.wait_dma2 semaphore(%run_scoped3A_76 : memref<!tpu.dma_semaphore, #tpu.memory_space<semaphore_mem>>) src(%dma_wait3A_95 : memref<78x128xi32, #tpu.memory_space<hbm>>) dst(%dma_wait3A_93 : memref<78x128xi32, #tpu.memory_space<vmem>>)
      tpu.yield
    }) : () -> ()
    %add3A_9 = arith.constant 2500 : i32
    %add3A_10 = arith.addi %add3A_9, %add3A_4 : i32
    "tpu.region"() ({
      %run_scoped3A_76 = tpu.sem_alloc : memref<!tpu.dma_semaphore, #tpu.memory_space<semaphore_mem>>
      %dma_start3A_77 = arith.constant 0 : i32
      %dma_start3A_78 = arith.constant 0 : i32
      %dma_start3A_79 = tpu.memref_slice %arg6[%dma_start3A_77, %dma_start3A_78] : memref<79x128xi32, #tpu.memory_space<vmem>> -> memref<78x128xi32, #tpu.memory_space<vmem>>
      %dma_start3A_80 = arith.constant 0 : i32
      %dma_start3A_81 = tpu.memref_slice %arg3[%add3A_10, %dma_start3A_80] : memref<5000x128xi32, #tpu.memory_space<hbm>> -> memref<78x128xi32, #tpu.memory_space<hbm>>
      %dma_start3A_82 = arith.constant 0 : i32
      %dma_start3A_83 = arith.constant 0 : i32
      %dma_start3A_84 = tpu.memref_slice %arg6[%dma_start3A_82, %dma_start3A_83] : memref<79x128xi32, #tpu.memory_space<vmem>> -> memref<78x128xi32, #tpu.memory_space<vmem>>
      %dma_start3A_85 = arith.constant 0 : i32
      %dma_start3A_86 = tpu.memref_slice %arg3[%add3A_10, %dma_start3A_85] : memref<5000x128xi32, #tpu.memory_space<hbm>> -> memref<78x128xi32, #tpu.memory_space<hbm>>
      tpu.enqueue_dma source(%dma_start3A_86 : memref<78x128xi32, #tpu.memory_space<hbm>>) target(%dma_start3A_84 : memref<78x128xi32, #tpu.memory_space<vmem>>) target_semaphore(%run_scoped3A_76 : memref<!tpu.dma_semaphore, #tpu.memory_space<semaphore_mem>>)
      %dma_wait3A = arith.constant 0 : i32
      %dma_wait3A_87 = arith.constant 0 : i32
      %dma_wait3A_88 = tpu.memref_slice %arg6[%dma_wait3A, %dma_wait3A_87] : memref<79x128xi32, #tpu.memory_space<vmem>> -> memref<78x128xi32, #tpu.memory_space<vmem>>
      %dma_wait3A_89 = arith.constant 0 : i32
      %dma_wait3A_90 = tpu.memref_slice %arg3[%add3A_10, %dma_wait3A_89] : memref<5000x128xi32, #tpu.memory_space<hbm>> -> memref<78x128xi32, #tpu.memory_space<hbm>>
      %dma_wait3A_91 = arith.constant 0 : i32
      %dma_wait3A_92 = arith.constant 0 : i32
      %dma_wait3A_93 = tpu.memref_slice %arg6[%dma_wait3A_91, %dma_wait3A_92] : memref<79x128xi32, #tpu.memory_space<vmem>> -> memref<78x128xi32, #tpu.memory_space<vmem>>
      %dma_wait3A_94 = arith.constant 0 : i32
      %dma_wait3A_95 = tpu.memref_slice %arg3[%add3A_10, %dma_wait3A_94] : memref<5000x128xi32, #tpu.memory_space<hbm>> -> memref<78x128xi32, #tpu.memory_space<hbm>>
      tpu.wait_dma2 semaphore(%run_scoped3A_76 : memref<!tpu.dma_semaphore, #tpu.memory_space<semaphore_mem>>) src(%dma_wait3A_95 : memref<78x128xi32, #tpu.memory_space<hbm>>) dst(%dma_wait3A_93 : memref<78x128xi32, #tpu.memory_space<vmem>>)
      tpu.yield
    }) : () -> ()
    %lt3A_11 = arith.constant 4 : i32
    %lt3A_12 = arith.cmpi slt, %add3A, %lt3A_11 : i32
    %convert_element_type3A = arith.extui %lt3A_12 : i1 to i32
    %cond3A = arith.constant 0 : i32
    %cond3A_13 = arith.cmpi ne, %convert_element_type3A, %cond3A : i32
    scf.if %cond3A_13 {
      %add3A_76 = arith.constant 78 : i32
      %add3A_77 = arith.addi %add3A_4, %add3A_76 : i32
      "tpu.region"() ({
        %run_scoped3A_82 = tpu.sem_alloc : memref<!tpu.dma_semaphore, #tpu.memory_space<semaphore_mem>>
        %dma_start3A_83 = arith.constant 78 : i32
        %dma_start3A_84 = arith.constant 0 : i32
        %dma_start3A_85 = tpu.memref_slice %arg5[%dma_start3A_83, %dma_start3A_84] : memref<79x128xi32, #tpu.memory_space<vmem>> -> memref<1x128xi32, #tpu.memory_space<vmem>>
        %dma_start3A_86 = arith.constant 0 : i32
        %dma_start3A_87 = tpu.memref_slice %arg3[%add3A_77, %dma_start3A_86] : memref<5000x128xi32, #tpu.memory_space<hbm>> -> memref<1x128xi32, #tpu.memory_space<hbm>>
        %dma_start3A_88 = arith.constant 78 : i32
        %dma_start3A_89 = arith.constant 0 : i32
        %dma_start3A_90 = tpu.memref_slice %arg5[%dma_start3A_88, %dma_start3A_89] : memref<79x128xi32, #tpu.memory_space<vmem>> -> memref<1x128xi32, #tpu.memory_space<vmem>>
        %dma_start3A_91 = arith.constant 0 : i32
        %dma_start3A_92 = tpu.memref_slice %arg3[%add3A_77, %dma_start3A_91] : memref<5000x128xi32, #tpu.memory_space<hbm>> -> memref<1x128xi32, #tpu.memory_space<hbm>>
        tpu.enqueue_dma source(%dma_start3A_92 : memref<1x128xi32, #tpu.memory_space<hbm>>) target(%dma_start3A_90 : memref<1x128xi32, #tpu.memory_space<vmem>>) target_semaphore(%run_scoped3A_82 : memref<!tpu.dma_semaphore, #tpu.memory_space<semaphore_mem>>)
        %dma_wait3A = arith.constant 78 : i32
        %dma_wait3A_93 = arith.constant 0 : i32
        %dma_wait3A_94 = tpu.memref_slice %arg5[%dma_wait3A, %dma_wait3A_93] : memref<79x128xi32, #tpu.memory_space<vmem>> -> memref<1x128xi32, #tpu.memory_space<vmem>>
        %dma_wait3A_95 = arith.constant 0 : i32
        %dma_wait3A_96 = tpu.memref_slice %arg3[%add3A_77, %dma_wait3A_95] : memref<5000x128xi32, #tpu.memory_space<hbm>> -> memref<1x128xi32, #tpu.memory_space<hbm>>
        %dma_wait3A_97 = arith.constant 78 : i32
        %dma_wait3A_98 = arith.constant 0 : i32
        %dma_wait3A_99 = tpu.memref_slice %arg5[%dma_wait3A_97, %dma_wait3A_98] : memref<79x128xi32, #tpu.memory_space<vmem>> -> memref<1x128xi32, #tpu.memory_space<vmem>>
        %dma_wait3A_100 = arith.constant 0 : i32
        %dma_wait3A_101 = tpu.memref_slice %arg3[%add3A_77, %dma_wait3A_100] : memref<5000x128xi32, #tpu.memory_space<hbm>> -> memref<1x128xi32, #tpu.memory_space<hbm>>
        tpu.wait_dma2 semaphore(%run_scoped3A_82 : memref<!tpu.dma_semaphore, #tpu.memory_space<semaphore_mem>>) src(%dma_wait3A_101 : memref<1x128xi32, #tpu.memory_space<hbm>>) dst(%dma_wait3A_99 : memref<1x128xi32, #tpu.memory_space<vmem>>)
        tpu.yield
      }) : () -> ()
      %add3A_78 = arith.constant 2500 : i32
      %add3A_79 = arith.addi %add3A_78, %add3A_4 : i32
      %add3A_80 = arith.constant 78 : i32
      %add3A_81 = arith.addi %add3A_79, %add3A_80 : i32
      "tpu.region"() ({
        %run_scoped3A_82 = tpu.sem_alloc : memref<!tpu.dma_semaphore, #tpu.memory_space<semaphore_mem>>
        %dma_start3A_83 = arith.constant 78 : i32
        %dma_start3A_84 = arith.constant 0 : i32
        %dma_start3A_85 = tpu.memref_slice %arg6[%dma_start3A_83, %dma_start3A_84] : memref<79x128xi32, #tpu.memory_space<vmem>> -> memref<1x128xi32, #tpu.memory_space<vmem>>
        %dma_start3A_86 = arith.constant 0 : i32
        %dma_start3A_87 = tpu.memref_slice %arg3[%add3A_81, %dma_start3A_86] : memref<5000x128xi32, #tpu.memory_space<hbm>> -> memref<1x128xi32, #tpu.memory_space<hbm>>
        %dma_start3A_88 = arith.constant 78 : i32
        %dma_start3A_89 = arith.constant 0 : i32
        %dma_start3A_90 = tpu.memref_slice %arg6[%dma_start3A_88, %dma_start3A_89] : memref<79x128xi32, #tpu.memory_space<vmem>> -> memref<1x128xi32, #tpu.memory_space<vmem>>
        %dma_start3A_91 = arith.constant 0 : i32
        %dma_start3A_92 = tpu.memref_slice %arg3[%add3A_81, %dma_start3A_91] : memref<5000x128xi32, #tpu.memory_space<hbm>> -> memref<1x128xi32, #tpu.memory_space<hbm>>
        tpu.enqueue_dma source(%dma_start3A_92 : memref<1x128xi32, #tpu.memory_space<hbm>>) target(%dma_start3A_90 : memref<1x128xi32, #tpu.memory_space<vmem>>) target_semaphore(%run_scoped3A_82 : memref<!tpu.dma_semaphore, #tpu.memory_space<semaphore_mem>>)
        %dma_wait3A = arith.constant 78 : i32
        %dma_wait3A_93 = arith.constant 0 : i32
        %dma_wait3A_94 = tpu.memref_slice %arg6[%dma_wait3A, %dma_wait3A_93] : memref<79x128xi32, #tpu.memory_space<vmem>> -> memref<1x128xi32, #tpu.memory_space<vmem>>
        %dma_wait3A_95 = arith.constant 0 : i32
        %dma_wait3A_96 = tpu.memref_slice %arg3[%add3A_81, %dma_wait3A_95] : memref<5000x128xi32, #tpu.memory_space<hbm>> -> memref<1x128xi32, #tpu.memory_space<hbm>>
        %dma_wait3A_97 = arith.constant 78 : i32
        %dma_wait3A_98 = arith.constant 0 : i32
        %dma_wait3A_99 = tpu.memref_slice %arg6[%dma_wait3A_97, %dma_wait3A_98] : memref<79x128xi32, #tpu.memory_space<vmem>> -> memref<1x128xi32, #tpu.memory_space<vmem>>
        %dma_wait3A_100 = arith.constant 0 : i32
        %dma_wait3A_101 = tpu.memref_slice %arg3[%add3A_81, %dma_wait3A_100] : memref<5000x128xi32, #tpu.memory_space<hbm>> -> memref<1x128xi32, #tpu.memory_space<hbm>>
        tpu.wait_dma2 semaphore(%run_scoped3A_82 : memref<!tpu.dma_semaphore, #tpu.memory_space<semaphore_mem>>) src(%dma_wait3A_101 : memref<1x128xi32, #tpu.memory_space<hbm>>) dst(%dma_wait3A_99 : memref<1x128xi32, #tpu.memory_space<vmem>>)
        tpu.yield
      }) : () -> ()
    } else {
    }
    %scan3A = arith.constant 0 : i32
    %scan3A_14 = arith.constant 0 : i32
    %scan3A_15 = arith.constant 128 : i32
    %scan3A_16 = arith.addi %scan3A_14, %scan3A_15 : i32
    %scan3A_17 = arith.constant 1 : i32
    %scan3A_18 = scf.for %scan3A_76 = %scan3A_14 to %scan3A_16 step %scan3A_17 iter_args(%scan3A_77 = %scan3A) -> (i32)  : i32 {
      %broadcast_in_dim3A = arith.constant 0.000000e+00 : bf16
      %broadcast_in_dim3A_78 = vector.broadcast %broadcast_in_dim3A : bf16 to vector<32xbf16>
      %swap3A = arith.constant 0 : i32
      %swap3A_79 = arith.index_cast %swap3A : i32 to index
      %swap3A_80 = arith.index_cast %scan3A_76 : i32 to index
      %swap3A_81 = arith.constant 0 : index
      %swap3A_82 = tpu.vector_load %arg7[%swap3A_79, %swap3A_80, %swap3A_81] {strides = array<i32>} : memref<2x128x128xbf16, #tpu.memory_space<vmem>>, vector<1x1x32xbf16>,
      %swap3A_83 = vector.shape_cast %swap3A_82 : vector<1x1x32xbf16> to vector<32xbf16>
      %swap3A_84 = vector.shape_cast %broadcast_in_dim3A_78 : vector<32xbf16> to vector<1x1x32xbf16>
      tpu.vector_store %arg7[%swap3A_79, %swap3A_80, %swap3A_81], %swap3A_84 {strides = array<i32>} : memref<2x128x128xbf16, #tpu.memory_space<vmem>>, vector<1x1x32xbf16>,
      %broadcast_in_dim3A_85 = arith.constant 0.000000e+00 : bf16
      %broadcast_in_dim3A_86 = vector.broadcast %broadcast_in_dim3A_85 : bf16 to vector<32xbf16>
      %swap3A_87 = arith.constant 0 : i32
      %swap3A_88 = arith.index_cast %swap3A_87 : i32 to index
      %swap3A_89 = arith.index_cast %scan3A_76 : i32 to index
      %swap3A_90 = arith.constant 32 : index
      %swap3A_91 = tpu.vector_load %arg7[%swap3A_88, %swap3A_89, %swap3A_90] {strides = array<i32>} : memref<2x128x128xbf16, #tpu.memory_space<vmem>>, vector<1x1x32xbf16>,
      %swap3A_92 = vector.shape_cast %swap3A_91 : vector<1x1x32xbf16> to vector<32xbf16>
      %swap3A_93 = vector.shape_cast %broadcast_in_dim3A_86 : vector<32xbf16> to vector<1x1x32xbf16>
      tpu.vector_store %arg7[%swap3A_88, %swap3A_89, %swap3A_90], %swap3A_93 {strides = array<i32>} : memref<2x128x128xbf16, #tpu.memory_space<vmem>>, vector<1x1x32xbf16>,
      %broadcast_in_dim3A_94 = arith.constant 0.000000e+00 : bf16
      %broadcast_in_dim3A_95 = vector.broadcast %broadcast_in_dim3A_94 : bf16 to vector<32xbf16>
      %swap3A_96 = arith.constant 0 : i32
      %swap3A_97 = arith.index_cast %swap3A_96 : i32 to index
      %swap3A_98 = arith.index_cast %scan3A_76 : i32 to index
      %swap3A_99 = arith.constant 64 : index
      %swap3A_100 = tpu.vector_load %arg7[%swap3A_97, %swap3A_98, %swap3A_99] {strides = array<i32>} : memref<2x128x128xbf16, #tpu.memory_space<vmem>>, vector<1x1x32xbf16>,
      %swap3A_101 = vector.shape_cast %swap3A_100 : vector<1x1x32xbf16> to vector<32xbf16>
      %swap3A_102 = vector.shape_cast %broadcast_in_dim3A_95 : vector<32xbf16> to vector<1x1x32xbf16>
      tpu.vector_store %arg7[%swap3A_97, %swap3A_98, %swap3A_99], %swap3A_102 {strides = array<i32>} : memref<2x128x128xbf16, #tpu.memory_space<vmem>>, vector<1x1x32xbf16>,
      %broadcast_in_dim3A_103 = arith.constant 0.000000e+00 : bf16
      %broadcast_in_dim3A_104 = vector.broadcast %broadcast_in_dim3A_103 : bf16 to vector<32xbf16>
      %swap3A_105 = arith.constant 0 : i32
      %swap3A_106 = arith.index_cast %swap3A_105 : i32 to index
      %swap3A_107 = arith.index_cast %scan3A_76 : i32 to index
      %swap3A_108 = arith.constant 96 : index
      %swap3A_109 = tpu.vector_load %arg7[%swap3A_106, %swap3A_107, %swap3A_108] {strides = array<i32>} : memref<2x128x128xbf16, #tpu.memory_space<vmem>>, vector<1x1x32xbf16>,
      %swap3A_110 = vector.shape_cast %swap3A_109 : vector<1x1x32xbf16> to vector<32xbf16>
      %swap3A_111 = vector.shape_cast %broadcast_in_dim3A_104 : vector<32xbf16> to vector<1x1x32xbf16>
      tpu.vector_store %arg7[%swap3A_106, %swap3A_107, %swap3A_108], %swap3A_111 {strides = array<i32>} : memref<2x128x128xbf16, #tpu.memory_space<vmem>>, vector<1x1x32xbf16>,
      %scan3A_112 = arith.constant 0 : i32
      scf.yield %scan3A_112 : i32
    }
    %scan3A_19 = arith.constant 128 : i32
    %mul3A_20 = arith.constant 640 : i32
    %mul3A_21 = arith.muli %arg1, %mul3A_20 : i32
    %add3A_22 = arith.constant 0 : i32
    %add3A_23 = arith.addi %mul3A_21, %add3A_22 : i32
    %run_scoped3A = arith.constant 0 : i32
    "tpu.region"() ({
      %run_scoped3A_76 = tpu.sem_alloc : memref<!tpu.dma_semaphore, #tpu.memory_space<semaphore_mem>>
      %dma_start3A_77 = arith.constant 0 : i32
      %dma_start3A_78 = arith.constant 0 : i32
      %dma_start3A_79 = tpu.memref_slice %arg7[%run_scoped3A, %dma_start3A_77, %dma_start3A_78] : memref<2x128x128xbf16, #tpu.memory_space<vmem>> -> memref<1x128x128xbf16, #tpu.memory_space<vmem>>
      %dma_start3A_80 = tpu.memref_squeeze %dma_start3A_79 : memref<1x128x128xbf16, #tpu.memory_space<vmem>> -> memref<128x128xbf16, #tpu.memory_space<vmem>>
      %dma_start3A_81 = arith.constant 0 : i32
      %dma_start3A_82 = tpu.memref_slice %arg9[%add3A_23, %dma_start3A_81] : memref<10240x128xbf16, #tpu.memory_space<vmem_shared>> -> memref<128x128xbf16, #tpu.memory_space<vmem_shared>>
      %dma_start3A_83 = arith.constant 0 : i32
      %dma_start3A_84 = tpu.memref_slice %arg9[%add3A_23, %dma_start3A_83] : memref<10240x128xbf16, #tpu.memory_space<vmem_shared>> -> memref<128x128xbf16, #tpu.memory_space<vmem_shared>>
      %dma_start3A_85 = arith.constant 0 : i32
      %dma_start3A_86 = arith.constant 0 : i32
      %dma_start3A_87 = tpu.memref_slice %arg7[%run_scoped3A, %dma_start3A_85, %dma_start3A_86] : memref<2x128x128xbf16, #tpu.memory_space<vmem>> -> memref<1x128x128xbf16, #tpu.memory_space<vmem>>
      %dma_start3A_88 = tpu.memref_squeeze %dma_start3A_87 : memref<1x128x128xbf16, #tpu.memory_space<vmem>> -> memref<128x128xbf16, #tpu.memory_space<vmem>>
      tpu.enqueue_dma source(%dma_start3A_88 : memref<128x128xbf16, #tpu.memory_space<vmem>>) target(%dma_start3A_84 : memref<128x128xbf16, #tpu.memory_space<vmem_shared>>) target_semaphore(%run_scoped3A_76 : memref<!tpu.dma_semaphore, #tpu.memory_space<semaphore_mem>>)
      %dma_wait3A = arith.constant 0 : i32
      %dma_wait3A_89 = arith.constant 0 : i32
      %dma_wait3A_90 = tpu.memref_slice %arg7[%run_scoped3A, %dma_wait3A, %dma_wait3A_89] : memref<2x128x128xbf16, #tpu.memory_space<vmem>> -> memref<1x128x128xbf16, #tpu.memory_space<vmem>>
      %dma_wait3A_91 = tpu.memref_squeeze %dma_wait3A_90 : memref<1x128x128xbf16, #tpu.memory_space<vmem>> -> memref<128x128xbf16, #tpu.memory_space<vmem>>
      %dma_wait3A_92 = arith.constant 0 : i32
      %dma_wait3A_93 = tpu.memref_slice %arg9[%add3A_23, %dma_wait3A_92] : memref<10240x128xbf16, #tpu.memory_space<vmem_shared>> -> memref<128x128xbf16, #tpu.memory_space<vmem_shared>>
      %dma_wait3A_94 = arith.constant 0 : i32
      %dma_wait3A_95 = tpu.memref_slice %arg9[%add3A_23, %dma_wait3A_94] : memref<10240x128xbf16, #tpu.memory_space<vmem_shared>> -> memref<128x128xbf16, #tpu.memory_space<vmem_shared>>
      %dma_wait3A_96 = arith.constant 0 : i32
      %dma_wait3A_97 = arith.constant 0 : i32
      %dma_wait3A_98 = tpu.memref_slice %arg7[%run_scoped3A, %dma_wait3A_96, %dma_wait3A_97] : memref<2x128x128xbf16, #tpu.memory_space<vmem>> -> memref<1x128x128xbf16, #tpu.memory_space<vmem>>
      %dma_wait3A_99 = tpu.memref_squeeze %dma_wait3A_98 : memref<1x128x128xbf16, #tpu.memory_space<vmem>> -> memref<128x128xbf16, #tpu.memory_space<vmem>>
      tpu.wait_dma2 semaphore(%run_scoped3A_76 : memref<!tpu.dma_semaphore, #tpu.memory_space<semaphore_mem>>) src(%dma_wait3A_99 : memref<128x128xbf16, #tpu.memory_space<vmem>>) dst(%dma_wait3A_95 : memref<128x128xbf16, #tpu.memory_space<vmem_shared>>)
      tpu.yield
    }) : () -> ()
    %mul3A_24 = arith.constant 640 : i32
    %mul3A_25 = arith.muli %arg1, %mul3A_24 : i32
    %add3A_26 = arith.constant 128 : i32
    %add3A_27 = arith.addi %mul3A_25, %add3A_26 : i32
    %run_scoped3A_28 = arith.constant 0 : i32
    "tpu.region"() ({
      %run_scoped3A_76 = tpu.sem_alloc : memref<!tpu.dma_semaphore, #tpu.memory_space<semaphore_mem>>
      %dma_start3A_77 = arith.constant 0 : i32
      %dma_start3A_78 = arith.constant 0 : i32
      %dma_start3A_79 = tpu.memref_slice %arg7[%run_scoped3A_28, %dma_start3A_77, %dma_start3A_78] : memref<2x128x128xbf16, #tpu.memory_space<vmem>> -> memref<1x128x128xbf16, #tpu.memory_space<vmem>>
      %dma_start3A_80 = tpu.memref_squeeze %dma_start3A_79 : memref<1x128x128xbf16, #tpu.memory_space<vmem>> -> memref<128x128xbf16, #tpu.memory_space<vmem>>
      %dma_start3A_81 = arith.constant 0 : i32
      %dma_start3A_82 = tpu.memref_slice %arg9[%add3A_27, %dma_start3A_81] : memref<10240x128xbf16, #tpu.memory_space<vmem_shared>> -> memref<128x128xbf16, #tpu.memory_space<vmem_shared>>
      %dma_start3A_83 = arith.constant 0 : i32
      %dma_start3A_84 = tpu.memref_slice %arg9[%add3A_27, %dma_start3A_83] : memref<10240x128xbf16, #tpu.memory_space<vmem_shared>> -> memref<128x128xbf16, #tpu.memory_space<vmem_shared>>
      %dma_start3A_85 = arith.constant 0 : i32
      %dma_start3A_86 = arith.constant 0 : i32
      %dma_start3A_87 = tpu.memref_slice %arg7[%run_scoped3A_28, %dma_start3A_85, %dma_start3A_86] : memref<2x128x128xbf16, #tpu.memory_space<vmem>> -> memref<1x128x128xbf16, #tpu.memory_space<vmem>>
      %dma_start3A_88 = tpu.memref_squeeze %dma_start3A_87 : memref<1x128x128xbf16, #tpu.memory_space<vmem>> -> memref<128x128xbf16, #tpu.memory_space<vmem>>
      tpu.enqueue_dma source(%dma_start3A_88 : memref<128x128xbf16, #tpu.memory_space<vmem>>) target(%dma_start3A_84 : memref<128x128xbf16, #tpu.memory_space<vmem_shared>>) target_semaphore(%run_scoped3A_76 : memref<!tpu.dma_semaphore, #tpu.memory_space<semaphore_mem>>)
      %dma_wait3A = arith.constant 0 : i32
      %dma_wait3A_89 = arith.constant 0 : i32
      %dma_wait3A_90 = tpu.memref_slice %arg7[%run_scoped3A_28, %dma_wait3A, %dma_wait3A_89] : memref<2x128x128xbf16, #tpu.memory_space<vmem>> -> memref<1x128x128xbf16, #tpu.memory_space<vmem>>
      %dma_wait3A_91 = tpu.memref_squeeze %dma_wait3A_90 : memref<1x128x128xbf16, #tpu.memory_space<vmem>> -> memref<128x128xbf16, #tpu.memory_space<vmem>>
      %dma_wait3A_92 = arith.constant 0 : i32
      %dma_wait3A_93 = tpu.memref_slice %arg9[%add3A_27, %dma_wait3A_92] : memref<10240x128xbf16, #tpu.memory_space<vmem_shared>> -> memref<128x128xbf16, #tpu.memory_space<vmem_shared>>
      %dma_wait3A_94 = arith.constant 0 : i32
      %dma_wait3A_95 = tpu.memref_slice %arg9[%add3A_27, %dma_wait3A_94] : memref<10240x128xbf16, #tpu.memory_space<vmem_shared>> -> memref<128x128xbf16, #tpu.memory_space<vmem_shared>>
      %dma_wait3A_96 = arith.constant 0 : i32
      %dma_wait3A_97 = arith.constant 0 : i32
      %dma_wait3A_98 = tpu.memref_slice %arg7[%run_scoped3A_28, %dma_wait3A_96, %dma_wait3A_97] : memref<2x128x128xbf16, #tpu.memory_space<vmem>> -> memref<1x128x128xbf16, #tpu.memory_space<vmem>>
      %dma_wait3A_99 = tpu.memref_squeeze %dma_wait3A_98 : memref<1x128x128xbf16, #tpu.memory_space<vmem>> -> memref<128x128xbf16, #tpu.memory_space<vmem>>
      tpu.wait_dma2 semaphore(%run_scoped3A_76 : memref<!tpu.dma_semaphore, #tpu.memory_space<semaphore_mem>>) src(%dma_wait3A_99 : memref<128x128xbf16, #tpu.memory_space<vmem>>) dst(%dma_wait3A_95 : memref<128x128xbf16, #tpu.memory_space<vmem_shared>>)
      tpu.yield
    }) : () -> ()
    %mul3A_29 = arith.constant 640 : i32
    %mul3A_30 = arith.muli %arg1, %mul3A_29 : i32
    %add3A_31 = arith.constant 256 : i32
    %add3A_32 = arith.addi %mul3A_30, %add3A_31 : i32
    %run_scoped3A_33 = arith.constant 0 : i32
    "tpu.region"() ({
      %run_scoped3A_76 = tpu.sem_alloc : memref<!tpu.dma_semaphore, #tpu.memory_space<semaphore_mem>>
      %dma_start3A_77 = arith.constant 0 : i32
      %dma_start3A_78 = arith.constant 0 : i32
      %dma_start3A_79 = tpu.memref_slice %arg7[%run_scoped3A_33, %dma_start3A_77, %dma_start3A_78] : memref<2x128x128xbf16, #tpu.memory_space<vmem>> -> memref<1x128x128xbf16, #tpu.memory_space<vmem>>
      %dma_start3A_80 = tpu.memref_squeeze %dma_start3A_79 : memref<1x128x128xbf16, #tpu.memory_space<vmem>> -> memref<128x128xbf16, #tpu.memory_space<vmem>>
      %dma_start3A_81 = arith.constant 0 : i32
      %dma_start3A_82 = tpu.memref_slice %arg9[%add3A_32, %dma_start3A_81] : memref<10240x128xbf16, #tpu.memory_space<vmem_shared>> -> memref<128x128xbf16, #tpu.memory_space<vmem_shared>>
      %dma_start3A_83 = arith.constant 0 : i32
      %dma_start3A_84 = tpu.memref_slice %arg9[%add3A_32, %dma_start3A_83] : memref<10240x128xbf16, #tpu.memory_space<vmem_shared>> -> memref<128x128xbf16, #tpu.memory_space<vmem_shared>>
      %dma_start3A_85 = arith.constant 0 : i32
      %dma_start3A_86 = arith.constant 0 : i32
      %dma_start3A_87 = tpu.memref_slice %arg7[%run_scoped3A_33, %dma_start3A_85, %dma_start3A_86] : memref<2x128x128xbf16, #tpu.memory_space<vmem>> -> memref<1x128x128xbf16, #tpu.memory_space<vmem>>
      %dma_start3A_88 = tpu.memref_squeeze %dma_start3A_87 : memref<1x128x128xbf16, #tpu.memory_space<vmem>> -> memref<128x128xbf16, #tpu.memory_space<vmem>>
      tpu.enqueue_dma source(%dma_start3A_88 : memref<128x128xbf16, #tpu.memory_space<vmem>>) target(%dma_start3A_84 : memref<128x128xbf16, #tpu.memory_space<vmem_shared>>) target_semaphore(%run_scoped3A_76 : memref<!tpu.dma_semaphore, #tpu.memory_space<semaphore_mem>>)
      %dma_wait3A = arith.constant 0 : i32
      %dma_wait3A_89 = arith.constant 0 : i32
      %dma_wait3A_90 = tpu.memref_slice %arg7[%run_scoped3A_33, %dma_wait3A, %dma_wait3A_89] : memref<2x128x128xbf16, #tpu.memory_space<vmem>> -> memref<1x128x128xbf16, #tpu.memory_space<vmem>>
      %dma_wait3A_91 = tpu.memref_squeeze %dma_wait3A_90 : memref<1x128x128xbf16, #tpu.memory_space<vmem>> -> memref<128x128xbf16, #tpu.memory_space<vmem>>
      %dma_wait3A_92 = arith.constant 0 : i32
      %dma_wait3A_93 = tpu.memref_slice %arg9[%add3A_32, %dma_wait3A_92] : memref<10240x128xbf16, #tpu.memory_space<vmem_shared>> -> memref<128x128xbf16, #tpu.memory_space<vmem_shared>>
      %dma_wait3A_94 = arith.constant 0 : i32
      %dma_wait3A_95 = tpu.memref_slice %arg9[%add3A_32, %dma_wait3A_94] : memref<10240x128xbf16, #tpu.memory_space<vmem_shared>> -> memref<128x128xbf16, #tpu.memory_space<vmem_shared>>
      %dma_wait3A_96 = arith.constant 0 : i32
      %dma_wait3A_97 = arith.constant 0 : i32
      %dma_wait3A_98 = tpu.memref_slice %arg7[%run_scoped3A_33, %dma_wait3A_96, %dma_wait3A_97] : memref<2x128x128xbf16, #tpu.memory_space<vmem>> -> memref<1x128x128xbf16, #tpu.memory_space<vmem>>
      %dma_wait3A_99 = tpu.memref_squeeze %dma_wait3A_98 : memref<1x128x128xbf16, #tpu.memory_space<vmem>> -> memref<128x128xbf16, #tpu.memory_space<vmem>>
      tpu.wait_dma2 semaphore(%run_scoped3A_76 : memref<!tpu.dma_semaphore, #tpu.memory_space<semaphore_mem>>) src(%dma_wait3A_99 : memref<128x128xbf16, #tpu.memory_space<vmem>>) dst(%dma_wait3A_95 : memref<128x128xbf16, #tpu.memory_space<vmem_shared>>)
      tpu.yield
    }) : () -> ()
    %mul3A_34 = arith.constant 640 : i32
    %mul3A_35 = arith.muli %arg1, %mul3A_34 : i32
    %add3A_36 = arith.constant 384 : i32
    %add3A_37 = arith.addi %mul3A_35, %add3A_36 : i32
    %run_scoped3A_38 = arith.constant 0 : i32
    "tpu.region"() ({
      %run_scoped3A_76 = tpu.sem_alloc : memref<!tpu.dma_semaphore, #tpu.memory_space<semaphore_mem>>
      %dma_start3A_77 = arith.constant 0 : i32
      %dma_start3A_78 = arith.constant 0 : i32
      %dma_start3A_79 = tpu.memref_slice %arg7[%run_scoped3A_38, %dma_start3A_77, %dma_start3A_78] : memref<2x128x128xbf16, #tpu.memory_space<vmem>> -> memref<1x128x128xbf16, #tpu.memory_space<vmem>>
      %dma_start3A_80 = tpu.memref_squeeze %dma_start3A_79 : memref<1x128x128xbf16, #tpu.memory_space<vmem>> -> memref<128x128xbf16, #tpu.memory_space<vmem>>
      %dma_start3A_81 = arith.constant 0 : i32
      %dma_start3A_82 = tpu.memref_slice %arg9[%add3A_37, %dma_start3A_81] : memref<10240x128xbf16, #tpu.memory_space<vmem_shared>> -> memref<128x128xbf16, #tpu.memory_space<vmem_shared>>
      %dma_start3A_83 = arith.constant 0 : i32
      %dma_start3A_84 = tpu.memref_slice %arg9[%add3A_37, %dma_start3A_83] : memref<10240x128xbf16, #tpu.memory_space<vmem_shared>> -> memref<128x128xbf16, #tpu.memory_space<vmem_shared>>
      %dma_start3A_85 = arith.constant 0 : i32
      %dma_start3A_86 = arith.constant 0 : i32
      %dma_start3A_87 = tpu.memref_slice %arg7[%run_scoped3A_38, %dma_start3A_85, %dma_start3A_86] : memref<2x128x128xbf16, #tpu.memory_space<vmem>> -> memref<1x128x128xbf16, #tpu.memory_space<vmem>>
      %dma_start3A_88 = tpu.memref_squeeze %dma_start3A_87 : memref<1x128x128xbf16, #tpu.memory_space<vmem>> -> memref<128x128xbf16, #tpu.memory_space<vmem>>
      tpu.enqueue_dma source(%dma_start3A_88 : memref<128x128xbf16, #tpu.memory_space<vmem>>) target(%dma_start3A_84 : memref<128x128xbf16, #tpu.memory_space<vmem_shared>>) target_semaphore(%run_scoped3A_76 : memref<!tpu.dma_semaphore, #tpu.memory_space<semaphore_mem>>)
      %dma_wait3A = arith.constant 0 : i32
      %dma_wait3A_89 = arith.constant 0 : i32
      %dma_wait3A_90 = tpu.memref_slice %arg7[%run_scoped3A_38, %dma_wait3A, %dma_wait3A_89] : memref<2x128x128xbf16, #tpu.memory_space<vmem>> -> memref<1x128x128xbf16, #tpu.memory_space<vmem>>
      %dma_wait3A_91 = tpu.memref_squeeze %dma_wait3A_90 : memref<1x128x128xbf16, #tpu.memory_space<vmem>> -> memref<128x128xbf16, #tpu.memory_space<vmem>>
      %dma_wait3A_92 = arith.constant 0 : i32
      %dma_wait3A_93 = tpu.memref_slice %arg9[%add3A_37, %dma_wait3A_92] : memref<10240x128xbf16, #tpu.memory_space<vmem_shared>> -> memref<128x128xbf16, #tpu.memory_space<vmem_shared>>
      %dma_wait3A_94 = arith.constant 0 : i32
      %dma_wait3A_95 = tpu.memref_slice %arg9[%add3A_37, %dma_wait3A_94] : memref<10240x128xbf16, #tpu.memory_space<vmem_shared>> -> memref<128x128xbf16, #tpu.memory_space<vmem_shared>>
      %dma_wait3A_96 = arith.constant 0 : i32
      %dma_wait3A_97 = arith.constant 0 : i32
      %dma_wait3A_98 = tpu.memref_slice %arg7[%run_scoped3A_38, %dma_wait3A_96, %dma_wait3A_97] : memref<2x128x128xbf16, #tpu.memory_space<vmem>> -> memref<1x128x128xbf16, #tpu.memory_space<vmem>>
      %dma_wait3A_99 = tpu.memref_squeeze %dma_wait3A_98 : memref<1x128x128xbf16, #tpu.memory_space<vmem>> -> memref<128x128xbf16, #tpu.memory_space<vmem>>
      tpu.wait_dma2 semaphore(%run_scoped3A_76 : memref<!tpu.dma_semaphore, #tpu.memory_space<semaphore_mem>>) src(%dma_wait3A_99 : memref<128x128xbf16, #tpu.memory_space<vmem>>) dst(%dma_wait3A_95 : memref<128x128xbf16, #tpu.memory_space<vmem_shared>>)
      tpu.yield
    }) : () -> ()
    %mul3A_39 = arith.constant 640 : i32
    %mul3A_40 = arith.muli %arg1, %mul3A_39 : i32
    %add3A_41 = arith.constant 512 : i32
    %add3A_42 = arith.addi %mul3A_40, %add3A_41 : i32
    %run_scoped3A_43 = arith.constant 0 : i32
    "tpu.region"() ({
      %run_scoped3A_76 = tpu.sem_alloc : memref<!tpu.dma_semaphore, #tpu.memory_space<semaphore_mem>>
      %dma_start3A_77 = arith.constant 0 : i32
      %dma_start3A_78 = arith.constant 0 : i32
      %dma_start3A_79 = tpu.memref_slice %arg7[%run_scoped3A_43, %dma_start3A_77, %dma_start3A_78] : memref<2x128x128xbf16, #tpu.memory_space<vmem>> -> memref<1x128x128xbf16, #tpu.memory_space<vmem>>
      %dma_start3A_80 = tpu.memref_squeeze %dma_start3A_79 : memref<1x128x128xbf16, #tpu.memory_space<vmem>> -> memref<128x128xbf16, #tpu.memory_space<vmem>>
      %dma_start3A_81 = arith.constant 0 : i32
      %dma_start3A_82 = tpu.memref_slice %arg9[%add3A_42, %dma_start3A_81] : memref<10240x128xbf16, #tpu.memory_space<vmem_shared>> -> memref<128x128xbf16, #tpu.memory_space<vmem_shared>>
      %dma_start3A_83 = arith.constant 0 : i32
      %dma_start3A_84 = tpu.memref_slice %arg9[%add3A_42, %dma_start3A_83] : memref<10240x128xbf16, #tpu.memory_space<vmem_shared>> -> memref<128x128xbf16, #tpu.memory_space<vmem_shared>>
      %dma_start3A_85 = arith.constant 0 : i32
      %dma_start3A_86 = arith.constant 0 : i32
      %dma_start3A_87 = tpu.memref_slice %arg7[%run_scoped3A_43, %dma_start3A_85, %dma_start3A_86] : memref<2x128x128xbf16, #tpu.memory_space<vmem>> -> memref<1x128x128xbf16, #tpu.memory_space<vmem>>
      %dma_start3A_88 = tpu.memref_squeeze %dma_start3A_87 : memref<1x128x128xbf16, #tpu.memory_space<vmem>> -> memref<128x128xbf16, #tpu.memory_space<vmem>>
      tpu.enqueue_dma source(%dma_start3A_88 : memref<128x128xbf16, #tpu.memory_space<vmem>>) target(%dma_start3A_84 : memref<128x128xbf16, #tpu.memory_space<vmem_shared>>) target_semaphore(%run_scoped3A_76 : memref<!tpu.dma_semaphore, #tpu.memory_space<semaphore_mem>>)
      %dma_wait3A = arith.constant 0 : i32
      %dma_wait3A_89 = arith.constant 0 : i32
      %dma_wait3A_90 = tpu.memref_slice %arg7[%run_scoped3A_43, %dma_wait3A, %dma_wait3A_89] : memref<2x128x128xbf16, #tpu.memory_space<vmem>> -> memref<1x128x128xbf16, #tpu.memory_space<vmem>>
      %dma_wait3A_91 = tpu.memref_squeeze %dma_wait3A_90 : memref<1x128x128xbf16, #tpu.memory_space<vmem>> -> memref<128x128xbf16, #tpu.memory_space<vmem>>
      %dma_wait3A_92 = arith.constant 0 : i32
      %dma_wait3A_93 = tpu.memref_slice %arg9[%add3A_42, %dma_wait3A_92] : memref<10240x128xbf16, #tpu.memory_space<vmem_shared>> -> memref<128x128xbf16, #tpu.memory_space<vmem_shared>>
      %dma_wait3A_94 = arith.constant 0 : i32
      %dma_wait3A_95 = tpu.memref_slice %arg9[%add3A_42, %dma_wait3A_94] : memref<10240x128xbf16, #tpu.memory_space<vmem_shared>> -> memref<128x128xbf16, #tpu.memory_space<vmem_shared>>
      %dma_wait3A_96 = arith.constant 0 : i32
      %dma_wait3A_97 = arith.constant 0 : i32
      %dma_wait3A_98 = tpu.memref_slice %arg7[%run_scoped3A_43, %dma_wait3A_96, %dma_wait3A_97] : memref<2x128x128xbf16, #tpu.memory_space<vmem>> -> memref<1x128x128xbf16, #tpu.memory_space<vmem>>
      %dma_wait3A_99 = tpu.memref_squeeze %dma_wait3A_98 : memref<1x128x128xbf16, #tpu.memory_space<vmem>> -> memref<128x128xbf16, #tpu.memory_space<vmem>>
      tpu.wait_dma2 semaphore(%run_scoped3A_76 : memref<!tpu.dma_semaphore, #tpu.memory_space<semaphore_mem>>) src(%dma_wait3A_99 : memref<128x128xbf16, #tpu.memory_space<vmem>>) dst(%dma_wait3A_95 : memref<128x128xbf16, #tpu.memory_space<vmem_shared>>)
      tpu.yield
    }) : () -> ()
    %mul3A_44 = arith.constant 625 : i32
    %mul3A_45 = arith.muli %arg1, %mul3A_44 : i32
    %mul3A_46 = arith.constant 625 : i32
    %mul3A_47 = arith.muli %arg1, %mul3A_46 : i32
    "tpu.region"() ({
      %run_scoped3A_76 = tpu.sem_alloc : memref<!tpu.dma_semaphore, #tpu.memory_space<semaphore_mem>>
      %dma_start3A_77 = arith.constant 0 : i32
      %dma_start3A_78 = tpu.memref_slice %arg8[%mul3A_47, %dma_start3A_77] : memref<10240x128xbf16, #tpu.memory_space<vmem_shared>> -> memref<625x128xbf16, #tpu.memory_space<vmem_shared>>
      %dma_start3A_79 = arith.constant 0 : i32
      %dma_start3A_80 = tpu.memref_slice %arg2[%mul3A_45, %dma_start3A_79] : memref<10000x128xbf16, #tpu.memory_space<hbm>> -> memref<625x128xbf16, #tpu.memory_space<hbm>>
      tpu.enqueue_dma source(%dma_start3A_80 : memref<625x128xbf16, #tpu.memory_space<hbm>>) target(%dma_start3A_78 : memref<625x128xbf16, #tpu.memory_space<vmem_shared>>) target_semaphore(%run_scoped3A_76 : memref<!tpu.dma_semaphore, #tpu.memory_space<semaphore_mem>>)
      %dma_wait3A = arith.constant 0 : i32
      %dma_wait3A_81 = tpu.memref_slice %arg8[%mul3A_47, %dma_wait3A] : memref<10240x128xbf16, #tpu.memory_space<vmem_shared>> -> memref<625x128xbf16, #tpu.memory_space<vmem_shared>>
      %dma_wait3A_82 = arith.constant 0 : i32
      %dma_wait3A_83 = tpu.memref_slice %arg2[%mul3A_45, %dma_wait3A_82] : memref<10000x128xbf16, #tpu.memory_space<hbm>> -> memref<625x128xbf16, #tpu.memory_space<hbm>>
      tpu.wait_dma2 semaphore(%run_scoped3A_76 : memref<!tpu.dma_semaphore, #tpu.memory_space<semaphore_mem>>) src(%dma_wait3A_83 : memref<625x128xbf16, #tpu.memory_space<hbm>>) dst(%dma_wait3A_81 : memref<625x128xbf16, #tpu.memory_space<vmem_shared>>)
      tpu.yield
    }) : () -> ()
    %barrier3A = arith.constant 0 : index
    tpu.barrier barrier_id(%barrier3A)
    %dma_start3A = arith.constant 0 : i32
    %dma_start3A_48 = arith.constant 0 : i32
    %dma_start3A_49 = arith.constant 0 : i32
    %dma_start3A_50 = arith.constant 0 : i32
    %dma_start3A_51 = tpu.memref_slice %arg7[%dma_start3A_48, %dma_start3A_49, %dma_start3A_50] : memref<2x128x128xbf16, #tpu.memory_space<vmem>> -> memref<1x128x128xbf16, #tpu.memory_space<vmem>>
    %dma_start3A_52 = tpu.memref_squeeze %dma_start3A_51 : memref<1x128x128xbf16, #tpu.memory_space<vmem>> -> memref<128x128xbf16, #tpu.memory_space<vmem>>
    %dma_start3A_53 = arith.constant 0 : i32
    %dma_start3A_54 = tpu.memref_slice %arg5[%dma_start3A, %dma_start3A_53] : memref<79x128xi32, #tpu.memory_space<vmem>> -> memref<1x128xi32, #tpu.memory_space<vmem>>
    %dma_start3A_55 = tpu.memref_squeeze %dma_start3A_54 : memref<1x128xi32, #tpu.memory_space<vmem>> -> memref<128xi32, #tpu.memory_space<vmem>>
    %dma_start3A_56 = arith.constant 0 : i32
    %dma_start3A_57 = arith.constant 0 : i32
    %dma_start3A_58 = tpu.memref_slice %arg8[%dma_start3A_56, %dma_start3A_57] : memref<10240x128xbf16, #tpu.memory_space<vmem_shared>> -> memref<10240x128xbf16, #tpu.memory_space<vmem_shared>>
    tpu.enqueue_indirect_dma source(%dma_start3A_58 : memref<10240x128xbf16, #tpu.memory_space<vmem_shared>>) target(%dma_start3A_52 : memref<128x128xbf16, #tpu.memory_space<vmem>>) offsets(%dma_start3A_55 : memref<128xi32, #tpu.memory_space<vmem>>) semaphore(%arg10 : memref<!tpu.dma_semaphore, #tpu.memory_space<semaphore_mem>>)
    %scan3A_59 = arith.constant 0 : i32
    %scan3A_60 = arith.constant 0 : i32
    %scan3A_61 = arith.constant 39 : i32
    %scan3A_62 = arith.addi %scan3A_60, %scan3A_61 : i32
    %scan3A_63 = arith.constant 1 : i32
    %scan3A_64 = scf.for %scan3A_76 = %scan3A_60 to %scan3A_62 step %scan3A_63 iter_args(%scan3A_77 = %scan3A_59) -> (i32)  : i32 {
      %mul3A_78 = arith.constant 2 : i32
      %mul3A_79 = arith.muli %mul3A_78, %scan3A_76 : i32
      %add3A_80 = arith.constant 1 : i32
      %add3A_81 = arith.addi %mul3A_79, %add3A_80 : i32
      %dma_start3A_82 = arith.constant 1 : i32
      %dma_start3A_83 = arith.constant 0 : i32
      %dma_start3A_84 = arith.constant 0 : i32
      %dma_start3A_85 = tpu.memref_slice %arg7[%dma_start3A_82, %dma_start3A_83, %dma_start3A_84] : memref<2x128x128xbf16, #tpu.memory_space<vmem>> -> memref<1x128x128xbf16, #tpu.memory_space<vmem>>
      %dma_start3A_86 = tpu.memref_squeeze %dma_start3A_85 : memref<1x128x128xbf16, #tpu.memory_space<vmem>> -> memref<128x128xbf16, #tpu.memory_space<vmem>>
      %dma_start3A_87 = arith.constant 0 : i32
      %dma_start3A_88 = tpu.memref_slice %arg5[%add3A_81, %dma_start3A_87] : memref<79x128xi32, #tpu.memory_space<vmem>> -> memref<1x128xi32, #tpu.memory_space<vmem>>
      %dma_start3A_89 = tpu.memref_squeeze %dma_start3A_88 : memref<1x128xi32, #tpu.memory_space<vmem>> -> memref<128xi32, #tpu.memory_space<vmem>>
      %dma_start3A_90 = arith.constant 0 : i32
      %dma_start3A_91 = arith.constant 0 : i32
      %dma_start3A_92 = tpu.memref_slice %arg8[%dma_start3A_90, %dma_start3A_91] : memref<10240x128xbf16, #tpu.memory_space<vmem_shared>> -> memref<10240x128xbf16, #tpu.memory_space<vmem_shared>>
      tpu.enqueue_indirect_dma source(%dma_start3A_92 : memref<10240x128xbf16, #tpu.memory_space<vmem_shared>>) target(%dma_start3A_86 : memref<128x128xbf16, #tpu.memory_space<vmem>>) offsets(%dma_start3A_89 : memref<128xi32, #tpu.memory_space<vmem>>) semaphore(%arg11 : memref<!tpu.dma_semaphore, #tpu.memory_space<semaphore_mem>>)
      %dma_wait3A = arith.constant 0 : i32
      %dma_wait3A_93 = arith.constant 0 : i32
      %dma_wait3A_94 = arith.constant 0 : i32
      %dma_wait3A_95 = tpu.memref_slice %arg7[%dma_wait3A, %dma_wait3A_93, %dma_wait3A_94] : memref<2x128x128xbf16, #tpu.memory_space<vmem>> -> memref<1x128x128xbf16, #tpu.memory_space<vmem>>
      %dma_wait3A_96 = tpu.memref_squeeze %dma_wait3A_95 : memref<1x128x128xbf16, #tpu.memory_space<vmem>> -> memref<128x128xbf16, #tpu.memory_space<vmem>>
      %dma_wait3A_97 = arith.constant 0 : i32
      %dma_wait3A_98 = tpu.memref_slice %arg5[%mul3A_79, %dma_wait3A_97] : memref<79x128xi32, #tpu.memory_space<vmem>> -> memref<1x128xi32, #tpu.memory_space<vmem>>
      %dma_wait3A_99 = tpu.memref_squeeze %dma_wait3A_98 : memref<1x128xi32, #tpu.memory_space<vmem>> -> memref<128xi32, #tpu.memory_space<vmem>>
      %dma_wait3A_100 = arith.constant 0 : i32
      %dma_wait3A_101 = arith.constant 0 : i32
      %dma_wait3A_102 = tpu.memref_slice %arg8[%dma_wait3A_100, %dma_wait3A_101] : memref<10240x128xbf16, #tpu.memory_space<vmem_shared>> -> memref<10240x128xbf16, #tpu.memory_space<vmem_shared>>
      tpu.wait_indirect_dma semaphore(%arg10 : memref<!tpu.dma_semaphore, #tpu.memory_space<semaphore_mem>>) src(%dma_wait3A_102 : memref<10240x128xbf16, #tpu.memory_space<vmem_shared>>) dst(%dma_wait3A_96 : memref<128x128xbf16, #tpu.memory_space<vmem>>)
      %run_scoped3A_103 = arith.constant 0 : i32
      "tpu.region"() ({
        %run_scoped3A_133 = tpu.sem_alloc : memref<!tpu.dma_semaphore, #tpu.memory_space<semaphore_mem>>
        %dma_start3A_134 = arith.constant 0 : i32
        %dma_start3A_135 = arith.constant 0 : i32
        %dma_start3A_136 = tpu.memref_slice %arg7[%run_scoped3A_103, %dma_start3A_134, %dma_start3A_135] : memref<2x128x128xbf16, #tpu.memory_space<vmem>> -> memref<1x128x128xbf16, #tpu.memory_space<vmem>>
        %dma_start3A_137 = tpu.memref_squeeze %dma_start3A_136 : memref<1x128x128xbf16, #tpu.memory_space<vmem>> -> memref<128x128xbf16, #tpu.memory_space<vmem>>
        %dma_start3A_138 = arith.constant 0 : i32
        %dma_start3A_139 = tpu.memref_slice %arg6[%mul3A_79, %dma_start3A_138] : memref<79x128xi32, #tpu.memory_space<vmem>> -> memref<1x128xi32, #tpu.memory_space<vmem>>
        %dma_start3A_140 = tpu.memref_squeeze %dma_start3A_139 : memref<1x128xi32, #tpu.memory_space<vmem>> -> memref<128xi32, #tpu.memory_space<vmem>>
        %dma_start3A_141 = arith.constant 0 : i32
        %dma_start3A_142 = arith.constant 0 : i32
        %dma_start3A_143 = tpu.memref_slice %arg9[%dma_start3A_141, %dma_start3A_142] : memref<10240x128xbf16, #tpu.memory_space<vmem_shared>> -> memref<10240x128xbf16, #tpu.memory_space<vmem_shared>>
        tpu.enqueue_indirect_dma source(%dma_start3A_137 : memref<128x128xbf16, #tpu.memory_space<vmem>>) target(%dma_start3A_143 : memref<10240x128xbf16, #tpu.memory_space<vmem_shared>>) offsets(%dma_start3A_140 : memref<128xi32, #tpu.memory_space<vmem>>) semaphore(%run_scoped3A_133 : memref<!tpu.dma_semaphore, #tpu.memory_space<semaphore_mem>>) {add = true}
        %dma_wait3A_144 = arith.constant 0 : i32
        %dma_wait3A_145 = arith.constant 0 : i32
        %dma_wait3A_146 = tpu.memref_slice %arg7[%run_scoped3A_103, %dma_wait3A_144, %dma_wait3A_145] : memref<2x128x128xbf16, #tpu.memory_space<vmem>> -> memref<1x128x128xbf16, #tpu.memory_space<vmem>>
        %dma_wait3A_147 = tpu.memref_squeeze %dma_wait3A_146 : memref<1x128x128xbf16, #tpu.memory_space<vmem>> -> memref<128x128xbf16, #tpu.memory_space<vmem>>
        %dma_wait3A_148 = arith.constant 0 : i32
        %dma_wait3A_149 = tpu.memref_slice %arg6[%mul3A_79, %dma_wait3A_148] : memref<79x128xi32, #tpu.memory_space<vmem>> -> memref<1x128xi32, #tpu.memory_space<vmem>>
        %dma_wait3A_150 = tpu.memref_squeeze %dma_wait3A_149 : memref<1x128xi32, #tpu.memory_space<vmem>> -> memref<128xi32, #tpu.memory_space<vmem>>
        %dma_wait3A_151 = arith.constant 0 : i32
        %dma_wait3A_152 = arith.constant 0 : i32
        %dma_wait3A_153 = tpu.memref_slice %arg9[%dma_wait3A_151, %dma_wait3A_152] : memref<10240x128xbf16, #tpu.memory_space<vmem_shared>> -> memref<10240x128xbf16, #tpu.memory_space<vmem_shared>>
        tpu.wait_indirect_dma semaphore(%run_scoped3A_133 : memref<!tpu.dma_semaphore, #tpu.memory_space<semaphore_mem>>) src(%dma_wait3A_147 : memref<128x128xbf16, #tpu.memory_space<vmem>>) dst(%dma_wait3A_153 : memref<10240x128xbf16, #tpu.memory_space<vmem_shared>>)
        tpu.yield
      }) : () -> ()
      %add3A_104 = arith.constant 2 : i32
      %add3A_105 = arith.addi %mul3A_79, %add3A_104 : i32
      %lt3A_106 = arith.cmpi slt, %add3A_105, %add3A_8 : i32
      %convert_element_type3A_107 = arith.extui %lt3A_106 : i1 to i32
      %cond3A_108 = arith.constant 0 : i32
      %cond3A_109 = arith.cmpi ne, %convert_element_type3A_107, %cond3A_108 : i32
      scf.if %cond3A_109 {
        %add3A_133 = arith.constant 2 : i32
        %add3A_134 = arith.addi %mul3A_79, %add3A_133 : i32
        %dma_start3A_135 = arith.constant 0 : i32
        %dma_start3A_136 = arith.constant 0 : i32
        %dma_start3A_137 = arith.constant 0 : i32
        %dma_start3A_138 = tpu.memref_slice %arg7[%dma_start3A_135, %dma_start3A_136, %dma_start3A_137] : memref<2x128x128xbf16, #tpu.memory_space<vmem>> -> memref<1x128x128xbf16, #tpu.memory_space<vmem>>
        %dma_start3A_139 = tpu.memref_squeeze %dma_start3A_138 : memref<1x128x128xbf16, #tpu.memory_space<vmem>> -> memref<128x128xbf16, #tpu.memory_space<vmem>>
        %dma_start3A_140 = arith.constant 0 : i32
        %dma_start3A_141 = tpu.memref_slice %arg5[%add3A_134, %dma_start3A_140] : memref<79x128xi32, #tpu.memory_space<vmem>> -> memref<1x128xi32, #tpu.memory_space<vmem>>
        %dma_start3A_142 = tpu.memref_squeeze %dma_start3A_141 : memref<1x128xi32, #tpu.memory_space<vmem>> -> memref<128xi32, #tpu.memory_space<vmem>>
        %dma_start3A_143 = arith.constant 0 : i32
        %dma_start3A_144 = arith.constant 0 : i32
        %dma_start3A_145 = tpu.memref_slice %arg8[%dma_start3A_143, %dma_start3A_144] : memref<10240x128xbf16, #tpu.memory_space<vmem_shared>> -> memref<10240x128xbf16, #tpu.memory_space<vmem_shared>>
        tpu.enqueue_indirect_dma source(%dma_start3A_145 : memref<10240x128xbf16, #tpu.memory_space<vmem_shared>>) target(%dma_start3A_139 : memref<128x128xbf16, #tpu.memory_space<vmem>>) offsets(%dma_start3A_142 : memref<128xi32, #tpu.memory_space<vmem>>) semaphore(%arg10 : memref<!tpu.dma_semaphore, #tpu.memory_space<semaphore_mem>>)
      } else {
      }
      %add3A_110 = arith.constant 1 : i32
      %add3A_111 = arith.addi %mul3A_79, %add3A_110 : i32
      %dma_wait3A_112 = arith.constant 1 : i32
      %dma_wait3A_113 = arith.constant 0 : i32
      %dma_wait3A_114 = arith.constant 0 : i32
      %dma_wait3A_115 = tpu.memref_slice %arg7[%dma_wait3A_112, %dma_wait3A_113, %dma_wait3A_114] : memref<2x128x128xbf16, #tpu.memory_space<vmem>> -> memref<1x128x128xbf16, #tpu.memory_space<vmem>>
      %dma_wait3A_116 = tpu.memref_squeeze %dma_wait3A_115 : memref<1x128x128xbf16, #tpu.memory_space<vmem>> -> memref<128x128xbf16, #tpu.memory_space<vmem>>
      %dma_wait3A_117 = arith.constant 0 : i32
      %dma_wait3A_118 = tpu.memref_slice %arg5[%add3A_111, %dma_wait3A_117] : memref<79x128xi32, #tpu.memory_space<vmem>> -> memref<1x128xi32, #tpu.memory_space<vmem>>
      %dma_wait3A_119 = tpu.memref_squeeze %dma_wait3A_118 : memref<1x128xi32, #tpu.memory_space<vmem>> -> memref<128xi32, #tpu.memory_space<vmem>>
      %dma_wait3A_120 = arith.constant 0 : i32
      %dma_wait3A_121 = arith.constant 0 : i32
      %dma_wait3A_122 = tpu.memref_slice %arg8[%dma_wait3A_120, %dma_wait3A_121] : memref<10240x128xbf16, #tpu.memory_space<vmem_shared>> -> memref<10240x128xbf16, #tpu.memory_space<vmem_shared>>
      tpu.wait_indirect_dma semaphore(%arg11 : memref<!tpu.dma_semaphore, #tpu.memory_space<semaphore_mem>>) src(%dma_wait3A_122 : memref<10240x128xbf16, #tpu.memory_space<vmem_shared>>) dst(%dma_wait3A_116 : memref<128x128xbf16, #tpu.memory_space<vmem>>)
      %add3A_123 = arith.constant 1 : i32
      %add3A_124 = arith.addi %mul3A_79, %add3A_123 : i32
      %run_scoped3A_125 = arith.constant 1 : i32
      "tpu.region"() ({
        %run_scoped3A_133 = tpu.sem_alloc : memref<!tpu.dma_semaphore, #tpu.memory_space<semaphore_mem>>
        %dma_start3A_134 = arith.constant 0 : i32
        %dma_start3A_135 = arith.constant 0 : i32
        %dma_start3A_136 = tpu.memref_slice %arg7[%run_scoped3A_125, %dma_start3A_134, %dma_start3A_135] : memref<2x128x128xbf16, #tpu.memory_space<vmem>> -> memref<1x128x128xbf16, #tpu.memory_space<vmem>>
        %dma_start3A_137 = tpu.memref_squeeze %dma_start3A_136 : memref<1x128x128xbf16, #tpu.memory_space<vmem>> -> memref<128x128xbf16, #tpu.memory_space<vmem>>
        %dma_start3A_138 = arith.constant 0 : i32
        %dma_start3A_139 = tpu.memref_slice %arg6[%add3A_124, %dma_start3A_138] : memref<79x128xi32, #tpu.memory_space<vmem>> -> memref<1x128xi32, #tpu.memory_space<vmem>>
        %dma_start3A_140 = tpu.memref_squeeze %dma_start3A_139 : memref<1x128xi32, #tpu.memory_space<vmem>> -> memref<128xi32, #tpu.memory_space<vmem>>
        %dma_start3A_141 = arith.constant 0 : i32
        %dma_start3A_142 = arith.constant 0 : i32
        %dma_start3A_143 = tpu.memref_slice %arg9[%dma_start3A_141, %dma_start3A_142] : memref<10240x128xbf16, #tpu.memory_space<vmem_shared>> -> memref<10240x128xbf16, #tpu.memory_space<vmem_shared>>
        tpu.enqueue_indirect_dma source(%dma_start3A_137 : memref<128x128xbf16, #tpu.memory_space<vmem>>) target(%dma_start3A_143 : memref<10240x128xbf16, #tpu.memory_space<vmem_shared>>) offsets(%dma_start3A_140 : memref<128xi32, #tpu.memory_space<vmem>>) semaphore(%run_scoped3A_133 : memref<!tpu.dma_semaphore, #tpu.memory_space<semaphore_mem>>) {add = true}
        %dma_wait3A_144 = arith.constant 0 : i32
        %dma_wait3A_145 = arith.constant 0 : i32
        %dma_wait3A_146 = tpu.memref_slice %arg7[%run_scoped3A_125, %dma_wait3A_144, %dma_wait3A_145] : memref<2x128x128xbf16, #tpu.memory_space<vmem>> -> memref<1x128x128xbf16, #tpu.memory_space<vmem>>
        %dma_wait3A_147 = tpu.memref_squeeze %dma_wait3A_146 : memref<1x128x128xbf16, #tpu.memory_space<vmem>> -> memref<128x128xbf16, #tpu.memory_space<vmem>>
        %dma_wait3A_148 = arith.constant 0 : i32
        %dma_wait3A_149 = tpu.memref_slice %arg6[%add3A_124, %dma_wait3A_148] : memref<79x128xi32, #tpu.memory_space<vmem>> -> memref<1x128xi32, #tpu.memory_space<vmem>>
        %dma_wait3A_150 = tpu.memref_squeeze %dma_wait3A_149 : memref<1x128xi32, #tpu.memory_space<vmem>> -> memref<128xi32, #tpu.memory_space<vmem>>
        %dma_wait3A_151 = arith.constant 0 : i32
        %dma_wait3A_152 = arith.constant 0 : i32
        %dma_wait3A_153 = tpu.memref_slice %arg9[%dma_wait3A_151, %dma_wait3A_152] : memref<10240x128xbf16, #tpu.memory_space<vmem_shared>> -> memref<10240x128xbf16, #tpu.memory_space<vmem_shared>>
        tpu.wait_indirect_dma semaphore(%run_scoped3A_133 : memref<!tpu.dma_semaphore, #tpu.memory_space<semaphore_mem>>) src(%dma_wait3A_147 : memref<128x128xbf16, #tpu.memory_space<vmem>>) dst(%dma_wait3A_153 : memref<10240x128xbf16, #tpu.memory_space<vmem_shared>>)
        tpu.yield
      }) : () -> ()
      %add3A_126 = arith.constant 3 : i32
      %add3A_127 = arith.addi %mul3A_79, %add3A_126 : i32
      %lt3A_128 = arith.cmpi slt, %add3A_127, %add3A_8 : i32
      %convert_element_type3A_129 = arith.extui %lt3A_128 : i1 to i32
      %cond3A_130 = arith.constant 0 : i32
      %cond3A_131 = arith.cmpi ne, %convert_element_type3A_129, %cond3A_130 : i32
      scf.if %cond3A_131 {
        %add3A_133 = arith.constant 3 : i32
        %add3A_134 = arith.addi %mul3A_79, %add3A_133 : i32
        %dma_start3A_135 = arith.constant 1 : i32
        %dma_start3A_136 = arith.constant 0 : i32
        %dma_start3A_137 = arith.constant 0 : i32
        %dma_start3A_138 = tpu.memref_slice %arg7[%dma_start3A_135, %dma_start3A_136, %dma_start3A_137] : memref<2x128x128xbf16, #tpu.memory_space<vmem>> -> memref<1x128x128xbf16, #tpu.memory_space<vmem>>
        %dma_start3A_139 = tpu.memref_squeeze %dma_start3A_138 : memref<1x128x128xbf16, #tpu.memory_space<vmem>> -> memref<128x128xbf16, #tpu.memory_space<vmem>>
        %dma_start3A_140 = arith.constant 0 : i32
        %dma_start3A_141 = tpu.memref_slice %arg5[%add3A_134, %dma_start3A_140] : memref<79x128xi32, #tpu.memory_space<vmem>> -> memref<1x128xi32, #tpu.memory_space<vmem>>
        %dma_start3A_142 = tpu.memref_squeeze %dma_start3A_141 : memref<1x128xi32, #tpu.memory_space<vmem>> -> memref<128xi32, #tpu.memory_space<vmem>>
        %dma_start3A_143 = arith.constant 0 : i32
        %dma_start3A_144 = arith.constant 0 : i32
        %dma_start3A_145 = tpu.memref_slice %arg8[%dma_start3A_143, %dma_start3A_144] : memref<10240x128xbf16, #tpu.memory_space<vmem_shared>> -> memref<10240x128xbf16, #tpu.memory_space<vmem_shared>>
        tpu.enqueue_indirect_dma source(%dma_start3A_145 : memref<10240x128xbf16, #tpu.memory_space<vmem_shared>>) target(%dma_start3A_139 : memref<128x128xbf16, #tpu.memory_space<vmem>>) offsets(%dma_start3A_142 : memref<128xi32, #tpu.memory_space<vmem>>) semaphore(%arg11 : memref<!tpu.dma_semaphore, #tpu.memory_space<semaphore_mem>>)
      } else {
      }
      %scan3A_132 = arith.constant 0 : i32
      scf.yield %scan3A_132 : i32
    }
    %scan3A_65 = arith.constant 39 : i32
    %gt3A = arith.constant 78 : i32
    %gt3A_66 = arith.cmpi sgt, %add3A_8, %gt3A : i32
    %convert_element_type3A_67 = arith.extui %gt3A_66 : i1 to i32
    %cond3A_68 = arith.constant 0 : i32
    %cond3A_69 = arith.cmpi ne, %convert_element_type3A_67, %cond3A_68 : i32
    scf.if %cond3A_69 {
      %dma_wait3A = arith.constant 78 : i32
      %dma_wait3A_76 = arith.constant 0 : i32
      %dma_wait3A_77 = arith.constant 0 : i32
      %dma_wait3A_78 = arith.constant 0 : i32
      %dma_wait3A_79 = tpu.memref_slice %arg7[%dma_wait3A_76, %dma_wait3A_77, %dma_wait3A_78] : memref<2x128x128xbf16, #tpu.memory_space<vmem>> -> memref<1x128x128xbf16, #tpu.memory_space<vmem>>
      %dma_wait3A_80 = tpu.memref_squeeze %dma_wait3A_79 : memref<1x128x128xbf16, #tpu.memory_space<vmem>> -> memref<128x128xbf16, #tpu.memory_space<vmem>>
      %dma_wait3A_81 = arith.constant 0 : i32
      %dma_wait3A_82 = tpu.memref_slice %arg5[%dma_wait3A, %dma_wait3A_81] : memref<79x128xi32, #tpu.memory_space<vmem>> -> memref<1x128xi32, #tpu.memory_space<vmem>>
      %dma_wait3A_83 = tpu.memref_squeeze %dma_wait3A_82 : memref<1x128xi32, #tpu.memory_space<vmem>> -> memref<128xi32, #tpu.memory_space<vmem>>
      %dma_wait3A_84 = arith.constant 0 : i32
      %dma_wait3A_85 = arith.constant 0 : i32
      %dma_wait3A_86 = tpu.memref_slice %arg8[%dma_wait3A_84, %dma_wait3A_85] : memref<10240x128xbf16, #tpu.memory_space<vmem_shared>> -> memref<10240x128xbf16, #tpu.memory_space<vmem_shared>>
      tpu.wait_indirect_dma semaphore(%arg10 : memref<!tpu.dma_semaphore, #tpu.memory_space<semaphore_mem>>) src(%dma_wait3A_86 : memref<10240x128xbf16, #tpu.memory_space<vmem_shared>>) dst(%dma_wait3A_80 : memref<128x128xbf16, #tpu.memory_space<vmem>>)
      %run_scoped3A_87 = arith.constant 0 : i32
      %run_scoped3A_88 = arith.constant 78 : i32
      "tpu.region"() ({
        %run_scoped3A_89 = tpu.sem_alloc : memref<!tpu.dma_semaphore, #tpu.memory_space<semaphore_mem>>
        %dma_start3A_90 = arith.constant 0 : i32
        %dma_start3A_91 = arith.constant 0 : i32
        %dma_start3A_92 = tpu.memref_slice %arg7[%run_scoped3A_87, %dma_start3A_90, %dma_start3A_91] : memref<2x128x128xbf16, #tpu.memory_space<vmem>> -> memref<1x128x128xbf16, #tpu.memory_space<vmem>>
        %dma_start3A_93 = tpu.memref_squeeze %dma_start3A_92 : memref<1x128x128xbf16, #tpu.memory_space<vmem>> -> memref<128x128xbf16, #tpu.memory_space<vmem>>
        %dma_start3A_94 = arith.constant 0 : i32
        %dma_start3A_95 = tpu.memref_slice %arg6[%run_scoped3A_88, %dma_start3A_94] : memref<79x128xi32, #tpu.memory_space<vmem>> -> memref<1x128xi32, #tpu.memory_space<vmem>>
        %dma_start3A_96 = tpu.memref_squeeze %dma_start3A_95 : memref<1x128xi32, #tpu.memory_space<vmem>> -> memref<128xi32, #tpu.memory_space<vmem>>
        %dma_start3A_97 = arith.constant 0 : i32
        %dma_start3A_98 = arith.constant 0 : i32
        %dma_start3A_99 = tpu.memref_slice %arg9[%dma_start3A_97, %dma_start3A_98] : memref<10240x128xbf16, #tpu.memory_space<vmem_shared>> -> memref<10240x128xbf16, #tpu.memory_space<vmem_shared>>
        tpu.enqueue_indirect_dma source(%dma_start3A_93 : memref<128x128xbf16, #tpu.memory_space<vmem>>) target(%dma_start3A_99 : memref<10240x128xbf16, #tpu.memory_space<vmem_shared>>) offsets(%dma_start3A_96 : memref<128xi32, #tpu.memory_space<vmem>>) semaphore(%run_scoped3A_89 : memref<!tpu.dma_semaphore, #tpu.memory_space<semaphore_mem>>) {add = true}
        %dma_wait3A_100 = arith.constant 0 : i32
        %dma_wait3A_101 = arith.constant 0 : i32
        %dma_wait3A_102 = tpu.memref_slice %arg7[%run_scoped3A_87, %dma_wait3A_100, %dma_wait3A_101] : memref<2x128x128xbf16, #tpu.memory_space<vmem>> -> memref<1x128x128xbf16, #tpu.memory_space<vmem>>
        %dma_wait3A_103 = tpu.memref_squeeze %dma_wait3A_102 : memref<1x128x128xbf16, #tpu.memory_space<vmem>> -> memref<128x128xbf16, #tpu.memory_space<vmem>>
        %dma_wait3A_104 = arith.constant 0 : i32
        %dma_wait3A_105 = tpu.memref_slice %arg6[%run_scoped3A_88, %dma_wait3A_104] : memref<79x128xi32, #tpu.memory_space<vmem>> -> memref<1x128xi32, #tpu.memory_space<vmem>>
        %dma_wait3A_106 = tpu.memref_squeeze %dma_wait3A_105 : memref<1x128xi32, #tpu.memory_space<vmem>> -> memref<128xi32, #tpu.memory_space<vmem>>
        %dma_wait3A_107 = arith.constant 0 : i32
        %dma_wait3A_108 = arith.constant 0 : i32
        %dma_wait3A_109 = tpu.memref_slice %arg9[%dma_wait3A_107, %dma_wait3A_108] : memref<10240x128xbf16, #tpu.memory_space<vmem_shared>> -> memref<10240x128xbf16, #tpu.memory_space<vmem_shared>>
        tpu.wait_indirect_dma semaphore(%run_scoped3A_89 : memref<!tpu.dma_semaphore, #tpu.memory_space<semaphore_mem>>) src(%dma_wait3A_103 : memref<128x128xbf16, #tpu.memory_space<vmem>>) dst(%dma_wait3A_109 : memref<10240x128xbf16, #tpu.memory_space<vmem_shared>>)
        tpu.yield
      }) : () -> ()
    } else {
    }
    %barrier3A_70 = arith.constant 0 : index
    tpu.barrier barrier_id(%barrier3A_70)
    %mul3A_71 = arith.constant 640 : i32
    %mul3A_72 = arith.muli %arg1, %mul3A_71 : i32
    %mul3A_73 = arith.constant 640 : i32
    %mul3A_74 = arith.muli %arg1, %mul3A_73 : i32
    %run_scoped3A_75 = arith.constant 0 : i32
    "tpu.region"() ({
      %run_scoped3A_76 = tpu.sem_alloc : memref<!tpu.dma_semaphore, #tpu.memory_space<semaphore_mem>>
      %dma_start3A_77 = arith.constant 0 : i32
      %dma_start3A_78 = tpu.memref_slice %arg4[%run_scoped3A_75, %arg0, %mul3A_74, %dma_start3A_77] : memref<1x2x10240x128xbf16, #tpu.memory_space<hbm>> -> memref<1x1x640x128xbf16, #tpu.memory_space<hbm>>
      %dma_start3A_79 = tpu.memref_squeeze %dma_start3A_78 : memref<1x1x640x128xbf16, #tpu.memory_space<hbm>> -> memref<640x128xbf16, #tpu.memory_space<hbm>>
      %dma_start3A_80 = arith.constant 0 : i32
      %dma_start3A_81 = tpu.memref_slice %arg9[%mul3A_72, %dma_start3A_80] : memref<10240x128xbf16, #tpu.memory_space<vmem_shared>> -> memref<640x128xbf16, #tpu.memory_space<vmem_shared>>
      tpu.enqueue_dma source(%dma_start3A_81 : memref<640x128xbf16, #tpu.memory_space<vmem_shared>>) target(%dma_start3A_79 : memref<640x128xbf16, #tpu.memory_space<hbm>>) target_semaphore(%run_scoped3A_76 : memref<!tpu.dma_semaphore, #tpu.memory_space<semaphore_mem>>)
      %dma_wait3A = arith.constant 0 : i32
      %dma_wait3A_82 = tpu.memref_slice %arg4[%run_scoped3A_75, %arg0, %mul3A_74, %dma_wait3A] : memref<1x2x10240x128xbf16, #tpu.memory_space<hbm>> -> memref<1x1x640x128xbf16, #tpu.memory_space<hbm>>
      %dma_wait3A_83 = tpu.memref_squeeze %dma_wait3A_82 : memref<1x1x640x128xbf16, #tpu.memory_space<hbm>> -> memref<640x128xbf16, #tpu.memory_space<hbm>>
      %dma_wait3A_84 = arith.constant 0 : i32
      %dma_wait3A_85 = tpu.memref_slice %arg9[%mul3A_72, %dma_wait3A_84] : memref<10240x128xbf16, #tpu.memory_space<vmem_shared>> -> memref<640x128xbf16, #tpu.memory_space<vmem_shared>>
      tpu.wait_dma2 semaphore(%run_scoped3A_76 : memref<!tpu.dma_semaphore, #tpu.memory_space<semaphore_mem>>) src(%dma_wait3A_85 : memref<640x128xbf16, #tpu.memory_space<vmem_shared>>) dst(%dma_wait3A_83 : memref<640x128xbf16, #tpu.memory_space<hbm>>)
      tpu.yield
    }) : () -> ()
    return
  }
}

module attributes {stable_mosaic.version = 14 : i64} {
  func.func @_pre_body(%arg0: i32, %arg1: memref<400x128xf32, #tpu.memory_space<vmem>>, %arg2: memref<128x128xf32, #tpu.memory_space<vmem>>, %arg3: memref<1x128xf32, #tpu.memory_space<vmem>>, %arg4: memref<400x128xf32, #tpu.memory_space<vmem>>, %arg5: memref<400x128xbf16, #tpu.memory_space<vmem>>) attributes {dimension_semantics = [#tpu.dimension_semantics<arbitrary>], iteration_bounds = array<i64: 25>, scalar_prefetch = 0 : i64, scratch_operands = 0 : i64, tpu.core_type = #tpu.core_type<tc>, window_params = [{transform_indices = @transform_0, window_bounds = array<i64: 400, 128>}, {pipeline_mode = #tpu.pipeline_mode<synchronous>, transform_indices = @transform_1, window_bounds = array<i64: 128, 128>}, {pipeline_mode = #tpu.pipeline_mode<synchronous>, transform_indices = @transform_2, window_bounds = array<i64: 1, 128>}, {transform_indices = @transform_3, window_bounds = array<i64: 400, 128>}, {transform_indices = @transform_4, window_bounds = array<i64: 400, 128>}]} {
    %get3A = arith.constant 0 : index
    %get3A_0 = arith.constant 0 : index
    %get3A_1 = vector.load %arg1[%get3A, %get3A_0] : memref<400x128xf32, #tpu.memory_space<vmem>>, vector<400x128xf32>
    %get3A_2 = arith.constant 0 : index
    %get3A_3 = arith.constant 0 : index
    %get3A_4 = vector.load %arg2[%get3A_2, %get3A_3] : memref<128x128xf32, #tpu.memory_space<vmem>>, vector<128x128xf32>
    %dot_general3A = arith.constant dense<0.000000e+00> : vector<400x128xf32>
    %dot_general3A_5 = tpu.matmul %get3A_1, %get3A_4, %dot_general3A {dimension_numbers = #tpu.dot_dimension_numbers<[1], [0], [0], [1], [0, 0, 1, 1], [], []>, transpose_lhs_hint = false} : vector<400x128xf32>, vector<128x128xf32>, vector<400x128xf32> -> vector<400x128xf32>
    %get3A_6 = arith.constant 0 : index
    %get3A_7 = arith.constant 0 : index
    %get3A_8 = vector.load %arg3[%get3A_6, %get3A_7] : memref<1x128xf32, #tpu.memory_space<vmem>>, vector<1x128xf32>
    %add3A = vector.broadcast %get3A_8 : vector<1x128xf32> to vector<400x128xf32>
    %add3A_9 = arith.addf %dot_general3A_5, %add3A : vector<400x128xf32>
    %swap3A = arith.constant 0 : index
    %swap3A_10 = arith.constant 0 : index
    %swap3A_11 = vector.load %arg4[%swap3A, %swap3A_10] : memref<400x128xf32, #tpu.memory_space<vmem>>, vector<400x128xf32>
    tpu.vector_store %arg4[%swap3A, %swap3A_10], %add3A_9 {strides = array<i32>} : memref<400x128xf32, #tpu.memory_space<vmem>>, vector<400x128xf32>,
    %convert_element_type3A = arith.truncf %add3A_9 : vector<400x128xf32> to vector<400x128xbf16>
    %swap3A_12 = arith.constant 0 : index
    %swap3A_13 = arith.constant 0 : index
    %swap3A_14 = vector.load %arg5[%swap3A_12, %swap3A_13] : memref<400x128xbf16, #tpu.memory_space<vmem>>, vector<400x128xbf16>
    tpu.vector_store %arg5[%swap3A_12, %swap3A_13], %convert_element_type3A {strides = array<i32>} : memref<400x128xbf16, #tpu.memory_space<vmem>>, vector<400x128xbf16>,
    return
  }
  func.func @transform_0(%arg0: i32) -> (i32, i32) {
    %c0_i32 = arith.constant 0 : i32
    %c0_i32_0 = arith.constant 0 : i32
    return %arg0, %c0_i32 : i32, i32
  }
  func.func @transform_1(%arg0: i32) -> (i32, i32) {
    %c0_i32 = arith.constant 0 : i32
    %c0_i32_0 = arith.constant 0 : i32
    %c0_i32_1 = arith.constant 0 : i32
    return %c0_i32, %c0_i32_0 : i32, i32
  }
  func.func @transform_2(%arg0: i32) -> (i32, i32) {
    %c0_i32 = arith.constant 0 : i32
    %c0_i32_0 = arith.constant 0 : i32
    %c0_i32_1 = arith.constant 0 : i32
    return %c0_i32, %c0_i32_0 : i32, i32
  }
  func.func @transform_3(%arg0: i32) -> (i32, i32) {
    %c0_i32 = arith.constant 0 : i32
    %c0_i32_0 = arith.constant 0 : i32
    return %arg0, %c0_i32 : i32, i32
  }
  func.func @transform_4(%arg0: i32) -> (i32, i32) {
    %c0_i32 = arith.constant 0 : i32
    %c0_i32_0 = arith.constant 0 : i32
    return %arg0, %c0_i32 : i32, i32
  }
}

module attributes {stable_mosaic.version = 14 : i64} {
  func.func @_layer0_body(%arg0: i32, %arg1: memref<400x128xf32, #tpu.memory_space<vmem>>, %arg2: memref<1x1x400x128xbf16, #tpu.memory_space<vmem>>, %arg3: memref<1x1x400x128xbf16, #tpu.memory_space<vmem>>, %arg4: memref<256x128xf32, #tpu.memory_space<vmem>>, %arg5: memref<1x128xf32, #tpu.memory_space<vmem>>, %arg6: memref<128x128xf32, #tpu.memory_space<vmem>>, %arg7: memref<1x128xf32, #tpu.memory_space<vmem>>, %arg8: memref<8x128xf32, #tpu.memory_space<vmem>>, %arg9: memref<400x16xf32, #tpu.memory_space<vmem>>) attributes {dimension_semantics = [#tpu.dimension_semantics<arbitrary>], iteration_bounds = array<i64: 25>, scalar_prefetch = 0 : i64, scratch_operands = 0 : i64, tpu.core_type = #tpu.core_type<tc>, window_params = [{transform_indices = @transform_0, window_bounds = array<i64: 400, 128>}, {transform_indices = @transform_1, window_bounds = array<i64: 1, 1, 400, 128>}, {transform_indices = @transform_2, window_bounds = array<i64: 1, 1, 400, 128>}, {pipeline_mode = #tpu.pipeline_mode<synchronous>, transform_indices = @transform_3, window_bounds = array<i64: 256, 128>}, {pipeline_mode = #tpu.pipeline_mode<synchronous>, transform_indices = @transform_4, window_bounds = array<i64: 1, 128>}, {pipeline_mode = #tpu.pipeline_mode<synchronous>, transform_indices = @transform_5, window_bounds = array<i64: 128, 128>}, {pipeline_mode = #tpu.pipeline_mode<synchronous>, transform_indices = @transform_6, window_bounds = array<i64: 1, 128>}, {pipeline_mode = #tpu.pipeline_mode<synchronous>, transform_indices = @transform_7, window_bounds = array<i64: 8, 128>}, {transform_indices = @transform_8, window_bounds = array<i64: 400, 16>}]} {
    %get3A = arith.constant 0 : index
    %get3A_0 = arith.constant 0 : index
    %get3A_1 = arith.constant 0 : index
    %get3A_2 = arith.constant 0 : index
    %get3A_3 = vector.load %arg2[%get3A, %get3A_0, %get3A_1, %get3A_2] : memref<1x1x400x128xbf16, #tpu.memory_space<vmem>>, vector<1x1x400x128xbf16>
    %get3A_4 = vector.shape_cast %get3A_3 : vector<1x1x400x128xbf16> to vector<400x128xbf16>
    %convert_element_type3A = arith.extf %get3A_4 : vector<400x128xbf16> to vector<400x128xf32>
    %get3A_5 = arith.constant 0 : index
    %get3A_6 = arith.constant 0 : index
    %get3A_7 = arith.constant 0 : index
    %get3A_8 = arith.constant 0 : index
    %get3A_9 = vector.load %arg3[%get3A_5, %get3A_6, %get3A_7, %get3A_8] : memref<1x1x400x128xbf16, #tpu.memory_space<vmem>>, vector<1x1x400x128xbf16>
    %get3A_10 = vector.shape_cast %get3A_9 : vector<1x1x400x128xbf16> to vector<400x128xbf16>
    %convert_element_type3A_11 = arith.extf %get3A_10 : vector<400x128xbf16> to vector<400x128xf32>
    %add3A = arith.addf %convert_element_type3A, %convert_element_type3A_11 : vector<400x128xf32>
    %get3A_12 = arith.constant 0 : index
    %get3A_13 = arith.constant 0 : index
    %get3A_14 = vector.load %arg1[%get3A_12, %get3A_13] : memref<400x128xf32, #tpu.memory_space<vmem>>, vector<400x128xf32>
    %concatenate3A = tpu.concatenate %get3A_14, %add3A in 1 : vector<400x128xf32>, vector<400x128xf32> -> vector<400x256xf32>
    %get3A_15 = arith.constant 0 : index
    %get3A_16 = arith.constant 0 : index
    %get3A_17 = vector.load %arg4[%get3A_15, %get3A_16] : memref<256x128xf32, #tpu.memory_space<vmem>>, vector<256x128xf32>
    %dot_general3A = arith.constant dense<0.000000e+00> : vector<400x128xf32>
    %dot_general3A_18 = tpu.matmul %concatenate3A, %get3A_17, %dot_general3A {dimension_numbers = #tpu.dot_dimension_numbers<[1], [0], [0], [1], [0, 0, 1, 1], [], []>, transpose_lhs_hint = false} : vector<400x256xf32>, vector<256x128xf32>, vector<400x128xf32> -> vector<400x128xf32>
    %get3A_19 = arith.constant 0 : index
    %get3A_20 = arith.constant 0 : index
    %get3A_21 = vector.load %arg5[%get3A_19, %get3A_20] : memref<1x128xf32, #tpu.memory_space<vmem>>, vector<1x128xf32>
    %add3A_22 = vector.broadcast %get3A_21 : vector<1x128xf32> to vector<400x128xf32>
    %add3A_23 = arith.addf %dot_general3A_18, %add3A_22 : vector<400x128xf32>
    %max3A = arith.constant 0.000000e+00 : f32
    %max3A_24 = vector.broadcast %max3A : f32 to vector<400x128xf32>
    %max3A_25 = arith.maximumf %add3A_23, %max3A_24 : vector<400x128xf32>
    %get3A_26 = arith.constant 0 : index
    %get3A_27 = arith.constant 0 : index
    %get3A_28 = vector.load %arg6[%get3A_26, %get3A_27] : memref<128x128xf32, #tpu.memory_space<vmem>>, vector<128x128xf32>
    %dot_general3A_29 = arith.constant dense<0.000000e+00> : vector<400x128xf32>
    %dot_general3A_30 = tpu.matmul %max3A_25, %get3A_28, %dot_general3A_29 {dimension_numbers = #tpu.dot_dimension_numbers<[1], [0], [0], [1], [0, 0, 1, 1], [], []>, transpose_lhs_hint = false} : vector<400x128xf32>, vector<128x128xf32>, vector<400x128xf32> -> vector<400x128xf32>
    %get3A_31 = arith.constant 0 : index
    %get3A_32 = arith.constant 0 : index
    %get3A_33 = vector.load %arg7[%get3A_31, %get3A_32] : memref<1x128xf32, #tpu.memory_space<vmem>>, vector<1x128xf32>
    %add3A_34 = vector.broadcast %get3A_33 : vector<1x128xf32> to vector<400x128xf32>
    %add3A_35 = arith.addf %dot_general3A_30, %add3A_34 : vector<400x128xf32>
    %max3A_36 = arith.constant 0.000000e+00 : f32
    %max3A_37 = vector.broadcast %max3A_36 : f32 to vector<400x128xf32>
    %max3A_38 = arith.maximumf %add3A_35, %max3A_37 : vector<400x128xf32>
    %get3A_39 = arith.constant 0 : index
    %get3A_40 = arith.constant 0 : index
    %get3A_41 = vector.load %arg8[%get3A_39, %get3A_40] : memref<8x128xf32, #tpu.memory_space<vmem>>, vector<8x128xf32>
    %dot_general3A_42 = arith.constant dense<0.000000e+00> : vector<400x8xf32>
    %dot_general3A_43 = tpu.matmul %max3A_38, %get3A_41, %dot_general3A_42 {dimension_numbers = #tpu.dot_dimension_numbers<[1], [1], [0], [0], [0, 0, 1, 0], [], []>, transpose_lhs_hint = false} : vector<400x128xf32>, vector<8x128xf32>, vector<400x8xf32> -> vector<400x8xf32>
    %reduce_max3A = arith.constant dense<0xFF800000> : vector<400xf32>
    %reduce_max3A_44 = vector.multi_reduction <maximumf>, %dot_general3A_43, %reduce_max3A [1] : vector<400x8xf32> to vector<400xf32>
    %broadcast_in_dim3A = vector.shape_cast %reduce_max3A_44 : vector<400xf32> to vector<400x1xf32>
    %sub3A = vector.broadcast %broadcast_in_dim3A : vector<400x1xf32> to vector<400x8xf32>
    %sub3A_45 = arith.subf %dot_general3A_43, %sub3A : vector<400x8xf32>
    %exp3A = math.exp %sub3A_45 : vector<400x8xf32>
    %reduce_sum3A = arith.constant dense<0.000000e+00> : vector<400xf32>
    %reduce_sum3A_46 = vector.multi_reduction <add>, %exp3A, %reduce_sum3A [1] : vector<400x8xf32> to vector<400xf32>
    %broadcast_in_dim3A_47 = vector.shape_cast %reduce_sum3A_46 : vector<400xf32> to vector<400x1xf32>
    %div3A = vector.broadcast %broadcast_in_dim3A_47 : vector<400x1xf32> to vector<400x8xf32>
    %div3A_48 = arith.divf %exp3A, %div3A : vector<400x8xf32>
    %broadcast_in_dim3A_49 = arith.constant 0.000000e+00 : f32
    %broadcast_in_dim3A_50 = vector.broadcast %broadcast_in_dim3A_49 : f32 to vector<400x8xf32>
    %concatenate3A_51 = tpu.concatenate %div3A_48, %broadcast_in_dim3A_50 in 1 : vector<400x8xf32>, vector<400x8xf32> -> vector<400x16xf32>
    %swap3A = arith.constant 0 : index
    %swap3A_52 = arith.constant 0 : index
    %swap3A_53 = vector.load %arg9[%swap3A, %swap3A_52] : memref<400x16xf32, #tpu.memory_space<vmem>>, vector<400x16xf32>
    tpu.vector_store %arg9[%swap3A, %swap3A_52], %concatenate3A_51 {strides = array<i32>} : memref<400x16xf32, #tpu.memory_space<vmem>>, vector<400x16xf32>,
    return
  }
  func.func @transform_0(%arg0: i32) -> (i32, i32) {
    %c0_i32 = arith.constant 0 : i32
    %c0_i32_0 = arith.constant 0 : i32
    return %arg0, %c0_i32 : i32, i32
  }
  func.func @transform_1(%arg0: i32) -> (i32, i32, i32, i32) {
    %c0_i32 = arith.constant 0 : i32
    %c0_i32_0 = arith.constant 0 : i32
    %c0_i32_1 = arith.constant 0 : i32
    %c0_i32_2 = arith.constant 0 : i32
    return %c0_i32, %c0_i32_0, %arg0, %c0_i32_1 : i32, i32, i32, i32
  }
  func.func @transform_2(%arg0: i32) -> (i32, i32, i32, i32) {
    %c0_i32 = arith.constant 0 : i32
    %c1_i32 = arith.constant 1 : i32
    %c0_i32_0 = arith.constant 0 : i32
    %c0_i32_1 = arith.constant 0 : i32
    return %c0_i32, %c1_i32, %arg0, %c0_i32_0 : i32, i32, i32, i32
  }
  func.func @transform_3(%arg0: i32) -> (i32, i32) {
    %c0_i32 = arith.constant 0 : i32
    %c0_i32_0 = arith.constant 0 : i32
    %c0_i32_1 = arith.constant 0 : i32
    return %c0_i32, %c0_i32_0 : i32, i32
  }
  func.func @transform_4(%arg0: i32) -> (i32, i32) {
    %c0_i32 = arith.constant 0 : i32
    %c0_i32_0 = arith.constant 0 : i32
    %c0_i32_1 = arith.constant 0 : i32
    return %c0_i32, %c0_i32_0 : i32, i32
  }
  func.func @transform_5(%arg0: i32) -> (i32, i32) {
    %c0_i32 = arith.constant 0 : i32
    %c0_i32_0 = arith.constant 0 : i32
    %c0_i32_1 = arith.constant 0 : i32
    return %c0_i32, %c0_i32_0 : i32, i32
  }
  func.func @transform_6(%arg0: i32) -> (i32, i32) {
    %c0_i32 = arith.constant 0 : i32
    %c0_i32_0 = arith.constant 0 : i32
    %c0_i32_1 = arith.constant 0 : i32
    return %c0_i32, %c0_i32_0 : i32, i32
  }
  func.func @transform_7(%arg0: i32) -> (i32, i32) {
    %c0_i32 = arith.constant 0 : i32
    %c0_i32_0 = arith.constant 0 : i32
    %c0_i32_1 = arith.constant 0 : i32
    return %c0_i32, %c0_i32_0 : i32, i32
  }
  func.func @transform_8(%arg0: i32) -> (i32, i32) {
    %c0_i32 = arith.constant 0 : i32
    %c0_i32_0 = arith.constant 0 : i32
    return %arg0, %c0_i32 : i32, i32
  }
}

module attributes {stable_mosaic.version = 14 : i64} {
  func.func @_final_body(%arg0: i32, %arg1: memref<400x16xf32, #tpu.memory_space<vmem>>, %arg2: memref<1x1x400x16xf32, #tpu.memory_space<vmem>>, %arg3: memref<1x1x400x16xf32, #tpu.memory_space<vmem>>, %arg4: memref<400x1xi32, #tpu.memory_space<vmem>>, %arg5: memref<8x128xf32, #tpu.memory_space<vmem>>, %arg6: memref<256x128xf32, #tpu.memory_space<vmem>>, %arg7: memref<1x128xf32, #tpu.memory_space<vmem>>, %arg8: memref<128x128xf32, #tpu.memory_space<vmem>>, %arg9: memref<1x128xf32, #tpu.memory_space<vmem>>, %arg10: memref<8x128xf32, #tpu.memory_space<vmem>>, %arg11: memref<512x10xf32, #tpu.memory_space<vmem>>, %arg12: memref<1x10xf32, #tpu.memory_space<vmem>>, %arg13: memref<64x10xf32, #tpu.memory_space<vmem>>, %arg14: memref<64x256xf32, #tpu.memory_space<vmem>>, %arg15: memref<64x256xf32, #tpu.memory_space<vmem>>, %arg16: memref<64x128xf32, #tpu.memory_space<vmem>>) attributes {dimension_semantics = [#tpu.dimension_semantics<arbitrary>], iteration_bounds = array<i64: 25>, scalar_prefetch = 0 : i64, scratch_operands = 3 : i64, tpu.core_type = #tpu.core_type<tc>, window_params = [{transform_indices = @transform_0, window_bounds = array<i64: 400, 16>}, {transform_indices = @transform_1, window_bounds = array<i64: 1, 1, 400, 16>}, {transform_indices = @transform_2, window_bounds = array<i64: 1, 1, 400, 16>}, {transform_indices = @transform_3, window_bounds = array<i64: 400, 1>}, {pipeline_mode = #tpu.pipeline_mode<synchronous>, transform_indices = @transform_4, window_bounds = array<i64: 8, 128>}, {pipeline_mode = #tpu.pipeline_mode<synchronous>, transform_indices = @transform_5, window_bounds = array<i64: 256, 128>}, {pipeline_mode = #tpu.pipeline_mode<synchronous>, transform_indices = @transform_6, window_bounds = array<i64: 1, 128>}, {pipeline_mode = #tpu.pipeline_mode<synchronous>, transform_indices = @transform_7, window_bounds = array<i64: 128, 128>}, {pipeline_mode = #tpu.pipeline_mode<synchronous>, transform_indices = @transform_8, window_bounds = array<i64: 1, 128>}, {pipeline_mode = #tpu.pipeline_mode<synchronous>, transform_indices = @transform_9, window_bounds = array<i64: 8, 128>}, {pipeline_mode = #tpu.pipeline_mode<synchronous>, transform_indices = @transform_10, window_bounds = array<i64: 512, 10>}, {pipeline_mode = #tpu.pipeline_mode<synchronous>, transform_indices = @transform_11, window_bounds = array<i64: 1, 10>}, {pipeline_mode = #tpu.pipeline_mode<synchronous>, transform_indices = @transform_12, window_bounds = array<i64: 64, 10>}]} {
    %eq3A = arith.constant 0 : i32
    %eq3A_0 = arith.cmpi eq, %arg0, %eq3A : i32
    %convert_element_type3A = arith.extui %eq3A_0 : i1 to i32
    %cond3A = arith.constant 0 : i32
    %cond3A_1 = arith.cmpi ne, %convert_element_type3A, %cond3A : i32
    scf.if %cond3A_1 {
      %broadcast_in_dim3A_116 = arith.constant -3.000000e+38 : f32
      %broadcast_in_dim3A_117 = vector.broadcast %broadcast_in_dim3A_116 : f32 to vector<64x256xf32>
      %swap3A_118 = arith.constant 0 : index
      %swap3A_119 = arith.constant 0 : index
      %swap3A_120 = vector.load %arg14[%swap3A_118, %swap3A_119] : memref<64x256xf32, #tpu.memory_space<vmem>>, vector<64x256xf32>
      tpu.vector_store %arg14[%swap3A_118, %swap3A_119], %broadcast_in_dim3A_117 {strides = array<i32>} : memref<64x256xf32, #tpu.memory_space<vmem>>, vector<64x256xf32>,
      %broadcast_in_dim3A_121 = arith.constant 0.000000e+00 : f32
      %broadcast_in_dim3A_122 = vector.broadcast %broadcast_in_dim3A_121 : f32 to vector<64x256xf32>
      %swap3A_123 = arith.constant 0 : index
      %swap3A_124 = arith.constant 0 : index
      %swap3A_125 = vector.load %arg15[%swap3A_123, %swap3A_124] : memref<64x256xf32, #tpu.memory_space<vmem>>, vector<64x256xf32>
      tpu.vector_store %arg15[%swap3A_123, %swap3A_124], %broadcast_in_dim3A_122 {strides = array<i32>} : memref<64x256xf32, #tpu.memory_space<vmem>>, vector<64x256xf32>,
      %broadcast_in_dim3A_126 = arith.constant 0.000000e+00 : f32
      %broadcast_in_dim3A_127 = vector.broadcast %broadcast_in_dim3A_126 : f32 to vector<64x128xf32>
      %swap3A_128 = arith.constant 0 : index
      %swap3A_129 = arith.constant 0 : index
      %swap3A_130 = vector.load %arg16[%swap3A_128, %swap3A_129] : memref<64x128xf32, #tpu.memory_space<vmem>>, vector<64x128xf32>
      tpu.vector_store %arg16[%swap3A_128, %swap3A_129], %broadcast_in_dim3A_127 {strides = array<i32>} : memref<64x128xf32, #tpu.memory_space<vmem>>, vector<64x128xf32>,
    } else {
    }
    %get3A = arith.constant 0 : index
    %get3A_2 = arith.constant 0 : index
    %get3A_3 = vector.load %arg1[%get3A, %get3A_2] : memref<400x16xf32, #tpu.memory_space<vmem>>, vector<400x16xf32>
    %slice3A = vector.extract_strided_slice %get3A_3 {offsets = [0, 0], sizes = [400, 8], strides = [1, 1]} : vector<400x16xf32> to vector<400x8xf32>
    %get3A_4 = arith.constant 0 : index
    %get3A_5 = arith.constant 0 : index
    %get3A_6 = arith.constant 0 : index
    %get3A_7 = arith.constant 0 : index
    %get3A_8 = vector.load %arg2[%get3A_4, %get3A_5, %get3A_6, %get3A_7] : memref<1x1x400x16xf32, #tpu.memory_space<vmem>>, vector<1x1x400x16xf32>
    %get3A_9 = vector.shape_cast %get3A_8 : vector<1x1x400x16xf32> to vector<400x16xf32>
    %get3A_10 = arith.constant 0 : index
    %get3A_11 = arith.constant 0 : index
    %get3A_12 = arith.constant 0 : index
    %get3A_13 = arith.constant 0 : index
    %get3A_14 = vector.load %arg3[%get3A_10, %get3A_11, %get3A_12, %get3A_13] : memref<1x1x400x16xf32, #tpu.memory_space<vmem>>, vector<1x1x400x16xf32>
    %get3A_15 = vector.shape_cast %get3A_14 : vector<1x1x400x16xf32> to vector<400x16xf32>
    %add3A = arith.addf %get3A_9, %get3A_15 : vector<400x16xf32>
    %slice3A_16 = vector.extract_strided_slice %add3A {offsets = [0, 0], sizes = [400, 8], strides = [1, 1]} : vector<400x16xf32> to vector<400x8xf32>
    %get3A_17 = arith.constant 0 : index
    %get3A_18 = arith.constant 0 : index
    %get3A_19 = vector.load %arg5[%get3A_17, %get3A_18] : memref<8x128xf32, #tpu.memory_space<vmem>>, vector<8x128xf32>
    %dot_general3A = arith.constant dense<0.000000e+00> : vector<400x128xf32>
    %dot_general3A_20 = tpu.matmul %slice3A, %get3A_19, %dot_general3A {dimension_numbers = #tpu.dot_dimension_numbers<[1], [0], [0], [1], [0, 0, 1, 1], [], []>, transpose_lhs_hint = false} : vector<400x8xf32>, vector<8x128xf32>, vector<400x128xf32> -> vector<400x128xf32>
    %dot_general3A_21 = arith.constant dense<0.000000e+00> : vector<400x128xf32>
    %dot_general3A_22 = tpu.matmul %slice3A_16, %get3A_19, %dot_general3A_21 {dimension_numbers = #tpu.dot_dimension_numbers<[1], [0], [0], [1], [0, 0, 1, 1], [], []>, transpose_lhs_hint = false} : vector<400x8xf32>, vector<8x128xf32>, vector<400x128xf32> -> vector<400x128xf32>
    %concatenate3A = tpu.concatenate %dot_general3A_20, %dot_general3A_22 in 1 : vector<400x128xf32>, vector<400x128xf32> -> vector<400x256xf32>
    %get3A_23 = arith.constant 0 : index
    %get3A_24 = arith.constant 0 : index
    %get3A_25 = vector.load %arg6[%get3A_23, %get3A_24] : memref<256x128xf32, #tpu.memory_space<vmem>>, vector<256x128xf32>
    %dot_general3A_26 = arith.constant dense<0.000000e+00> : vector<400x128xf32>
    %dot_general3A_27 = tpu.matmul %concatenate3A, %get3A_25, %dot_general3A_26 {dimension_numbers = #tpu.dot_dimension_numbers<[1], [0], [0], [1], [0, 0, 1, 1], [], []>, transpose_lhs_hint = false} : vector<400x256xf32>, vector<256x128xf32>, vector<400x128xf32> -> vector<400x128xf32>
    %get3A_28 = arith.constant 0 : index
    %get3A_29 = arith.constant 0 : index
    %get3A_30 = vector.load %arg7[%get3A_28, %get3A_29] : memref<1x128xf32, #tpu.memory_space<vmem>>, vector<1x128xf32>
    %add3A_31 = vector.broadcast %get3A_30 : vector<1x128xf32> to vector<400x128xf32>
    %add3A_32 = arith.addf %dot_general3A_27, %add3A_31 : vector<400x128xf32>
    %max3A = arith.constant 0.000000e+00 : f32
    %max3A_33 = vector.broadcast %max3A : f32 to vector<400x128xf32>
    %max3A_34 = arith.maximumf %add3A_32, %max3A_33 : vector<400x128xf32>
    %get3A_35 = arith.constant 0 : index
    %get3A_36 = arith.constant 0 : index
    %get3A_37 = vector.load %arg8[%get3A_35, %get3A_36] : memref<128x128xf32, #tpu.memory_space<vmem>>, vector<128x128xf32>
    %dot_general3A_38 = arith.constant dense<0.000000e+00> : vector<400x128xf32>
    %dot_general3A_39 = tpu.matmul %max3A_34, %get3A_37, %dot_general3A_38 {dimension_numbers = #tpu.dot_dimension_numbers<[1], [0], [0], [1], [0, 0, 1, 1], [], []>, transpose_lhs_hint = false} : vector<400x128xf32>, vector<128x128xf32>, vector<400x128xf32> -> vector<400x128xf32>
    %get3A_40 = arith.constant 0 : index
    %get3A_41 = arith.constant 0 : index
    %get3A_42 = vector.load %arg9[%get3A_40, %get3A_41] : memref<1x128xf32, #tpu.memory_space<vmem>>, vector<1x128xf32>
    %add3A_43 = vector.broadcast %get3A_42 : vector<1x128xf32> to vector<400x128xf32>
    %add3A_44 = arith.addf %dot_general3A_39, %add3A_43 : vector<400x128xf32>
    %max3A_45 = arith.constant 0.000000e+00 : f32
    %max3A_46 = vector.broadcast %max3A_45 : f32 to vector<400x128xf32>
    %max3A_47 = arith.maximumf %add3A_44, %max3A_46 : vector<400x128xf32>
    %get3A_48 = arith.constant 0 : index
    %get3A_49 = arith.constant 0 : index
    %get3A_50 = vector.load %arg10[%get3A_48, %get3A_49] : memref<8x128xf32, #tpu.memory_space<vmem>>, vector<8x128xf32>
    %dot_general3A_51 = arith.constant dense<0.000000e+00> : vector<400x8xf32>
    %dot_general3A_52 = tpu.matmul %max3A_47, %get3A_50, %dot_general3A_51 {dimension_numbers = #tpu.dot_dimension_numbers<[1], [1], [0], [0], [0, 0, 1, 0], [], []>, transpose_lhs_hint = false} : vector<400x128xf32>, vector<8x128xf32>, vector<400x8xf32> -> vector<400x8xf32>
    %reduce_max3A = arith.constant dense<0xFF800000> : vector<400xf32>
    %reduce_max3A_53 = vector.multi_reduction <maximumf>, %dot_general3A_52, %reduce_max3A [1] : vector<400x8xf32> to vector<400xf32>
    %broadcast_in_dim3A = vector.shape_cast %reduce_max3A_53 : vector<400xf32> to vector<400x1xf32>
    %sub3A = vector.broadcast %broadcast_in_dim3A : vector<400x1xf32> to vector<400x8xf32>
    %sub3A_54 = arith.subf %dot_general3A_52, %sub3A : vector<400x8xf32>
    %exp3A = math.exp %sub3A_54 : vector<400x8xf32>
    %reduce_sum3A = arith.constant dense<0.000000e+00> : vector<400xf32>
    %reduce_sum3A_55 = vector.multi_reduction <add>, %exp3A, %reduce_sum3A [1] : vector<400x8xf32> to vector<400xf32>
    %broadcast_in_dim3A_56 = vector.shape_cast %reduce_sum3A_55 : vector<400xf32> to vector<400x1xf32>
    %div3A = vector.broadcast %broadcast_in_dim3A_56 : vector<400x1xf32> to vector<400x8xf32>
    %div3A_57 = arith.divf %exp3A, %div3A : vector<400x8xf32>
    %get3A_58 = arith.constant 0 : index
    %get3A_59 = arith.constant 0 : index
    %get3A_60 = vector.load %arg10[%get3A_58, %get3A_59] : memref<8x128xf32, #tpu.memory_space<vmem>>, vector<8x128xf32>
    %dot_general3A_61 = arith.constant dense<0.000000e+00> : vector<400x128xf32>
    %dot_general3A_62 = tpu.matmul %div3A_57, %get3A_60, %dot_general3A_61 {dimension_numbers = #tpu.dot_dimension_numbers<[1], [0], [0], [1], [0, 0, 1, 1], [], []>, transpose_lhs_hint = false} : vector<400x8xf32>, vector<8x128xf32>, vector<400x128xf32> -> vector<400x128xf32>
    %concatenate3A_63 = tpu.concatenate %dot_general3A_20, %dot_general3A_62 in 1 : vector<400x128xf32>, vector<400x128xf32> -> vector<400x256xf32>
    %get3A_64 = arith.constant 0 : index
    %get3A_65 = arith.constant 0 : index
    %get3A_66 = vector.load %arg4[%get3A_64, %get3A_65] : memref<400x1xi32, #tpu.memory_space<vmem>>, vector<400x1xi32>
    %iota3A = tpu.iota {dimensions = array<i32: 1>} : vector<400x64xi32>
    %eq3A_67 = vector.broadcast %get3A_66 : vector<400x1xi32> to vector<400x64xi32>
    %eq3A_68 = arith.cmpi eq, %iota3A, %eq3A_67 : vector<400x64xi32>
    %convert_element_type3A_69 = arith.extui %eq3A_68 : vector<400x64xi1> to vector<400x64xi32>
    %convert_element_type3A_70 = arith.sitofp %convert_element_type3A_69 : vector<400x64xi32> to vector<400x64xf32>
    %get3A_71 = arith.constant 0 : index
    %get3A_72 = arith.constant 0 : index
    %get3A_73 = vector.load %arg15[%get3A_71, %get3A_72] : memref<64x256xf32, #tpu.memory_space<vmem>>, vector<64x256xf32>
    %dot_general3A_74 = arith.constant dense<0.000000e+00> : vector<64x256xf32>
    %dot_general3A_75 = tpu.matmul %convert_element_type3A_70, %concatenate3A_63, %dot_general3A_74 {dimension_numbers = #tpu.dot_dimension_numbers<[0], [0], [1], [1], [0, 1, 1, 1], [], []>, transpose_lhs_hint = false} : vector<400x64xf32>, vector<400x256xf32>, vector<64x256xf32> -> vector<64x256xf32>
    %add3A_76 = arith.addf %get3A_73, %dot_general3A_75 : vector<64x256xf32>
    %swap3A = arith.constant 0 : index
    %swap3A_77 = arith.constant 0 : index
    %swap3A_78 = vector.load %arg15[%swap3A, %swap3A_77] : memref<64x256xf32, #tpu.memory_space<vmem>>, vector<64x256xf32>
    tpu.vector_store %arg15[%swap3A, %swap3A_77], %add3A_76 {strides = array<i32>} : memref<64x256xf32, #tpu.memory_space<vmem>>, vector<64x256xf32>,
    %get3A_79 = arith.constant 0 : index
    %get3A_80 = arith.constant 0 : index
    %get3A_81 = vector.load %arg16[%get3A_79, %get3A_80] : memref<64x128xf32, #tpu.memory_space<vmem>>, vector<64x128xf32>
    %broadcast_in_dim3A_82 = arith.constant 1.000000e+00 : f32
    %broadcast_in_dim3A_83 = vector.broadcast %broadcast_in_dim3A_82 : f32 to vector<400x128xf32>
    %dot_general3A_84 = arith.constant dense<0.000000e+00> : vector<64x128xf32>
    %dot_general3A_85 = tpu.matmul %convert_element_type3A_70, %broadcast_in_dim3A_83, %dot_general3A_84 {dimension_numbers = #tpu.dot_dimension_numbers<[0], [0], [1], [1], [0, 1, 1, 1], [], []>, transpose_lhs_hint = false} : vector<400x64xf32>, vector<400x128xf32>, vector<64x128xf32> -> vector<64x128xf32>
    %add3A_86 = arith.addf %get3A_81, %dot_general3A_85 : vector<64x128xf32>
    %swap3A_87 = arith.constant 0 : index
    %swap3A_88 = arith.constant 0 : index
    %swap3A_89 = vector.load %arg16[%swap3A_87, %swap3A_88] : memref<64x128xf32, #tpu.memory_space<vmem>>, vector<64x128xf32>
    tpu.vector_store %arg16[%swap3A_87, %swap3A_88], %add3A_86 {strides = array<i32>} : memref<64x128xf32, #tpu.memory_space<vmem>>, vector<64x128xf32>,
    %reduce_min3A = vector.shape_cast %get3A_66 : vector<400x1xi32> to vector<1x400x1xi32>
    %reduce_min3A_90 = arith.constant dense<2147483647> : vector<1xi32>
    %reduce_min3A_91 = vector.multi_reduction <minsi>, %reduce_min3A, %reduce_min3A_90 [1, 2] : vector<1x400x1xi32> to vector<1xi32>
    %reduce_min3A_92 = vector.shape_cast %reduce_min3A_91 : vector<1xi32> to vector<1x1x1xi32>
    %reduce_min3A_93 = vector.extract %reduce_min3A_92[0, 0, 0] : i32 from vector<1x1x1xi32>
    %reduce_max3A_94 = vector.shape_cast %get3A_66 : vector<400x1xi32> to vector<1x400x1xi32>
    %reduce_max3A_95 = arith.constant dense<-2147483648> : vector<1xi32>
    %reduce_max3A_96 = vector.multi_reduction <maxsi>, %reduce_max3A_94, %reduce_max3A_95 [1, 2] : vector<1x400x1xi32> to vector<1xi32>
    %reduce_max3A_97 = vector.shape_cast %reduce_max3A_96 : vector<1xi32> to vector<1x1x1xi32>
    %reduce_max3A_98 = vector.extract %reduce_max3A_97[0, 0, 0] : i32 from vector<1x1x1xi32>
    %add3A_99 = arith.constant 1 : i32
    %add3A_100 = arith.addi %reduce_max3A_98, %add3A_99 : i32
    %while3A = arith.constant 0 : i32
    %while3A_101 = arith.subi %add3A_100, %reduce_min3A_93 : i32
    %while3A_102 = arith.addi %reduce_min3A_93, %while3A_101 : i32
    %while3A_103 = arith.constant 1 : i32
    %while3A_104 = arith.divsi %while3A_101, %while3A_103 : i32
    %while3A_105 = arith.muli %while3A_104, %while3A_103 : i32
    %while3A_106 = arith.addi %reduce_min3A_93, %while3A_105 : i32
    %while3A_107 = arith.constant 1 : i32
    %while3A_108 = scf.for %while3A_116 = %reduce_min3A_93 to %while3A_106 step %while3A_107 iter_args(%while3A_117 = %while3A) -> (i32)  : i32 {
      %eq3A_118 = vector.broadcast %while3A_116 : i32 to vector<400x1xi32>
      %eq3A_119 = arith.cmpi eq, %get3A_66, %eq3A_118 : vector<400x1xi32>
      %jit3A = arith.constant -3.000000e+38 : f32
      %broadcast_in_dim3A_120 = vector.shape_cast %eq3A_119 : vector<400x1xi1> to vector<400x1xi1>
      %broadcast_in_dim3A_121 = vector.broadcast %broadcast_in_dim3A_120 : vector<400x1xi1> to vector<400x256xi1>
      %broadcast_in_dim3A_122 = vector.broadcast %jit3A : f32 to vector<400x256xf32>
      %select_n3A = arith.select %broadcast_in_dim3A_121, %concatenate3A_63, %broadcast_in_dim3A_122 : vector<400x256xi1>, vector<400x256xf32>
      %reduce_max3A_123 = arith.constant dense<0xFF800000> : vector<256xf32>
      %reduce_max3A_124 = vector.multi_reduction <maximumf>, %select_n3A, %reduce_max3A_123 [0] : vector<400x256xf32> to vector<256xf32>
      %broadcast_in_dim3A_125 = vector.shape_cast %reduce_max3A_124 : vector<256xf32> to vector<1x256xf32>
      %get3A_126 = arith.index_cast %while3A_116 : i32 to index
      %get3A_127 = arith.constant 0 : index
      %get3A_128 = vector.load %arg14[%get3A_126, %get3A_127] : memref<64x256xf32, #tpu.memory_space<vmem>>, vector<1x256xf32>
      %max3A_129 = arith.maximumf %get3A_128, %broadcast_in_dim3A_125 : vector<1x256xf32>
      %swap3A_130 = arith.index_cast %while3A_116 : i32 to index
      %swap3A_131 = arith.constant 0 : index
      %swap3A_132 = vector.load %arg14[%swap3A_130, %swap3A_131] : memref<64x256xf32, #tpu.memory_space<vmem>>, vector<1x256xf32>
      tpu.vector_store %arg14[%swap3A_130, %swap3A_131], %max3A_129 {strides = array<i32>} : memref<64x256xf32, #tpu.memory_space<vmem>>, vector<1x256xf32>,
      %while3A_133 = arith.constant 0 : i32
      scf.yield %while3A_133 : i32
    }
    %while3A_109 = arith.constant 1 : i32
    %while3A_110 = scf.for %while3A_116 = %while3A_106 to %while3A_102 step %while3A_109 iter_args(%while3A_117 = %while3A_108) -> (i32)  : i32 {
      %eq3A_118 = vector.broadcast %while3A_116 : i32 to vector<400x1xi32>
      %eq3A_119 = arith.cmpi eq, %get3A_66, %eq3A_118 : vector<400x1xi32>
      %jit3A = arith.constant -3.000000e+38 : f32
      %broadcast_in_dim3A_120 = vector.shape_cast %eq3A_119 : vector<400x1xi1> to vector<400x1xi1>
      %broadcast_in_dim3A_121 = vector.broadcast %broadcast_in_dim3A_120 : vector<400x1xi1> to vector<400x256xi1>
      %broadcast_in_dim3A_122 = vector.broadcast %jit3A : f32 to vector<400x256xf32>
      %select_n3A = arith.select %broadcast_in_dim3A_121, %concatenate3A_63, %broadcast_in_dim3A_122 : vector<400x256xi1>, vector<400x256xf32>
      %reduce_max3A_123 = arith.constant dense<0xFF800000> : vector<256xf32>
      %reduce_max3A_124 = vector.multi_reduction <maximumf>, %select_n3A, %reduce_max3A_123 [0] : vector<400x256xf32> to vector<256xf32>
      %broadcast_in_dim3A_125 = vector.shape_cast %reduce_max3A_124 : vector<256xf32> to vector<1x256xf32>
      %get3A_126 = arith.index_cast %while3A_116 : i32 to index
      %get3A_127 = arith.constant 0 : index
      %get3A_128 = vector.load %arg14[%get3A_126, %get3A_127] : memref<64x256xf32, #tpu.memory_space<vmem>>, vector<1x256xf32>
      %max3A_129 = arith.maximumf %get3A_128, %broadcast_in_dim3A_125 : vector<1x256xf32>
      %swap3A_130 = arith.index_cast %while3A_116 : i32 to index
      %swap3A_131 = arith.constant 0 : index
      %swap3A_132 = vector.load %arg14[%swap3A_130, %swap3A_131] : memref<64x256xf32, #tpu.memory_space<vmem>>, vector<1x256xf32>
      tpu.vector_store %arg14[%swap3A_130, %swap3A_131], %max3A_129 {strides = array<i32>} : memref<64x256xf32, #tpu.memory_space<vmem>>, vector<1x256xf32>,
      %while3A_133 = arith.constant 0 : i32
      scf.yield %while3A_133 : i32
    }
    %eq3A_111 = arith.constant 24 : i32
    %eq3A_112 = arith.cmpi eq, %arg0, %eq3A_111 : i32
    %convert_element_type3A_113 = arith.extui %eq3A_112 : i1 to i32
    %cond3A_114 = arith.constant 0 : i32
    %cond3A_115 = arith.cmpi ne, %convert_element_type3A_113, %cond3A_114 : i32
    scf.if %cond3A_115 {
      %get3A_116 = arith.constant 0 : index
      %get3A_117 = arith.constant 0 : index
      %get3A_118 = vector.load %arg14[%get3A_116, %get3A_117] : memref<64x256xf32, #tpu.memory_space<vmem>>, vector<64x256xf32>
      %gt3A = arith.constant -1.500000e+38 : f32
      %gt3A_119 = vector.broadcast %gt3A : f32 to vector<64x256xf32>
      %gt3A_120 = arith.cmpf ogt, %get3A_118, %gt3A_119 : vector<64x256xf32>
      %jit3A = arith.constant 0.000000e+00 : f32
      %broadcast_in_dim3A_121 = vector.broadcast %jit3A : f32 to vector<64x256xf32>
      %select_n3A = arith.select %gt3A_120, %get3A_118, %broadcast_in_dim3A_121 : vector<64x256xi1>, vector<64x256xf32>
      %get3A_122 = arith.constant 0 : index
      %get3A_123 = arith.constant 0 : index
      %get3A_124 = vector.load %arg16[%get3A_122, %get3A_123] : memref<64x128xf32, #tpu.memory_space<vmem>>, vector<64x128xf32>
      %slice3A_125 = vector.extract_strided_slice %get3A_124 {offsets = [0, 0], sizes = [64, 1], strides = [1, 1]} : vector<64x128xf32> to vector<64x1xf32>
      %get3A_126 = arith.constant 0 : index
      %get3A_127 = arith.constant 0 : index
      %get3A_128 = vector.load %arg15[%get3A_126, %get3A_127] : memref<64x256xf32, #tpu.memory_space<vmem>>, vector<64x256xf32>
      %max3A_129 = arith.constant 1.000000e+00 : f32
      %max3A_130 = vector.broadcast %max3A_129 : f32 to vector<64x1xf32>
      %max3A_131 = arith.maximumf %slice3A_125, %max3A_130 : vector<64x1xf32>
      %div3A_132 = vector.broadcast %max3A_131 : vector<64x1xf32> to vector<64x256xf32>
      %div3A_133 = arith.divf %get3A_128, %div3A_132 : vector<64x256xf32>
      %concatenate3A_134 = tpu.concatenate %select_n3A, %div3A_133 in 1 : vector<64x256xf32>, vector<64x256xf32> -> vector<64x512xf32>
      %get3A_135 = arith.constant 0 : index
      %get3A_136 = arith.constant 0 : index
      %get3A_137 = vector.load %arg11[%get3A_135, %get3A_136] : memref<512x10xf32, #tpu.memory_space<vmem>>, vector<512x10xf32>
      %dot_general3A_138 = arith.constant dense<0.000000e+00> : vector<64x10xf32>
      %dot_general3A_139 = tpu.matmul %concatenate3A_134, %get3A_137, %dot_general3A_138 {dimension_numbers = #tpu.dot_dimension_numbers<[1], [0], [0], [1], [0, 0, 1, 1], [], []>, transpose_lhs_hint = false} : vector<64x512xf32>, vector<512x10xf32>, vector<64x10xf32> -> vector<64x10xf32>
      %get3A_140 = arith.constant 0 : index
      %get3A_141 = arith.constant 0 : index
      %get3A_142 = vector.load %arg12[%get3A_140, %get3A_141] : memref<1x10xf32, #tpu.memory_space<vmem>>, vector<1x10xf32>
      %add3A_143 = vector.broadcast %get3A_142 : vector<1x10xf32> to vector<64x10xf32>
      %add3A_144 = arith.addf %dot_general3A_139, %add3A_143 : vector<64x10xf32>
      %reduce_max3A_145 = arith.constant dense<0xFF800000> : vector<64xf32>
      %reduce_max3A_146 = vector.multi_reduction <maximumf>, %add3A_144, %reduce_max3A_145 [1] : vector<64x10xf32> to vector<64xf32>
      %broadcast_in_dim3A_147 = vector.shape_cast %reduce_max3A_146 : vector<64xf32> to vector<64x1xf32>
      %sub3A_148 = vector.broadcast %broadcast_in_dim3A_147 : vector<64x1xf32> to vector<64x10xf32>
      %sub3A_149 = arith.subf %add3A_144, %sub3A_148 : vector<64x10xf32>
      %exp3A_150 = math.exp %sub3A_149 : vector<64x10xf32>
      %reduce_sum3A_151 = arith.constant dense<0.000000e+00> : vector<64xf32>
      %reduce_sum3A_152 = vector.multi_reduction <add>, %exp3A_150, %reduce_sum3A_151 [1] : vector<64x10xf32> to vector<64xf32>
      %broadcast_in_dim3A_153 = vector.shape_cast %reduce_sum3A_152 : vector<64xf32> to vector<64x1xf32>
      %log3A = math.log %broadcast_in_dim3A_153 : vector<64x1xf32>
      %add3A_154 = arith.addf %broadcast_in_dim3A_147, %log3A : vector<64x1xf32>
      %sub3A_155 = vector.broadcast %add3A_154 : vector<64x1xf32> to vector<64x10xf32>
      %sub3A_156 = arith.subf %add3A_144, %sub3A_155 : vector<64x10xf32>
      %swap3A_157 = arith.constant 0 : index
      %swap3A_158 = arith.constant 0 : index
      %swap3A_159 = vector.load %arg13[%swap3A_157, %swap3A_158] : memref<64x10xf32, #tpu.memory_space<vmem>>, vector<64x10xf32>
      tpu.vector_store %arg13[%swap3A_157, %swap3A_158], %sub3A_156 {strides = array<i32>} : memref<64x10xf32, #tpu.memory_space<vmem>>, vector<64x10xf32>,
    } else {
    }
    return
  }
  func.func @transform_0(%arg0: i32) -> (i32, i32) {
    %c0_i32 = arith.constant 0 : i32
    %c0_i32_0 = arith.constant 0 : i32
    return %arg0, %c0_i32 : i32, i32
  }
  func.func @transform_1(%arg0: i32) -> (i32, i32, i32, i32) {
    %c0_i32 = arith.constant 0 : i32
    %c0_i32_0 = arith.constant 0 : i32
    %c0_i32_1 = arith.constant 0 : i32
    %c0_i32_2 = arith.constant 0 : i32
    return %c0_i32, %c0_i32_0, %arg0, %c0_i32_1 : i32, i32, i32, i32
  }
  func.func @transform_2(%arg0: i32) -> (i32, i32, i32, i32) {
    %c0_i32 = arith.constant 0 : i32
    %c1_i32 = arith.constant 1 : i32
    %c0_i32_0 = arith.constant 0 : i32
    %c0_i32_1 = arith.constant 0 : i32
    return %c0_i32, %c1_i32, %arg0, %c0_i32_0 : i32, i32, i32, i32
  }
  func.func @transform_3(%arg0: i32) -> (i32, i32) {
    %c0_i32 = arith.constant 0 : i32
    %c0_i32_0 = arith.constant 0 : i32
    return %arg0, %c0_i32 : i32, i32
  }
  func.func @transform_4(%arg0: i32) -> (i32, i32) {
    %c0_i32 = arith.constant 0 : i32
    %c0_i32_0 = arith.constant 0 : i32
    %c0_i32_1 = arith.constant 0 : i32
    return %c0_i32, %c0_i32_0 : i32, i32
  }
  func.func @transform_5(%arg0: i32) -> (i32, i32) {
    %c0_i32 = arith.constant 0 : i32
    %c0_i32_0 = arith.constant 0 : i32
    %c0_i32_1 = arith.constant 0 : i32
    return %c0_i32, %c0_i32_0 : i32, i32
  }
  func.func @transform_6(%arg0: i32) -> (i32, i32) {
    %c0_i32 = arith.constant 0 : i32
    %c0_i32_0 = arith.constant 0 : i32
    %c0_i32_1 = arith.constant 0 : i32
    return %c0_i32, %c0_i32_0 : i32, i32
  }
  func.func @transform_7(%arg0: i32) -> (i32, i32) {
    %c0_i32 = arith.constant 0 : i32
    %c0_i32_0 = arith.constant 0 : i32
    %c0_i32_1 = arith.constant 0 : i32
    return %c0_i32, %c0_i32_0 : i32, i32
  }
  func.func @transform_8(%arg0: i32) -> (i32, i32) {
    %c0_i32 = arith.constant 0 : i32
    %c0_i32_0 = arith.constant 0 : i32
    %c0_i32_1 = arith.constant 0 : i32
    return %c0_i32, %c0_i32_0 : i32, i32
  }
  func.func @transform_9(%arg0: i32) -> (i32, i32) {
    %c0_i32 = arith.constant 0 : i32
    %c0_i32_0 = arith.constant 0 : i32
    %c0_i32_1 = arith.constant 0 : i32
    return %c0_i32, %c0_i32_0 : i32, i32
  }
  func.func @transform_10(%arg0: i32) -> (i32, i32) {
    %c0_i32 = arith.constant 0 : i32
    %c0_i32_0 = arith.constant 0 : i32
    %c0_i32_1 = arith.constant 0 : i32
    return %c0_i32, %c0_i32_0 : i32, i32
  }
  func.func @transform_11(%arg0: i32) -> (i32, i32) {
    %c0_i32 = arith.constant 0 : i32
    %c0_i32_0 = arith.constant 0 : i32
    %c0_i32_1 = arith.constant 0 : i32
    return %c0_i32, %c0_i32_0 : i32, i32
  }
  func.func @transform_12(%arg0: i32) -> (i32, i32) {
    %c0_i32 = arith.constant 0 : i32
    %c0_i32_0 = arith.constant 0 : i32
    %c0_i32_1 = arith.constant 0 : i32
    return %c0_i32, %c0_i32_0 : i32, i32
  }
}

</mosaic_0001>

<sc_bundles>
// kernel: kernel.10.cloned.1.call-start
scs
__scs_entry_jumppad:
0x0: {  	(pc) =	sbr.rel $0x88, $3  }
0x1: {  	(tag) =	ssettag $0x0;
	lr =	simm.s32 $0x1  }
0x2: {  	[smem:$0x3F90] =	sst lr;
	_ =	strace $0xD0000000  }
0x3: {  	_ = 	snop  }
0x4: {  	_ = 	snop  }
0x5: {  	_ = 	snop  }
0x6: {  	_ = 	snop  }
0x7: {  	_ = 	snop  }
__scs_overlays_trampoline_lowered:
0x8: {  	[smem:$0x3F9F] =	sst s0  }
0x9: {  	[smem:$0x3FA0] =	sst s1  }
0xa: {  	[smem:$0x3FA1] =	sst s2  }
0xb: {  	[smem:$0x3FA2] =	sst s3  }
0xc: {  	[smem:$0x3FA3] =	sst s4  }
0xd: {  	[smem:$0x3FA4] =	sst s5  }
0xe: {  	[smem:$0x3FA5] =	sst s6  }
0xf: {  	[smem:$0x3FA6] =	sst s7  }
0x10: {  	[smem:$0x3FA7] =	sst s8  }
0x11: {  	[smem:$0x3FA8] =	sst s9;
	s0 =	simm.s32 @!p0 $0x0  }
0x12: {  	s1 =	sld [smem:$0x3F8E];
	s0 =	simm.s32 @p0 $0x1  }
0x13: {  	[smem:$0x3FA9] =	sst s0;
	s0 =	simm.s32 @!p1 $0x0  }
0x14: {  	s2 =	sld [smem:$0x3F8D];
	s0 =	simm.s32 @p1 $0x1  }
0x15: {  	[smem:$0x3FAA] =	sst s0;
	s0 =	simm.s32 @!p2 $0x0  }
0x16: {  	s3 =	sld [smem:$0x3FDB];
	s0 =	simm.s32 @p2 $0x1  }
0x17: {  	s4 =	simm.s32 $0x1BF5;
	[smem:$0x3FAC] =	sst s0  }
0x18: {  	s0 =	sld [smem:$0x3F8F];
	_ =	swait.ge [sflag:s4], $0x0  }
0x19: {  	s7 =	sld [smem:$0x3F90]  }
0x1a: {  	s8 =	sadd.s32 $0xFFFFE003, lr  }
0x1b: {  	s9 =	sadd.s32 $0xFFFFFEF7, lr;
	s5 =	simm.s32 $0xFFFFFFFF;
	p2 =	slt.u32 s8, $0xFFFFF086  }
0x1c: {  	p1 =	slt.u32 s9, $0xF7A;
	s5 =	simm.s32 @!p2 $0x0  }
0x1d: {  	s5 =	simm.s32 @p1 $0x1;
	p0 =	seq.s32 s7, s2  }
0x1e: {  	s7 =	smul.u32 @!p0 $0xF7A, s2;
	p2 =	seq.s32 @!p0 s5, $0x0  }
0x1f: {  	s9 =	smul.u32 $0xF7A, s1;
	s8 =	simm.s32 @!p0 $0x1BF5;
	p2 =	por !p2, p0  }
0x20: {  	[sflag:s8] =	ssyncset.s32 @!p0 $0xFFFFF086;
	s6 =	sadd.s32 @!p0 s3, s7;
	s7 =	simm.s32 @!p0 $0x108  }
0x21: {  	s3 =	sadd.s32 s3, s9;
	s6 =	sadd.s32 @!p0 $0x88, s6;
	s7 =	simm.s32 @p2 $0x1082  }
0x22: {  	[simem:s7], [sflag:s8] =	dma.local @!p0 [hbm:s6], $0xF7A  }
0x23: {  	s9 =	sor.u32 $0xD0000000, s2;
	s6 =	simm.s32 $0x108;
	_ =	swait.ge @!p0 [sflag:s8], $0x0  }
0x24: {  	s3 =	sadd.s32 $0x88, s3;
	s6 =	simm.s32 @!p1 $0x1082;
	[sflag:s4] =	ssyncset.s32 $0xFFFFF086  }
0x25: {  	[simem:s6], [sflag:s4] =	dma.local [hbm:s3], $0xF7A  }
0x26: {  	[smem:$0x3F90] =	sst s1;
	(tag) =	ssettag s2;
	_ =	strace s9  }
0x27: {  	s1 =	sld [smem:$0x3FA0]  }
0x28: {  	s2 =	sld [smem:$0x3FA1]  }
0x29: {  	s4 =	sld [smem:$0x3FA3]  }
0x2a: {  	p0 =	seq.s32 s5, $0x0;
	s5 =	sld [smem:$0x3FA4]  }
0x2b: {  	s6 =	sld [smem:$0x3FA5]  }
0x2c: {  	s7 =	sld [smem:$0x3FA6]  }
0x2d: {  	s3 =	simm.s32 $0x108;
	s8 =	sld [smem:$0x3FA7]  }
0x2e: {  	s3 =	simm.s32 @!p0 $0x1082;
	s9 =	sld [smem:$0x3FA8]  }
0x2f: {  	lr =	sadd.s32 s0, s3;
	s0 =	sld [smem:$0x3F9F]  }
0x30: {  	s3 =	sld [smem:$0x3FA2]  }
0x31: {  	[smem:$0x3FAB] =	sst s10  }
0x32: {  	s10 =	sld [smem:$0x3FA9];
	_ =	sdelay $0x3  }
0x33: {  	p0 =	seq.s32 s10, $0x1;
	s10 =	sld [smem:$0x3FAB];
	_ =	sdelay $0x3  }
0x34: {  	[smem:$0x3FAB] =	sst s10  }
0x35: {  	s10 =	sld [smem:$0x3FAA];
	_ =	sdelay $0x3  }
0x36: {  	p1 =	seq.s32 s10, $0x1;
	s10 =	sld [smem:$0x3FAB];
	_ =	sdelay $0x3  }
0x37: {  	[smem:$0x3FAB] =	sst s10  }
0x38: {  	s10 =	sld [smem:$0x3FAC]  }
0x39: {  	_ = 	snop;
	(pc) =	sbr.ind lr, $3  }
0x3a: {  	_ = 	snop  }
0x3b: {  	_ = 	snop  }
0x3c: {  	p2 =	seq.s32 s10, $0x1;
	s10 =	sld [smem:$0x3FAB]  }
0x3d: {  	_ =	shalt  }
0x3e: {  	_ =	shalt  }
0x3f: {  	_ =	shalt  }
0x40: {  	_ =	shalt  }
0x41: {  	_ =	shalt  }
0x42: {  	_ =	shalt  }
0x43: {  	_ =	shalt  }
0x44: {  	_ =	shalt  }
0x45: {  	_ =	shalt  }
0x46: {  	_ =	shalt  }
0x47: {  	_ =	shalt  }
0x48: {  	_ =	shalt  }
0x49: {  	_ =	shalt  }
0x4a: {  	_ =	shalt  }
0x4b: {  	_ =	shalt  }
0x4c: {  	_ =	shalt  }
0x4d: {  	_ =	shalt  }
0x4e: {  	_ =	shalt  }
0x4f: {  	_ =	shalt  }
0x50: {  	_ =	shalt  }
0x51: {  	_ =	shalt  }
0x52: {  	_ =	shalt  }
0x53: {  	_ =	shalt  }
0x54: {  	_ =	shalt  }
0x55: {  	_ =	shalt  }
0x56: {  	_ =	shalt  }
0x57: {  	_ =	shalt  }
0x58: {  	_ =	shalt  }
0x59: {  	_ =	shalt  }
0x5a: {  	_ =	shalt  }
0x5b: {  	_ =	shalt  }
0x5c: {  	_ =	shalt  }
0x5d: {  	_ =	shalt  }
0x5e: {  	_ =	shalt  }
0x5f: {  	_ =	shalt  }
0x60: {  	_ =	shalt  }
0x61: {  	_ =	shalt  }
0x62: {  	_ =	shalt  }
0x63: {  	_ =	shalt  }
0x64: {  	_ =	shalt  }
0x65: {  	_ =	shalt  }
0x66: {  	_ =	shalt  }
0x67: {  	_ =	shalt  }
0x68: {  	_ =	shalt  }
0x69: {  	_ =	shalt  }
0x6a: {  	_ =	shalt  }
0x6b: {  	_ =	shalt  }
0x6c: {  	_ =	shalt  }
0x6d: {  	_ =	shalt  }
0x6e: {  	_ =	shalt  }
0x6f: {  	_ =	shalt  }
0x70: {  	_ =	shalt  }
0x71: {  	_ =	shalt  }
0x72: {  	_ =	shalt  }
0x73: {  	_ =	shalt  }
0x74: {  	_ =	shalt  }
0x75: {  	_ =	shalt  }
0x76: {  	_ =	shalt  }
0x77: {  	_ =	shalt  }
0x78: {  	_ =	shalt  }
0x79: {  	_ =	shalt  }
0x7a: {  	_ =	shalt  }
0x7b: {  	_ =	shalt  }
0x7c: {  	_ =	shalt  }
0x7d: {  	_ =	shalt  }
0x7e: {  	_ =	shalt  }
0x7f: {  	_ =	shalt  }
0x80: {  	_ =	shalt  }
0x81: {  	_ =	shalt  }
0x82: {  	_ =	shalt  }
0x83: {  	_ =	shalt  }
0x84: {  	_ =	shalt  }
0x85: {  	_ =	shalt  }
0x86: {  	_ =	shalt  }
0x87: {  	_ =	shalt  }
.Lfunc_end0:
.L_simem_size_0:
called_computation.1_lowered:
.L_overlay_start_0:
0x88: {  	s2 =	sld [smem:$0x3FD9]  }
0x89: {  	s3 =	sld [smem:$0x3FFE];
	_ =	sdelay $0x1  }
0x8a: {  	s1 =	srdreg.scid  }
0x8b: {  	s0 =	sand.u32 $0x1, s1  }
0x8c: {  	s16 =	sshll.u32 s0, $0xA;
	s2 =	sadd.s32 s3, s2  }
0x8d: {  	s2 =	sadd.s32 s2, s16  }
0x8e: {  	[smem:$0x3FB7] =	sst s2  }
0x8f: {  	_ = 	snop  }
0x90: {  	(tm) =	ssettm $0x1  }
0x91: {  	s17 =	sld [smem:$0x3FFB];
	_ =	sdelay $0x3  }
0x92: {  	_ =	strace s17  }
0x93: {  	s2 =	sld [smem:$0x3FFC];
	_ =	sdelay $0x3  }
0x94: {  	_ =	strace s2  }
0x95: {  	s2 =	sld [smem:$0x3FFD];
	_ =	sdelay $0x3  }
0x96: {  	_ =	strace s2  }
0x97: {  	_ =	strace $0x8FFFFFFF  }
0x98: {  	s18 =	sld [smem:$0x3FDB];
	_ =	sdelay $0x1  }
0x99: {  	s19 =	simm.s32 $_scs_section_size  }
0x9a: {  	s4 =	simm.s32 $_size__tile_overlayer_lowered;
	s5 =	simm.s32 $_tile_overlayer_lowered  }
0x9b: {  	s22 =	simm.s32 $0x1BFF;
	s21 =	sshll.u32 s5, $0x1;
	s2 =	sadd.s32 s19, s18  }
0x9c: {  	s6 =	simm.s32 $0x0;
	s20 =	sshll.u32 s4, $0x1;
	s4 =	sadd.s32 s21, s2  }
0x9d: {  	[timem:s6], [sflag:s22] =	dma.local [hbm:s4], s20  }
0x9e: {  	_ =	swait.ge [sflag:s22], s20  }
0x9f: {  	s3 =	ssub.s32 $0x0, s20;
	[sflag:s22] =	ssyncset.done $0x0  }
0xa0: {  	[sflag:s22] =	ssyncadd.s32 s3;
	_ =	sdelay $0x1  }
0xa1: {  	s23 =	simm.s32 $0x1B8B  }
0xa2: {  	_ =	swait.ge [sflag:s23], $0x1  }
0xa3: {  	[sflag:s23] =	ssyncset.done $0x0  }
0xa4: {  	s25 =	simm.s32 $0x1B8E;
	s24 =	sld [smem:$0x3FFE];
	[sflag:s23] =	ssyncadd.s32 $0xFFFFFFFF  }
0xa5: {  	s26 =	simm.s32 $execute0_lowered;
	[smem:$0x3FD2] =	sst s25  }
0xa6: {  	s4 =	sshll.u32 s26, $0x1;
	_ =	strace $0x80000049;
	[dreg:$0x1] =	wrdreg $0xFFFFFFFF  }
0xa7: {  	s28 =	simm.s32 $_size_execute0_lowered;
	s2 =	sadd.s32 s2, s4;
	[dreg:$0x0] =	wrdreg $0x0  }
0xa8: {  	s4 =	sshll.u32 s28, $0x1;
	[dreg:$0x2] =	wrdreg s2  }
0xa9: {  	[dreg:$0x3] =	wrdreg s4  }
0xaa: {  	[dreg:$0x4] =	wrdreg $0xC0  }
0xab: {  	_ =	task [dreg:s6], $0x5FFFF  }
0xac: {  	[dreg:$0x1] =	wrdreg $0xFFFFFFFF  }
0xad: {  	[dreg:$0x0] =	wrdreg $0x60  }
0xae: {  	[dreg:$0x2] =	wrdreg s24  }
0xaf: {  	[dreg:$0x3] =	wrdreg $0x87000  }
0xb0: {  	[dreg:$0x4] =	wrdreg $0x5F000  }
0xb1: {  	[dreg:$0x5] =	wrdreg $0x9  }
0xb2: {  	_ =	task.clear_ibuf [dreg:s6], $0x6FFFF;
	_ =	strace $0x90000049  }
0xb3: {  	s29 =	simm.s32 $0x9;
	_ =	strace $0x8000004B  }
0xb4: {  	_ =	swait.ge [sflag:s29], $0x1  }
0xb5: {  	[sflag:s29] =	ssyncadd.s32 $0xFFFFFFFF  }
0xb6: {  	_ =	strace $0x9000004B  }
0xb7: {  	_ =	sfence  }
0xb8: {  	s30 =	sld [smem:$0x0];
	_ =	sdelay $0x2  }
0xb9: {  	s31 =	sshll.u32 s1, $0xD;
	s1 =	sshrl.u32 s1, $0x2  }
0xba: {  	s3 =	sand.u32 $0x4000, s31;
	s1 =	sadd.s32 s1, s30  }
0xbb: {  	s0 =	sor.u32 s3, s0;
	s1 =	sshll.u32 s1, $0x11  }
0xbc: {  	s0 =	sor.u32 s1, s0  }
0xbd: {  	s0 =	sadd.s32 $0x8F2B, s0  }
0xbe: {  	[sflag:s0] =	ssyncadd.remote.s32 $0x1  }
0xbf: {  	_ =	sfence.sel $0xFFFF  }
0xc0: {  	[dreg:$0x0] =	wrdreg $0xFFFFFFFF;
	(pc) =	sbr.abs _section_cstart, $3  }
0xc1: {  	[dreg:$0x1] =	wrdreg $0xFFFFFFFF  }
0xc2: {  	_ =	task.clear_ibuf [dreg:s6], $0x2FFFF;
	_ =	strace $0x9FFFFFFF  }
0xc3: {  	(tm) =	ssettm $0x7FFFFFFF  }
tec
execute0_lowered:
.L_overlay_start_1:
0x0: {  	(tag) =	ssettag $0x1  }
0x1: {  	s0 =	srdreg.scid;
	s5 =	rddreg [dreg:$0x0]  }
0x2: {  	s23 =	stileid.u32;
	s2 =	rddreg [dreg:$0x1];
	s4 =	simm.s32 $0x0  }
0x3: {  	s19 =	simm.s32 $0x4F00;
	s22 =	simm.s32 $0x80;
	s14 =	smul.u32 $0x2710, s23  }
0x4: {  	s28 =	simm.s32 $0x4D80;
	s29 =	simm.s32 $0x0;
	s9 =	smul.u32 $0x2800, s23  }
0x5: {  	s1 =	sand.u32 $0x1, s0;
	[smem:$0x7FF] =	sst s4;
	s25 =	smul.u32 $0xA000, s23  }
0x6: {  	s31 =	sshll.u32 s23, $0x6;
	s3 =	sshll.u32 s1, $0x4;
	s8 =	smul.u32 $0x28000, s1  }
0x7: {  	s1 =	ssub.s32 $0x2, s1;
	s20 =	sor.u32 $0x1C03, s31;
	s17 =	sor.u32 s23, s3  }
0x8: {  	s3 =	rddreg [dreg:$0x2];
	_ =	strace $0x8000004A;
	s10 =	sshrl.u32 s14, $0x3  }
0x9: {  	s30 =	sshrl.u32 s1, $0x1;
	s23 =	simm.s32 $0x5700;
	s6 =	smul.u32 $0x4E, s17  }
0xa: {  	s7 =	smin.u32 s17, $0x4;
	s15 =	sadd.s32 s10, s5;
	s24 =	sadd.s32 s9, s8  }
0xb: {  	s1 =	ssub.s32 s1, s30;
	s8 =	sshrl.u32 s25, $0x2;
	s9 =	sadd.s32 s9, s2  }
0xc: {  	s21 =	sadd.s32 s14, s3;
	p0 =	sgt.u32 s17, $0x3;
	s17 =	simm.s32 $0x3  }
0xd: {  	s25 =	simm.s32 $0x2;
	s13 =	sadd.s32 s8, s2;
	s14 =	sadd.s32 $0x2C00, s15  }
0xe: {  	s21 =	sshrl.u32 s21, $0x3;
	s6 =	sadd.s32 s7, s6;
	s7 =	sshrl.u32 s24, $0x3  }
0xf: {  	s10 =	sadd.s32 $0x800, s13;
	s11 =	sadd.s32 $0x1000, s13;
	s12 =	sadd.s32 $0x1800, s13  }
0x10: {  	s13 =	sadd.s32 $0x2000, s13;
	s6 =	sshll.u32 s6, $0x4;
	s16 =	sadd.s32 s7, s5  }
0x11: {  	s24 =	simm.s32 $0x1;
	s26 =	sadd.s32 s6, s5;
	s15 =	sadd.s32 $0x7C00, s16  }
0x12: {  	s16 =	smax.u32 s1, $0x1;
	s5 =	sadd.s32 $0x16600, s26;
	s6 =	sadd.s32 $0x20240, s26  }
0x13: {  	v0 =	vimm.f32 $0.0e+00;
	s7 =	sadd.s32 $0x16AE0, s26;
	s8 =	sadd.s32 $0x20720, s26;
	s26 =	simm.s32 $0x2680  }
.LBB2_1:
0x14: {  	[tilespmem:s4], [sflag:$0x3] =	stream.linear.gather [hbm4b:s5+s4], $0x2700, $0x38;
	[tilespmem:$0xAF00] =	vst v63  }
0x15: {  	_ =	swait.ge [sflag:s17], $0x2700  }
0x16: {  	[sflag:s17] =	ssyncset.done $0x0  }
0x17: {  	s0 =	simm.s32 $0x2780;
	[sflag:s17] =	ssyncadd.s32 $0xFFFFD900  }
0x18: {  	[tilespmem:s0], [sflag:$0x3] =	stream.linear.gather [hbm4b:s6+s4], $0x2700, $0x38;
	[tilespmem:$0xAF00] =	vst v63  }
0x19: {  	_ =	swait.ge [sflag:s17], $0x2700  }
0x1a: {  	[sflag:s17] =	ssyncset.done $0x0  }
0x1b: {  	s1 =	simm.s32 @!p0 $0x0;
	s30 =	simm.s32 @!p0 $0x2700;
	[sflag:s17] =	ssyncadd.s32 $0xFFFFD900  }
0x1c: {  	[tilespmem:s30], [sflag:$0x3] =	stream.linear.gather @!p0 [hbm4b:s7+s1], $0x80, $0x38;
	[tilespmem:$0xAF00] =	vst v63  }
0x1d: {  	s30 =	simm.s32 @!p0 $0x3  }
0x1e: {  	_ =	swait.ge @!p0 [sflag:s30], $0x80  }
0x1f: {  	[sflag:s30] =	ssyncset.done @!p0 $0x0  }
0x20: {  	s31 =	simm.s32 @!p0 $0x4E80;
	[sflag:s30] =	ssyncadd.s32 @!p0 $0xFFFFFF80  }
0x21: {  	[tilespmem:s31], [sflag:$0x3] =	stream.linear.gather @!p0 [hbm4b:s8+s1], $0x80, $0x38;
	[tilespmem:$0xAF00] =	vst v63  }
0x22: {  	_ =	swait.ge @!p0 [sflag:s30], $0x80  }
0x23: {  	[sflag:s30] =	ssyncset.done @!p0 $0x0  }
0x24: {  	s1 =	simm.s32 $0x0;
	[sflag:s30] =	ssyncadd.s32 @!p0 $0xFFFFFF80;
	s30 =	simm.s32 $0x40  }
.LBB2_2:
0x25: {  	p1 =	sne.s32 s30, $0x1FC0;
	[tilespmem:s1+$0x4F00] =	vst v0;
	s1 =	smov.u32 s30;
	s30 =	sadd.s32 $0x40, s30  }
.Ltmp0:
0x26: {  	(pc) =	sbr.rel @p1 .LBB2_2-.Ltmp0, $2  }
0x27: {  	_ =	sdelay $0x2  }
0x28: {  	s1 =	sshra.s32 s1, $0x2  }
0x29: {  	[tilespmem:s1+$0x4F00] =	vst v0  }
0x2a: {  	[spmem:s9] =	stream.linear.scatter [tilespmem:s19], [sflag:$0x3], $0x800, $0x38;
	[tilespmem:$0xAF00] =	vst v63  }
0x2b: {  	_ =	swait.ge [sflag:s17], $0x800  }
0x2c: {  	[sflag:s17] =	ssyncset.done $0x0  }
0x2d: {  	[sflag:s17] =	ssyncadd.s32 $0xFFFFF800  }
0x2e: {  	[spmem:s10] =	stream.linear.scatter [tilespmem:s19], [sflag:$0x3], $0x800, $0x38;
	[tilespmem:$0xAF00] =	vst v63  }
0x2f: {  	_ =	swait.ge [sflag:s17], $0x800  }
0x30: {  	[sflag:s17] =	ssyncset.done $0x0  }
0x31: {  	[sflag:s17] =	ssyncadd.s32 $0xFFFFF800  }
0x32: {  	[spmem:s11] =	stream.linear.scatter [tilespmem:s19], [sflag:$0x3], $0x800, $0x38;
	[tilespmem:$0xAF00] =	vst v63  }
0x33: {  	_ =	swait.ge [sflag:s17], $0x800  }
0x34: {  	[sflag:s17] =	ssyncset.done $0x0  }
0x35: {  	[sflag:s17] =	ssyncadd.s32 $0xFFFFF800  }
0x36: {  	[spmem:s12] =	stream.linear.scatter [tilespmem:s19], [sflag:$0x3], $0x800, $0x38;
	[tilespmem:$0xAF00] =	vst v63  }
0x37: {  	_ =	swait.ge [sflag:s17], $0x800  }
0x38: {  	[sflag:s17] =	ssyncset.done $0x0  }
0x39: {  	[sflag:s17] =	ssyncadd.s32 $0xFFFFF800  }
0x3a: {  	[spmem:s13] =	stream.linear.scatter [tilespmem:s19], [sflag:$0x3], $0x800, $0x38;
	[tilespmem:$0xAF00] =	vst v63  }
0x3b: {  	_ =	swait.ge [sflag:s17], $0x800  }
0x3c: {  	[sflag:s17] =	ssyncset.done $0x0  }
0x3d: {  	[sflag:s17] =	ssyncadd.s32 $0xFFFFF800  }
0x3e: {  	[spmem:s21], [sflag:s20] =	dma.local [hbm:s14], $0x4E2  }
0x3f: {  	_ =	swait.ge [sflag:s17], $0x4E2  }
0x40: {  	[sflag:s17] =	ssyncset.done $0x0  }
0x41: {  	[sflag:s17] =	ssyncadd.s32 $0xFFFFFB1E  }
0x42: {  	s18 =	simm.s32 $0x0;
	[bflag:$0x0] =	sbarrier.arrive $0xFFFF  }
0x43: {  	[tilespmem:s19], [sflag:$0x1] =	stream.indirect.gather [spmem:s3], $0x10, s18, s22, $0xb8;
	[tilespmem:$0xAF00] =	vst v63  }
0x44: {  	s0 =	simm.s32 $0x80  }
0x45: {  	[tilespmem:s23], [sflag:$0x2] =	stream.indirect.gather [spmem:s3], $0x10, s0, s22, $0xb8;
	[tilespmem:$0xAF00] =	vst v63  }
0x46: {  	_ =	swait.ge [sflag:s24], $0x800  }
0x47: {  	[sflag:s24] =	ssyncset.done $0x0  }
0x48: {  	s18 =	simm.s32 $0x2780;
	[sflag:s24] =	ssyncadd.s32 $0xFFFFF800  }
0x49: {  	[spmem:s2] =	stream.indirect.scatter.add.f32 [tilespmem:s19], [sflag:$0x3], $0x10, s18, s22, $0xb8;
	[tilespmem:$0xAF00] =	vst v63  }
0x4a: {  	_ =	swait.ge [sflag:s17], $0x800  }
0x4b: {  	[sflag:s17] =	ssyncset.done $0x0  }
0x4c: {  	s0 =	simm.s32 $0x100;
	[sflag:s17] =	ssyncadd.s32 $0xFFFFF800  }
0x4d: {  	[tilespmem:s19], [sflag:$0x1] =	stream.indirect.gather [spmem:s3], $0x10, s0, s22, $0xb8;
	[tilespmem:$0xAF00] =	vst v63  }
0x4e: {  	_ =	swait.ge [sflag:s25], $0x800  }
0x4f: {  	[sflag:s25] =	ssyncset.done $0x0  }
0x50: {  	s18 =	simm.s32 $0x2800;
	[sflag:s25] =	ssyncadd.s32 $0xFFFFF800  }
0x51: {  	[spmem:s2] =	stream.indirect.scatter.add.f32 [tilespmem:s23], [sflag:$0x3], $0x10, s18, s22, $0xb8;
	[tilespmem:$0xAF00] =	vst v63  }
0x52: {  	_ =	swait.ge [sflag:s17], $0x800  }
0x53: {  	s30 =	simm.s32 $0x100;
	[sflag:s17] =	ssyncset.done $0x0  }
0x54: {  	s31 =	simm.s32 $0x800;
	s1 =	simm.s32 $0x180;
	[sflag:s17] =	ssyncadd.s32 $0xFFFFF800  }
.LBB2_4:
0x55: {  	[tilespmem:s23], [sflag:$0x2] =	stream.indirect.gather [spmem:s3], $0x10, s1, s22, $0xb8;
	[tilespmem:$0xAF00] =	vst v63  }
0x56: {  	s1 =	smov.u32 s31  }
0x57: {  	s18 =	sadd.s32 $0x400, s31;
	s0 =	sshra.s32 s1, $0x2;
	s1 =	sadd.s32 $0x80, s30  }
0x58: {  	[tilespmem:s23], [sflag:$0x2] =	stream.indirect.gather [spmem:s3], $0x10, s1, s22, $0xb8;
	[tilespmem:$0xAF00] =	vst v63  }
0x59: {  	p1 =	sne.s32 s31, $0x9400;
	_ =	swait.ge [sflag:s24], $0x800  }
0x5a: {  	[sflag:s24] =	ssyncset.done $0x0  }
0x5b: {  	s1 =	sadd.s32 $0x2780, s30;
	[sflag:s24] =	ssyncadd.s32 $0xFFFFF800  }
0x5c: {  	[spmem:s2] =	stream.indirect.scatter.add.f32 [tilespmem:s19], [sflag:$0x3], $0x10, s1, s22, $0xb8;
	[tilespmem:$0xAF00] =	vst v63  }
0x5d: {  	_ =	swait.ge [sflag:s17], $0x800  }
0x5e: {  	[sflag:s17] =	ssyncset.done $0x0  }
0x5f: {  	s1 =	sadd.s32 $0x100, s30;
	[sflag:s17] =	ssyncadd.s32 $0xFFFFF800  }
0x60: {  	[tilespmem:s19], [sflag:$0x1] =	stream.indirect.gather [spmem:s3], $0x10, s1, s22, $0xb8;
	[tilespmem:$0xAF00] =	vst v63  }
0x61: {  	_ =	swait.ge [sflag:s25], $0x800  }
0x62: {  	[sflag:s25] =	ssyncset.done $0x0  }
.Ltmp1:
0x63: {  	s1 =	sadd.s32 $0x2800, s30;
	[sflag:s25] =	ssyncadd.s32 $0xFFFFF800;
	(pc) =	sbr.rel @p1 .LBB2_4-.Ltmp1, $4  }
0x64: {  	[spmem:s2] =	stream.indirect.scatter.add.f32 [tilespmem:s23], [sflag:$0x3], $0x10, s1, s22, $0xb8;
	[tilespmem:$0xAF00] =	vst v63  }
0x65: {  	_ =	swait.ge [sflag:s17], $0x800  }
0x66: {  	s31 =	smov.u32 s18;
	[sflag:s17] =	ssyncset.done $0x0  }
0x67: {  	s1 =	sadd.s32 $0x180, s30;
	s30 =	smov.u32 s0;
	[sflag:s17] =	ssyncadd.s32 $0xFFFFF800  }
0x68: {  	[tilespmem:s23], [sflag:$0x2] =	stream.indirect.gather [spmem:s3], $0x10, s1, s22, $0xb8;
	[tilespmem:$0xAF00] =	vst v63  }
0x69: {  	s0 =	sadd.s32 $0x80, s30  }
0x6a: {  	[tilespmem:s23], [sflag:$0x2] =	stream.indirect.gather [spmem:s3], $0x10, s0, s22, $0xb8;
	[tilespmem:$0xAF00] =	vst v63  }
0x6b: {  	_ =	swait.ge [sflag:s24], $0x800  }
0x6c: {  	[sflag:s24] =	ssyncset.done $0x0  }
0x6d: {  	s31 =	sadd.s32 $0x2780, s30;
	[sflag:s24] =	ssyncadd.s32 $0xFFFFF800  }
0x6e: {  	[spmem:s2] =	stream.indirect.scatter.add.f32 [tilespmem:s19], [sflag:$0x3], $0x10, s31, s22, $0xb8;
	[tilespmem:$0xAF00] =	vst v63  }
0x6f: {  	_ =	swait.ge [sflag:s17], $0x800  }
0x70: {  	[sflag:s17] =	ssyncset.done $0x0  }
0x71: {  	s1 =	sadd.s32 $0x100, s30;
	[sflag:s17] =	ssyncadd.s32 $0xFFFFF800  }
0x72: {  	[tilespmem:s19], [sflag:$0x1] =	stream.indirect.gather [spmem:s3], $0x10, s1, s22, $0xb8;
	[tilespmem:$0xAF00] =	vst v63  }
0x73: {  	_ =	swait.ge [sflag:s25], $0x800  }
0x74: {  	[sflag:s25] =	ssyncset.done $0x0  }
0x75: {  	s18 =	sadd.s32 $0x2800, s30;
	[sflag:s25] =	ssyncadd.s32 $0xFFFFF800  }
0x76: {  	[spmem:s2] =	stream.indirect.scatter.add.f32 [tilespmem:s23], [sflag:$0x3], $0x10, s18, s22, $0xb8;
	[tilespmem:$0xAF00] =	vst v63  }
0x77: {  	_ =	swait.ge [sflag:s17], $0x800  }
0x78: {  	[sflag:s17] =	ssyncset.done $0x0  }
0x79: {  	s30 =	sadd.s32 $0x180, s30;
	[sflag:s17] =	ssyncadd.s32 $0xFFFFF800  }
0x7a: {  	[tilespmem:s23], [sflag:$0x2] =	stream.indirect.gather [spmem:s3], $0x10, s30, s22, $0xb8;
	[tilespmem:$0xAF00] =	vst v63  }
0x7b: {  	_ = 	snop  }
0x7c: {  	[tilespmem:s23], [sflag:$0x2] =	stream.indirect.gather [spmem:s3], $0x10, s26, s22, $0xb8;
	[tilespmem:$0xAF00] =	vst v63  }
0x7d: {  	_ =	swait.ge [sflag:s24], $0x800  }
0x7e: {  	[sflag:s24] =	ssyncset.done $0x0  }
0x7f: {  	[sflag:s24] =	ssyncadd.s32 $0xFFFFF800  }
0x80: {  	[spmem:s2] =	stream.indirect.scatter.add.f32 [tilespmem:s19], [sflag:$0x3], $0x10, s28, s22, $0xb8;
	[tilespmem:$0xAF00] =	vst v63  }
0x81: {  	_ =	swait.ge [sflag:s17], $0x800  }
0x82: {  	[sflag:s17] =	ssyncset.done $0x0  }
0x83: {  	s0 =	simm.s32 @p0 $0x2;
	[sflag:s17] =	ssyncadd.s32 $0xFFFFF800  }
0x84: {  	_ =	swait.ge @p0 [sflag:s0], $0x800  }
0x85: {  	s1 =	simm.s32 @p0 $0x4E00;
	[sflag:s0] =	ssyncset.done @p0 $0x0  }
0x86: {  	s18 =	simm.s32 @p0 $0x5700;
	[sflag:s0] =	ssyncadd.s32 @p0 $0xFFFFF800;
	s0 =	simm.s32 @p0 $0x80  }
0x87: {  	[spmem:s2] =	stream.indirect.scatter.add.f32 @p0 [tilespmem:s18], [sflag:$0x3], $0x10, s1, s0, $0xb8;
	[tilespmem:$0xAF00] =	vst v63  }
0x88: {  	s0 =	simm.s32 @!p0 $0x80;
	s1 =	simm.s32 @!p0 $0x2700;
	s18 =	simm.s32 @!p0 $0x4F00  }
0x89: {  	[tilespmem:s18], [sflag:$0x1] =	stream.indirect.gather @!p0 [spmem:s3], $0x10, s1, s0, $0xb8;
	[tilespmem:$0xAF00] =	vst v63  }
0x8a: {  	s1 =	simm.s32 @!p0 $0x2  }
0x8b: {  	_ =	swait.ge @!p0 [sflag:s1], $0x800  }
0x8c: {  	[sflag:s1] =	ssyncset.done @!p0 $0x0  }
0x8d: {  	s30 =	simm.s32 @!p0 $0x5700;
	[sflag:s1] =	ssyncadd.s32 @!p0 $0xFFFFF800;
	s1 =	simm.s32 @!p0 $0x4E00  }
0x8e: {  	[spmem:s2] =	stream.indirect.scatter.add.f32 @!p0 [tilespmem:s30], [sflag:$0x3], $0x10, s1, s0, $0xb8;
	[tilespmem:$0xAF00] =	vst v63  }
0x8f: {  	s1 =	simm.s32 @!p0 $0x3  }
0x90: {  	_ =	swait.ge @!p0 [sflag:s1], $0x800  }
0x91: {  	[sflag:s1] =	ssyncset.done @!p0 $0x0  }
0x92: {  	[sflag:s1] =	ssyncadd.s32 @!p0 $0xFFFFF800;
	s1 =	simm.s32 @!p0 $0x1  }
0x93: {  	_ =	swait.ge @!p0 [sflag:s1], $0x800  }
0x94: {  	[sflag:s1] =	ssyncset.done @!p0 $0x0  }
0x95: {  	[sflag:s1] =	ssyncadd.s32 @!p0 $0xFFFFF800;
	s1 =	simm.s32 @!p0 $0x4E80  }
0x96: {  	[spmem:s2] =	stream.indirect.scatter.add.f32 @!p0 [tilespmem:s18], [sflag:$0x3], $0x10, s1, s0, $0xb8;
	[tilespmem:$0xAF00] =	vst v63  }
0x97: {  	_ =	swait.ge [sflag:s17], $0x800  }
0x98: {  	s29 =	sadd.s32 $0x1, s29;
	[sflag:s17] =	ssyncset.done $0x0  }
0x99: {  	p1 =	sne.s32 s29, s16;
	[sflag:s17] =	ssyncadd.s32 $0xFFFFF800  }
.Ltmp2:
0x9a: {  	s31 =	sshrl.u32 s9, $0x3;
	[bflag:$0x0] =	sbarrier.arrive $0xFFFF;
	(pc) =	sbr.rel @p1 .LBB2_1-.Ltmp2, $4  }
0x9b: {  	[hbm:s15], [sflag:s20] =	dma.local [spmem:s31], $0x500  }
0x9c: {  	_ =	swait.ge [sflag:s17], $0x500  }
0x9d: {  	[sflag:s17] =	ssyncset.done $0x0  }
0x9e: {  	[sflag:s17] =	ssyncadd.s32 $0xFFFFFB00  }
0x9f: {  	_ =	sfence.sel $0x180000  }
0xa0: {  	[bflag:$0x0] =	sbarrier.arrive $0xFFFF  }
0xa1: {  	_ =	strace $0x9000004A  }
0xa2: {  	s0 =	stileid.u32;
	[bflag:$0x2] =	sbarrier.arrive $0xFFFF  }
0xa3: {  	p0 =	sne.s32 s0, $0x0;
	s0 =	rddreg [dreg:$0x3]  }
0xa4: {  	s0 =	sadd.s32 @!p0 $0x100000, s0  }
0xa5: {  	[sflag:s0] =	ssyncadd.tile.s32 @!p0 $0x1;
	_ =	shalt  }
.Lfunc_end2:
_tile_overlayer_lowered:
.L_overlay_start_2:
0xa6: {  	(tag) =	ssettag $0x2  }
0xa7: {  	s0 =	rddreg [dreg:$0x0];
	s2 =	stileid.u32  }
0xa8: {  	s1 =	rddreg [dreg:$0x1];
	p0 =	sne.s32 s2, $0x0  }
0xa9: {  	s3 =	rddreg [dreg:$0x2];
	[bflag:$0x3] =	sbarrier.arrive $0xFFFF;
	s2 =	simm.s32 @!p0 $0x1C03  }
0xaa: {  	[timem:s3], [sflag:s2] =	dma.local @!p0 [hbm:s0], s1  }
0xab: {  	s0 =	simm.s32 @!p0 $0x3  }
0xac: {  	_ =	swait.ge @!p0 [sflag:s0], s1  }
0xad: {  	s1 =	ssub.s32 @!p0 $0x0, s1;
	[sflag:s0] =	ssyncset.done @!p0 $0x0  }
0xae: {  	[sflag:s0] =	ssyncadd.s32 @!p0 s1  }
0xaf: {  	[bflag:$0x3] =	sbarrier.arrive $0xFFFF  }
0xb0: {  	_ =	shalt  }

// kernel: kernel.7.cloned.1.call-start
scs
__scs_entry_jumppad:
0x0: {  	(pc) =	sbr.rel $0x88, $3  }
0x1: {  	(tag) =	ssettag $0x0;
	lr =	simm.s32 $0x1  }
0x2: {  	[smem:$0x3F90] =	sst lr;
	_ =	strace $0xD0000000  }
0x3: {  	_ = 	snop  }
0x4: {  	_ = 	snop  }
0x5: {  	_ = 	snop  }
0x6: {  	_ = 	snop  }
0x7: {  	_ = 	snop  }
__scs_overlays_trampoline_lowered:
0x8: {  	[smem:$0x3F9F] =	sst s0  }
0x9: {  	[smem:$0x3FA0] =	sst s1  }
0xa: {  	[smem:$0x3FA1] =	sst s2  }
0xb: {  	[smem:$0x3FA2] =	sst s3  }
0xc: {  	[smem:$0x3FA3] =	sst s4  }
0xd: {  	[smem:$0x3FA4] =	sst s5  }
0xe: {  	[smem:$0x3FA5] =	sst s6  }
0xf: {  	[smem:$0x3FA6] =	sst s7  }
0x10: {  	[smem:$0x3FA7] =	sst s8  }
0x11: {  	[smem:$0x3FA8] =	sst s9;
	s0 =	simm.s32 @!p0 $0x0  }
0x12: {  	s1 =	sld [smem:$0x3F8E];
	s0 =	simm.s32 @p0 $0x1  }
0x13: {  	[smem:$0x3FA9] =	sst s0;
	s0 =	simm.s32 @!p1 $0x0  }
0x14: {  	s2 =	sld [smem:$0x3F8D];
	s0 =	simm.s32 @p1 $0x1  }
0x15: {  	[smem:$0x3FAA] =	sst s0;
	s0 =	simm.s32 @!p2 $0x0  }
0x16: {  	s3 =	sld [smem:$0x3FDB];
	s0 =	simm.s32 @p2 $0x1  }
0x17: {  	s4 =	simm.s32 $0x1BF5;
	[smem:$0x3FAC] =	sst s0  }
0x18: {  	s0 =	sld [smem:$0x3F8F];
	_ =	swait.ge [sflag:s4], $0x0  }
0x19: {  	s7 =	sld [smem:$0x3F90]  }
0x1a: {  	s8 =	sadd.s32 $0xFFFFE003, lr  }
0x1b: {  	s9 =	sadd.s32 $0xFFFFFEF7, lr;
	s5 =	simm.s32 $0xFFFFFFFF;
	p2 =	slt.u32 s8, $0xFFFFF086  }
0x1c: {  	p1 =	slt.u32 s9, $0xF7A;
	s5 =	simm.s32 @!p2 $0x0  }
0x1d: {  	s5 =	simm.s32 @p1 $0x1;
	p0 =	seq.s32 s7, s2  }
0x1e: {  	s7 =	smul.u32 @!p0 $0xF7A, s2;
	p2 =	seq.s32 @!p0 s5, $0x0  }
0x1f: {  	s9 =	smul.u32 $0xF7A, s1;
	s8 =	simm.s32 @!p0 $0x1BF5;
	p2 =	por !p2, p0  }
0x20: {  	[sflag:s8] =	ssyncset.s32 @!p0 $0xFFFFF086;
	s6 =	sadd.s32 @!p0 s3, s7;
	s7 =	simm.s32 @!p0 $0x108  }
0x21: {  	s3 =	sadd.s32 s3, s9;
	s6 =	sadd.s32 @!p0 $0x88, s6;
	s7 =	simm.s32 @p2 $0x1082  }
0x22: {  	[simem:s7], [sflag:s8] =	dma.local @!p0 [hbm:s6], $0xF7A  }
0x23: {  	s9 =	sor.u32 $0xD0000000, s2;
	s6 =	simm.s32 $0x108;
	_ =	swait.ge @!p0 [sflag:s8], $0x0  }
0x24: {  	s3 =	sadd.s32 $0x88, s3;
	s6 =	simm.s32 @!p1 $0x1082;
	[sflag:s4] =	ssyncset.s32 $0xFFFFF086  }
0x25: {  	[simem:s6], [sflag:s4] =	dma.local [hbm:s3], $0xF7A  }
0x26: {  	[smem:$0x3F90] =	sst s1;
	(tag) =	ssettag s2;
	_ =	strace s9  }
0x27: {  	s1 =	sld [smem:$0x3FA0]  }
0x28: {  	s2 =	sld [smem:$0x3FA1]  }
0x29: {  	s4 =	sld [smem:$0x3FA3]  }
0x2a: {  	p0 =	seq.s32 s5, $0x0;
	s5 =	sld [smem:$0x3FA4]  }
0x2b: {  	s6 =	sld [smem:$0x3FA5]  }
0x2c: {  	s7 =	sld [smem:$0x3FA6]  }
0x2d: {  	s3 =	simm.s32 $0x108;
	s8 =	sld [smem:$0x3FA7]  }
0x2e: {  	s3 =	simm.s32 @!p0 $0x1082;
	s9 =	sld [smem:$0x3FA8]  }
0x2f: {  	lr =	sadd.s32 s0, s3;
	s0 =	sld [smem:$0x3F9F]  }
0x30: {  	s3 =	sld [smem:$0x3FA2]  }
0x31: {  	[smem:$0x3FAB] =	sst s10  }
0x32: {  	s10 =	sld [smem:$0x3FA9];
	_ =	sdelay $0x3  }
0x33: {  	p0 =	seq.s32 s10, $0x1;
	s10 =	sld [smem:$0x3FAB];
	_ =	sdelay $0x3  }
0x34: {  	[smem:$0x3FAB] =	sst s10  }
0x35: {  	s10 =	sld [smem:$0x3FAA];
	_ =	sdelay $0x3  }
0x36: {  	p1 =	seq.s32 s10, $0x1;
	s10 =	sld [smem:$0x3FAB];
	_ =	sdelay $0x3  }
0x37: {  	[smem:$0x3FAB] =	sst s10  }
0x38: {  	s10 =	sld [smem:$0x3FAC]  }
0x39: {  	_ = 	snop;
	(pc) =	sbr.ind lr, $3  }
0x3a: {  	_ = 	snop  }
0x3b: {  	_ = 	snop  }
0x3c: {  	p2 =	seq.s32 s10, $0x1;
	s10 =	sld [smem:$0x3FAB]  }
0x3d: {  	_ =	shalt  }
0x3e: {  	_ =	shalt  }
0x3f: {  	_ =	shalt  }
0x40: {  	_ =	shalt  }
0x41: {  	_ =	shalt  }
0x42: {  	_ =	shalt  }
0x43: {  	_ =	shalt  }
0x44: {  	_ =	shalt  }
0x45: {  	_ =	shalt  }
0x46: {  	_ =	shalt  }
0x47: {  	_ =	shalt  }
0x48: {  	_ =	shalt  }
0x49: {  	_ =	shalt  }
0x4a: {  	_ =	shalt  }
0x4b: {  	_ =	shalt  }
0x4c: {  	_ =	shalt  }
0x4d: {  	_ =	shalt  }
0x4e: {  	_ =	shalt  }
0x4f: {  	_ =	shalt  }
0x50: {  	_ =	shalt  }
0x51: {  	_ =	shalt  }
0x52: {  	_ =	shalt  }
0x53: {  	_ =	shalt  }
0x54: {  	_ =	shalt  }
0x55: {  	_ =	shalt  }
0x56: {  	_ =	shalt  }
0x57: {  	_ =	shalt  }
0x58: {  	_ =	shalt  }
0x59: {  	_ =	shalt  }
0x5a: {  	_ =	shalt  }
0x5b: {  	_ =	shalt  }
0x5c: {  	_ =	shalt  }
0x5d: {  	_ =	shalt  }
0x5e: {  	_ =	shalt  }
0x5f: {  	_ =	shalt  }
0x60: {  	_ =	shalt  }
0x61: {  	_ =	shalt  }
0x62: {  	_ =	shalt  }
0x63: {  	_ =	shalt  }
0x64: {  	_ =	shalt  }
0x65: {  	_ =	shalt  }
0x66: {  	_ =	shalt  }
0x67: {  	_ =	shalt  }
0x68: {  	_ =	shalt  }
0x69: {  	_ =	shalt  }
0x6a: {  	_ =	shalt  }
0x6b: {  	_ =	shalt  }
0x6c: {  	_ =	shalt  }
0x6d: {  	_ =	shalt  }
0x6e: {  	_ =	shalt  }
0x6f: {  	_ =	shalt  }
0x70: {  	_ =	shalt  }
0x71: {  	_ =	shalt  }
0x72: {  	_ =	shalt  }
0x73: {  	_ =	shalt  }
0x74: {  	_ =	shalt  }
0x75: {  	_ =	shalt  }
0x76: {  	_ =	shalt  }
0x77: {  	_ =	shalt  }
0x78: {  	_ =	shalt  }
0x79: {  	_ =	shalt  }
0x7a: {  	_ =	shalt  }
0x7b: {  	_ =	shalt  }
0x7c: {  	_ =	shalt  }
0x7d: {  	_ =	shalt  }
0x7e: {  	_ =	shalt  }
0x7f: {  	_ =	shalt  }
0x80: {  	_ =	shalt  }
0x81: {  	_ =	shalt  }
0x82: {  	_ =	shalt  }
0x83: {  	_ =	shalt  }
0x84: {  	_ =	shalt  }
0x85: {  	_ =	shalt  }
0x86: {  	_ =	shalt  }
0x87: {  	_ =	shalt  }
.Lfunc_end0:
.L_simem_size_0:
called_computation_lowered:
.L_overlay_start_0:
0x88: {  	s2 =	sld [smem:$0x3FD9]  }
0x89: {  	s3 =	sld [smem:$0x3FFE];
	_ =	sdelay $0x1  }
0x8a: {  	s1 =	srdreg.scid  }
0x8b: {  	s0 =	sand.u32 $0x1, s1  }
0x8c: {  	s16 =	sshll.u32 s0, $0xA;
	s2 =	sadd.s32 s3, s2  }
0x8d: {  	s2 =	sadd.s32 s2, s16  }
0x8e: {  	[smem:$0x3FB7] =	sst s2  }
0x8f: {  	_ = 	snop  }
0x90: {  	(tm) =	ssettm $0x1  }
0x91: {  	s17 =	sld [smem:$0x3FFB];
	_ =	sdelay $0x3  }
0x92: {  	_ =	strace s17  }
0x93: {  	s2 =	sld [smem:$0x3FFC];
	_ =	sdelay $0x3  }
0x94: {  	_ =	strace s2  }
0x95: {  	s2 =	sld [smem:$0x3FFD];
	_ =	sdelay $0x3  }
0x96: {  	_ =	strace s2  }
0x97: {  	_ =	strace $0x8FFFFFFF  }
0x98: {  	s18 =	sld [smem:$0x3FDB];
	_ =	sdelay $0x1  }
0x99: {  	s19 =	simm.s32 $_scs_section_size  }
0x9a: {  	s4 =	simm.s32 $_size__tile_overlayer_lowered;
	s5 =	simm.s32 $_tile_overlayer_lowered  }
0x9b: {  	s22 =	simm.s32 $0x1BFF;
	s21 =	sshll.u32 s5, $0x1;
	s2 =	sadd.s32 s19, s18  }
0x9c: {  	s6 =	simm.s32 $0x0;
	s20 =	sshll.u32 s4, $0x1;
	s4 =	sadd.s32 s21, s2  }
0x9d: {  	[timem:s6], [sflag:s22] =	dma.local [hbm:s4], s20  }
0x9e: {  	_ =	swait.ge [sflag:s22], s20  }
0x9f: {  	s3 =	ssub.s32 $0x0, s20;
	[sflag:s22] =	ssyncset.done $0x0  }
0xa0: {  	[sflag:s22] =	ssyncadd.s32 s3;
	_ =	sdelay $0x1  }
0xa1: {  	s23 =	simm.s32 $0x1B8B  }
0xa2: {  	_ =	swait.ge [sflag:s23], $0x1  }
0xa3: {  	[sflag:s23] =	ssyncset.done $0x0  }
0xa4: {  	s25 =	simm.s32 $0x1B8E;
	s24 =	sld [smem:$0x3FFE];
	[sflag:s23] =	ssyncadd.s32 $0xFFFFFFFF  }
0xa5: {  	s26 =	simm.s32 $execute0_lowered;
	[smem:$0x3FD2] =	sst s25  }
0xa6: {  	s4 =	sshll.u32 s26, $0x1;
	_ =	strace $0x80000046;
	[dreg:$0x1] =	wrdreg $0xFFFFFFFF  }
0xa7: {  	s28 =	simm.s32 $_size_execute0_lowered;
	s2 =	sadd.s32 s2, s4;
	[dreg:$0x0] =	wrdreg $0x0  }
0xa8: {  	s4 =	sshll.u32 s28, $0x1;
	[dreg:$0x2] =	wrdreg s2  }
0xa9: {  	[dreg:$0x3] =	wrdreg s4  }
0xaa: {  	[dreg:$0x4] =	wrdreg $0xC0  }
0xab: {  	_ =	task [dreg:s6], $0x5FFFF  }
0xac: {  	[dreg:$0x1] =	wrdreg $0xFFFFFFFF  }
0xad: {  	[dreg:$0x0] =	wrdreg $0x60  }
0xae: {  	[dreg:$0x2] =	wrdreg s24  }
0xaf: {  	[dreg:$0x3] =	wrdreg $0x12F000  }
0xb0: {  	[dreg:$0x4] =	wrdreg $0x8F000  }
0xb1: {  	[dreg:$0x5] =	wrdreg $0x9  }
0xb2: {  	_ =	task.clear_ibuf [dreg:s6], $0x6FFFF;
	_ =	strace $0x90000046  }
0xb3: {  	s29 =	simm.s32 $0x9;
	_ =	strace $0x80000048  }
0xb4: {  	_ =	swait.ge [sflag:s29], $0x1  }
0xb5: {  	[sflag:s29] =	ssyncadd.s32 $0xFFFFFFFF  }
0xb6: {  	_ =	strace $0x90000048  }
0xb7: {  	_ =	sfence  }
0xb8: {  	s30 =	sld [smem:$0x0];
	_ =	sdelay $0x2  }
0xb9: {  	s31 =	sshll.u32 s1, $0xD;
	s1 =	sshrl.u32 s1, $0x2  }
0xba: {  	s3 =	sand.u32 $0x4000, s31;
	s1 =	sadd.s32 s1, s30  }
0xbb: {  	s0 =	sor.u32 s3, s0;
	s1 =	sshll.u32 s1, $0x11  }
0xbc: {  	s0 =	sor.u32 s1, s0  }
0xbd: {  	s0 =	sadd.s32 $0x8F2B, s0  }
0xbe: {  	[sflag:s0] =	ssyncadd.remote.s32 $0x1  }
0xbf: {  	_ =	sfence.sel $0xFFFF  }
0xc0: {  	[dreg:$0x0] =	wrdreg $0xFFFFFFFF;
	(pc) =	sbr.abs _section_cstart, $3  }
0xc1: {  	[dreg:$0x1] =	wrdreg $0xFFFFFFFF  }
0xc2: {  	_ =	task.clear_ibuf [dreg:s6], $0x2FFFF;
	_ =	strace $0x9FFFFFFF  }
0xc3: {  	(tm) =	ssettm $0x7FFFFFFF  }
tec
execute0_lowered:
.L_overlay_start_1:
0x0: {  	(tag) =	ssettag $0x1  }
0x1: {  	s0 =	srdreg.scid;
	s5 =	rddreg [dreg:$0x0]  }
0x2: {  	s24 =	stileid.u32;
	s2 =	rddreg [dreg:$0x1];
	s4 =	simm.s32 $0x0  }
0x3: {  	s19 =	simm.s32 $0x4F00;
	s21 =	simm.s32 $0x80;
	s12 =	smul.u32 $0x13880, s24  }
0x4: {  	s22 =	simm.s32 $0x6F00;
	s23 =	simm.s32 $0x1;
	s8 =	smul.u32 $0x14000, s24  }
0x5: {  	s28 =	simm.s32 $0x0;
	s1 =	sand.u32 $0x1, s0;
	s31 =	smul.u32 $0x28000, s24  }
0x6: {  	[smem:$0x7FF] =	sst s4;
	s3 =	sshll.u32 s1, $0x4;
	s9 =	smul.u32 $0x140000, s1  }
0x7: {  	s1 =	ssub.s32 $0x2, s1;
	s17 =	sor.u32 s24, s3;
	s3 =	rddreg [dreg:$0x2]  }
0x8: {  	_ =	strace $0x80000047;
	s10 =	sshrl.u32 s12, $0x4;
	s30 =	sshrl.u32 s1, $0x1  }
0x9: {  	s11 =	sshrl.u32 s8, $0x1;
	s16 =	sshrl.u32 s12, $0x1;
	s24 =	simm.s32 $0x2  }
0xa: {  	s6 =	smul.u32 $0x4E, s17;
	s7 =	smin.u32 s17, $0x4;
	s14 =	sadd.s32 s10, s5  }
0xb: {  	s25 =	sadd.s32 s8, s9;
	s1 =	ssub.s32 s1, s30;
	s10 =	sshrl.u32 s31, $0x2  }
0xc: {  	s9 =	sadd.s32 s11, s2;
	s20 =	sadd.s32 s16, s3;
	p0 =	sgt.u32 s17, $0x3  }
0xd: {  	s17 =	simm.s32 $0x3;
	s29 =	sshrl.u32 s25, $0x4;
	s13 =	sadd.s32 s10, s2  }
0xe: {  	s14 =	sadd.s32 $0x2C00, s14;
	s16 =	smax.u32 s1, $0x1;
	s20 =	sshrl.u32 s20, $0x3  }
0xf: {  	s25 =	simm.s32 $0x2680;
	s6 =	sadd.s32 s7, s6;
	s15 =	sadd.s32 s29, s5  }
0x10: {  	s10 =	sadd.s32 $0x2000, s13;
	s11 =	sadd.s32 $0x4000, s13;
	s6 =	sshll.u32 s6, $0x4  }
0x11: {  	s12 =	sadd.s32 $0x6000, s13;
	s13 =	sadd.s32 $0x8000, s13;
	s26 =	sadd.s32 s6, s5  }
0x12: {  	s15 =	sadd.s32 $0x2A000, s15;
	s5 =	sadd.s32 $0x16600, s26;
	s6 =	sadd.s32 $0x20240, s26  }
0x13: {  	v0 =	vimm.bf16 $0.0e+00;
	s7 =	sadd.s32 $0x16AE0, s26;
	s8 =	sadd.s32 $0x20720, s26;
	s26 =	simm.s32 $0x4D80  }
.LBB2_1:
0x14: {  	[tilespmem:s4], [sflag:$0x3] =	stream.linear.gather [hbm4b:s5+s4], $0x2700, $0x38;
	[tilespmem:$0x1CF00] =	vst v63  }
0x15: {  	_ =	swait.ge [sflag:s17], $0x2700  }
0x16: {  	[sflag:s17] =	ssyncset.done $0x0  }
0x17: {  	s0 =	simm.s32 $0x2780;
	[sflag:s17] =	ssyncadd.s32 $0xFFFFD900  }
0x18: {  	[tilespmem:s0], [sflag:$0x3] =	stream.linear.gather [hbm4b:s6+s4], $0x2700, $0x38;
	[tilespmem:$0x1CF00] =	vst v63  }
0x19: {  	_ =	swait.ge [sflag:s17], $0x2700  }
0x1a: {  	[sflag:s17] =	ssyncset.done $0x0  }
0x1b: {  	s1 =	simm.s32 @!p0 $0x0;
	s29 =	simm.s32 @!p0 $0x2700;
	[sflag:s17] =	ssyncadd.s32 $0xFFFFD900  }
0x1c: {  	[tilespmem:s29], [sflag:$0x3] =	stream.linear.gather @!p0 [hbm4b:s7+s1], $0x80, $0x38;
	[tilespmem:$0x1CF00] =	vst v63  }
0x1d: {  	s29 =	simm.s32 @!p0 $0x3  }
0x1e: {  	_ =	swait.ge @!p0 [sflag:s29], $0x80  }
0x1f: {  	[sflag:s29] =	ssyncset.done @!p0 $0x0  }
0x20: {  	s30 =	simm.s32 @!p0 $0x4E80;
	[sflag:s29] =	ssyncadd.s32 @!p0 $0xFFFFFF80  }
0x21: {  	[tilespmem:s30], [sflag:$0x3] =	stream.linear.gather @!p0 [hbm4b:s8+s1], $0x80, $0x38;
	[tilespmem:$0x1CF00] =	vst v63  }
0x22: {  	_ =	swait.ge @!p0 [sflag:s29], $0x80  }
0x23: {  	[sflag:s29] =	ssyncset.done @!p0 $0x0  }
0x24: {  	s30 =	simm.s32 $0x100;
	[sflag:s29] =	ssyncadd.s32 @!p0 $0xFFFFFF80;
	s29 =	simm.s32 $0x0  }
.LBB2_2:
0x25: {  	p1 =	sne.s32 s30, $0x7F00;
	[tilespmem:s29+$0x4F30] =	vst v0;
	s1 =	smov.u32 s30;
	s30 =	sadd.s32 $0x100, s30  }
.Ltmp0:
0x26: {  	[tilespmem:s29+$0x4F20] =	vst v0;
	(pc) =	sbr.rel @p1 .LBB2_2-.Ltmp0, $3  }
0x27: {  	[tilespmem:s29+$0x4F00] =	vst v0  }
0x28: {  	[tilespmem:s29+$0x4F10] =	vst v0;
	_ =	sdelay $0x1  }
0x29: {  	s29 =	sshra.s32 s1, $0x2  }
0x2a: {  	[tilespmem:s29+$0x4F30] =	vst v0  }
0x2b: {  	[tilespmem:s29+$0x4F20] =	vst v0  }
0x2c: {  	[tilespmem:s29+$0x4F00] =	vst v0  }
0x2d: {  	[tilespmem:s29+$0x4F10] =	vst v0  }
0x2e: {  	[spmem:s9] =	stream.linear.scatter [tilespmem:s19], [sflag:$0x3], $0x2000, $0x38;
	[tilespmem:$0x1CF00] =	vst v63  }
0x2f: {  	_ =	swait.ge [sflag:s17], $0x2000  }
0x30: {  	[sflag:s17] =	ssyncset.done $0x0  }
0x31: {  	[sflag:s17] =	ssyncadd.s32 $0xFFFFE000  }
0x32: {  	[spmem:s10] =	stream.linear.scatter [tilespmem:s19], [sflag:$0x3], $0x2000, $0x38;
	[tilespmem:$0x1CF00] =	vst v63  }
0x33: {  	_ =	swait.ge [sflag:s17], $0x2000  }
0x34: {  	[sflag:s17] =	ssyncset.done $0x0  }
0x35: {  	[sflag:s17] =	ssyncadd.s32 $0xFFFFE000  }
0x36: {  	[spmem:s11] =	stream.linear.scatter [tilespmem:s19], [sflag:$0x3], $0x2000, $0x38;
	[tilespmem:$0x1CF00] =	vst v63  }
0x37: {  	_ =	swait.ge [sflag:s17], $0x2000  }
0x38: {  	[sflag:s17] =	ssyncset.done $0x0  }
0x39: {  	[sflag:s17] =	ssyncadd.s32 $0xFFFFE000  }
0x3a: {  	[spmem:s12] =	stream.linear.scatter [tilespmem:s19], [sflag:$0x3], $0x2000, $0x38;
	[tilespmem:$0x1CF00] =	vst v63  }
0x3b: {  	_ =	swait.ge [sflag:s17], $0x2000  }
0x3c: {  	[sflag:s17] =	ssyncset.done $0x0  }
0x3d: {  	[sflag:s17] =	ssyncadd.s32 $0xFFFFE000  }
0x3e: {  	[spmem:s13] =	stream.linear.scatter [tilespmem:s19], [sflag:$0x3], $0x2000, $0x38;
	[tilespmem:$0x1CF00] =	vst v63  }
0x3f: {  	s0 =	stileid.u32;
	_ =	swait.ge [sflag:s17], $0x2000  }
0x40: {  	s1 =	sshll.u32 s0, $0x6;
	[sflag:s17] =	ssyncset.done $0x0  }
0x41: {  	s29 =	sor.u32 $0x1C03, s1;
	[sflag:s17] =	ssyncadd.s32 $0xFFFFE000  }
0x42: {  	[spmem:s20], [sflag:s29] =	dma.local [hbm:s14], $0x1388  }
0x43: {  	_ =	swait.ge [sflag:s17], $0x1388  }
0x44: {  	[sflag:s17] =	ssyncset.done $0x0  }
0x45: {  	[sflag:s17] =	ssyncadd.s32 $0xFFFFEC78  }
0x46: {  	s18 =	simm.s32 $0x0;
	[bflag:$0x0] =	sbarrier.arrive $0xFFFF  }
0x47: {  	[tilespmem:s19], [sflag:$0x1] =	stream.indirect.gather [spmem:s3], $0x40, s18, s21, $0xb8;
	[tilespmem:$0x1CF00] =	vst v63  }
0x48: {  	s0 =	simm.s32 $0x80  }
0x49: {  	[tilespmem:s22], [sflag:$0x2] =	stream.indirect.gather [spmem:s3], $0x40, s0, s21, $0xb8;
	[tilespmem:$0x1CF00] =	vst v63  }
0x4a: {  	_ =	swait.ge [sflag:s23], $0x2000  }
0x4b: {  	[sflag:s23] =	ssyncset.done $0x0  }
0x4c: {  	s18 =	simm.s32 $0x2780;
	[sflag:s23] =	ssyncadd.s32 $0xFFFFE000  }
0x4d: {  	[spmem:s2] =	stream.indirect.scatter.add.bf16 [tilespmem:s19], [sflag:$0x3], $0x40, s18, s21, $0xb8;
	[tilespmem:$0x1CF00] =	vst v63  }
0x4e: {  	_ =	swait.ge [sflag:s17], $0x2000  }
0x4f: {  	[sflag:s17] =	ssyncset.done $0x0  }
0x50: {  	s0 =	simm.s32 $0x100;
	[sflag:s17] =	ssyncadd.s32 $0xFFFFE000  }
0x51: {  	[tilespmem:s19], [sflag:$0x1] =	stream.indirect.gather [spmem:s3], $0x40, s0, s21, $0xb8;
	[tilespmem:$0x1CF00] =	vst v63  }
0x52: {  	_ =	swait.ge [sflag:s24], $0x2000  }
0x53: {  	[sflag:s24] =	ssyncset.done $0x0  }
0x54: {  	s18 =	simm.s32 $0x2800;
	[sflag:s24] =	ssyncadd.s32 $0xFFFFE000  }
0x55: {  	[spmem:s2] =	stream.indirect.scatter.add.bf16 [tilespmem:s22], [sflag:$0x3], $0x40, s18, s21, $0xb8;
	[tilespmem:$0x1CF00] =	vst v63  }
0x56: {  	_ =	swait.ge [sflag:s17], $0x2000  }
0x57: {  	s30 =	simm.s32 $0x100;
	[sflag:s17] =	ssyncset.done $0x0  }
0x58: {  	s31 =	simm.s32 $0x800;
	s1 =	simm.s32 $0x180;
	[sflag:s17] =	ssyncadd.s32 $0xFFFFE000  }
.LBB2_4:
0x59: {  	[tilespmem:s22], [sflag:$0x2] =	stream.indirect.gather [spmem:s3], $0x40, s1, s21, $0xb8;
	[tilespmem:$0x1CF00] =	vst v63  }
0x5a: {  	s1 =	smov.u32 s31  }
0x5b: {  	s18 =	sadd.s32 $0x400, s31;
	s0 =	sshra.s32 s1, $0x2;
	s1 =	sadd.s32 $0x80, s30  }
0x5c: {  	[tilespmem:s22], [sflag:$0x2] =	stream.indirect.gather [spmem:s3], $0x40, s1, s21, $0xb8;
	[tilespmem:$0x1CF00] =	vst v63  }
0x5d: {  	p1 =	sne.s32 s31, $0x9400;
	_ =	swait.ge [sflag:s23], $0x2000  }
0x5e: {  	[sflag:s23] =	ssyncset.done $0x0  }
0x5f: {  	s1 =	sadd.s32 $0x2780, s30;
	[sflag:s23] =	ssyncadd.s32 $0xFFFFE000  }
0x60: {  	[spmem:s2] =	stream.indirect.scatter.add.bf16 [tilespmem:s19], [sflag:$0x3], $0x40, s1, s21, $0xb8;
	[tilespmem:$0x1CF00] =	vst v63  }
0x61: {  	_ =	swait.ge [sflag:s17], $0x2000  }
0x62: {  	[sflag:s17] =	ssyncset.done $0x0  }
0x63: {  	s1 =	sadd.s32 $0x100, s30;
	[sflag:s17] =	ssyncadd.s32 $0xFFFFE000  }
0x64: {  	[tilespmem:s19], [sflag:$0x1] =	stream.indirect.gather [spmem:s3], $0x40, s1, s21, $0xb8;
	[tilespmem:$0x1CF00] =	vst v63  }
0x65: {  	_ =	swait.ge [sflag:s24], $0x2000  }
0x66: {  	[sflag:s24] =	ssyncset.done $0x0  }
.Ltmp1:
0x67: {  	s1 =	sadd.s32 $0x2800, s30;
	[sflag:s24] =	ssyncadd.s32 $0xFFFFE000;
	(pc) =	sbr.rel @p1 .LBB2_4-.Ltmp1, $4  }
0x68: {  	[spmem:s2] =	stream.indirect.scatter.add.bf16 [tilespmem:s22], [sflag:$0x3], $0x40, s1, s21, $0xb8;
	[tilespmem:$0x1CF00] =	vst v63  }
0x69: {  	_ =	swait.ge [sflag:s17], $0x2000  }
0x6a: {  	s31 =	smov.u32 s18;
	[sflag:s17] =	ssyncset.done $0x0  }
0x6b: {  	s1 =	sadd.s32 $0x180, s30;
	s30 =	smov.u32 s0;
	[sflag:s17] =	ssyncadd.s32 $0xFFFFE000  }
0x6c: {  	[tilespmem:s22], [sflag:$0x2] =	stream.indirect.gather [spmem:s3], $0x40, s1, s21, $0xb8;
	[tilespmem:$0x1CF00] =	vst v63  }
0x6d: {  	s0 =	sadd.s32 $0x80, s30  }
0x6e: {  	[tilespmem:s22], [sflag:$0x2] =	stream.indirect.gather [spmem:s3], $0x40, s0, s21, $0xb8;
	[tilespmem:$0x1CF00] =	vst v63  }
0x6f: {  	_ =	swait.ge [sflag:s23], $0x2000  }
0x70: {  	[sflag:s23] =	ssyncset.done $0x0  }
0x71: {  	s31 =	sadd.s32 $0x2780, s30;
	[sflag:s23] =	ssyncadd.s32 $0xFFFFE000  }
0x72: {  	[spmem:s2] =	stream.indirect.scatter.add.bf16 [tilespmem:s19], [sflag:$0x3], $0x40, s31, s21, $0xb8;
	[tilespmem:$0x1CF00] =	vst v63  }
0x73: {  	_ =	swait.ge [sflag:s17], $0x2000  }
0x74: {  	[sflag:s17] =	ssyncset.done $0x0  }
0x75: {  	s1 =	sadd.s32 $0x100, s30;
	[sflag:s17] =	ssyncadd.s32 $0xFFFFE000  }
0x76: {  	[tilespmem:s19], [sflag:$0x1] =	stream.indirect.gather [spmem:s3], $0x40, s1, s21, $0xb8;
	[tilespmem:$0x1CF00] =	vst v63  }
0x77: {  	_ =	swait.ge [sflag:s24], $0x2000  }
0x78: {  	[sflag:s24] =	ssyncset.done $0x0  }
0x79: {  	s18 =	sadd.s32 $0x2800, s30;
	[sflag:s24] =	ssyncadd.s32 $0xFFFFE000  }
0x7a: {  	[spmem:s2] =	stream.indirect.scatter.add.bf16 [tilespmem:s22], [sflag:$0x3], $0x40, s18, s21, $0xb8;
	[tilespmem:$0x1CF00] =	vst v63  }
0x7b: {  	_ =	swait.ge [sflag:s17], $0x2000  }
0x7c: {  	[sflag:s17] =	ssyncset.done $0x0  }
0x7d: {  	s30 =	sadd.s32 $0x180, s30;
	[sflag:s17] =	ssyncadd.s32 $0xFFFFE000  }
0x7e: {  	[tilespmem:s22], [sflag:$0x2] =	stream.indirect.gather [spmem:s3], $0x40, s30, s21, $0xb8;
	[tilespmem:$0x1CF00] =	vst v63  }
0x7f: {  	_ = 	snop  }
0x80: {  	[tilespmem:s22], [sflag:$0x2] =	stream.indirect.gather [spmem:s3], $0x40, s25, s21, $0xb8;
	[tilespmem:$0x1CF00] =	vst v63  }
0x81: {  	_ =	swait.ge [sflag:s23], $0x2000  }
0x82: {  	[sflag:s23] =	ssyncset.done $0x0  }
0x83: {  	[sflag:s23] =	ssyncadd.s32 $0xFFFFE000  }
0x84: {  	[spmem:s2] =	stream.indirect.scatter.add.bf16 [tilespmem:s19], [sflag:$0x3], $0x40, s26, s21, $0xb8;
	[tilespmem:$0x1CF00] =	vst v63  }
0x85: {  	_ =	swait.ge [sflag:s17], $0x2000  }
0x86: {  	[sflag:s17] =	ssyncset.done $0x0  }
0x87: {  	s0 =	simm.s32 @p0 $0x2;
	[sflag:s17] =	ssyncadd.s32 $0xFFFFE000  }
0x88: {  	_ =	swait.ge @p0 [sflag:s0], $0x2000  }
0x89: {  	s1 =	simm.s32 @p0 $0x4E00;
	[sflag:s0] =	ssyncset.done @p0 $0x0  }
0x8a: {  	s18 =	simm.s32 @p0 $0x6F00;
	[sflag:s0] =	ssyncadd.s32 @p0 $0xFFFFE000;
	s0 =	simm.s32 @p0 $0x80  }
0x8b: {  	[spmem:s2] =	stream.indirect.scatter.add.bf16 @p0 [tilespmem:s18], [sflag:$0x3], $0x40, s1, s0, $0xb8;
	[tilespmem:$0x1CF00] =	vst v63  }
0x8c: {  	s0 =	simm.s32 @!p0 $0x80;
	s1 =	simm.s32 @!p0 $0x2700;
	s18 =	simm.s32 @!p0 $0x4F00  }
0x8d: {  	[tilespmem:s18], [sflag:$0x1] =	stream.indirect.gather @!p0 [spmem:s3], $0x40, s1, s0, $0xb8;
	[tilespmem:$0x1CF00] =	vst v63  }
0x8e: {  	s1 =	simm.s32 @!p0 $0x2  }
0x8f: {  	_ =	swait.ge @!p0 [sflag:s1], $0x2000  }
0x90: {  	[sflag:s1] =	ssyncset.done @!p0 $0x0  }
0x91: {  	s30 =	simm.s32 @!p0 $0x6F00;
	[sflag:s1] =	ssyncadd.s32 @!p0 $0xFFFFE000;
	s1 =	simm.s32 @!p0 $0x4E00  }
0x92: {  	[spmem:s2] =	stream.indirect.scatter.add.bf16 @!p0 [tilespmem:s30], [sflag:$0x3], $0x40, s1, s0, $0xb8;
	[tilespmem:$0x1CF00] =	vst v63  }
0x93: {  	s1 =	simm.s32 @!p0 $0x3  }
0x94: {  	_ =	swait.ge @!p0 [sflag:s1], $0x2000  }
0x95: {  	[sflag:s1] =	ssyncset.done @!p0 $0x0  }
0x96: {  	[sflag:s1] =	ssyncadd.s32 @!p0 $0xFFFFE000;
	s1 =	simm.s32 @!p0 $0x1  }
0x97: {  	_ =	swait.ge @!p0 [sflag:s1], $0x2000  }
0x98: {  	[sflag:s1] =	ssyncset.done @!p0 $0x0  }
0x99: {  	[sflag:s1] =	ssyncadd.s32 @!p0 $0xFFFFE000;
	s1 =	simm.s32 @!p0 $0x4E80  }
0x9a: {  	[spmem:s2] =	stream.indirect.scatter.add.bf16 @!p0 [tilespmem:s18], [sflag:$0x3], $0x40, s1, s0, $0xb8;
	[tilespmem:$0x1CF00] =	vst v63  }
0x9b: {  	_ =	swait.ge [sflag:s17], $0x2000  }
0x9c: {  	s28 =	sadd.s32 $0x1, s28;
	[sflag:s17] =	ssyncset.done $0x0  }
0x9d: {  	p1 =	sne.s32 s28, s16;
	[sflag:s17] =	ssyncadd.s32 $0xFFFFE000  }
.Ltmp2:
0x9e: {  	s31 =	sshrl.u32 s9, $0x3;
	[bflag:$0x0] =	sbarrier.arrive $0xFFFF;
	(pc) =	sbr.rel @p1 .LBB2_1-.Ltmp2, $4  }
0x9f: {  	[hbm:s15], [sflag:s29] =	dma.local [spmem:s31], $0x1400  }
0xa0: {  	_ =	swait.ge [sflag:s17], $0x1400  }
0xa1: {  	[sflag:s17] =	ssyncset.done $0x0  }
0xa2: {  	[sflag:s17] =	ssyncadd.s32 $0xFFFFEC00  }
0xa3: {  	_ =	sfence.sel $0x180000  }
0xa4: {  	[bflag:$0x0] =	sbarrier.arrive $0xFFFF  }
0xa5: {  	_ =	strace $0x90000047  }
0xa6: {  	s0 =	stileid.u32;
	[bflag:$0x2] =	sbarrier.arrive $0xFFFF  }
0xa7: {  	p0 =	sne.s32 s0, $0x0;
	s0 =	rddreg [dreg:$0x3]  }
0xa8: {  	s0 =	sadd.s32 @!p0 $0x100000, s0  }
0xa9: {  	[sflag:s0] =	ssyncadd.tile.s32 @!p0 $0x1;
	_ =	shalt  }
.Lfunc_end2:
_tile_overlayer_lowered:
.L_overlay_start_2:
0xaa: {  	(tag) =	ssettag $0x2  }
0xab: {  	s0 =	rddreg [dreg:$0x0];
	s2 =	stileid.u32  }
0xac: {  	s1 =	rddreg [dreg:$0x1];
	p0 =	sne.s32 s2, $0x0  }
0xad: {  	s3 =	rddreg [dreg:$0x2];
	[bflag:$0x3] =	sbarrier.arrive $0xFFFF;
	s2 =	simm.s32 @!p0 $0x1C03  }
0xae: {  	[timem:s3], [sflag:s2] =	dma.local @!p0 [hbm:s0], s1  }
0xaf: {  	s0 =	simm.s32 @!p0 $0x3  }
0xb0: {  	_ =	swait.ge @!p0 [sflag:s0], s1  }
0xb1: {  	s1 =	ssub.s32 @!p0 $0x0, s1;
	[sflag:s0] =	ssyncset.done @!p0 $0x0  }
0xb2: {  	[sflag:s0] =	ssyncadd.s32 @!p0 s1  }
0xb3: {  	[bflag:$0x3] =	sbarrier.arrive $0xFFFF  }
0xb4: {  	_ =	shalt  }

</sc_bundles>
